<compile_context>
chip_gen: v7x
topology: tpu7x:2x2x1
jax: 0.10.2.dev20260603
libtpu: 0.0.44.dev20260713+nightly
codegen_flags: <defaults>
</compile_context>

<pallas_src>
import jax
import jax.numpy as jnp
from jax import lax
from jax.experimental import pallas as pl
from jax.experimental.pallas import tpu as pltpu
from jax.experimental.pallas import tpu_sc as plsc

NS, NT, D, DT, K = 10000, 4096, 64, 256, 16
PAD = 128
NW = 32
TPW = NT // NW
CT = 16
NCHUNK = TPW // CT
ROWS = CT * K
EPW = TPW * K


def _dense_body(sft, tf, w1, b1, ws, bs, wl, bl, sup, tt):
    f32 = jnp.float32
    zsrc = jnp.zeros((D, PAD - D - 1), f32)
    wsrc = jnp.concatenate([w1[0:D, :], ws[...], zsrc], axis=1)
    sup[...] = lax.dot_general(sft[...], wsrc, (((0,), (0,)), ((), ())),
                               preferred_element_type=f32)
    ztgt = jnp.zeros((DT, PAD - D - 1), f32)
    wtgt = jnp.concatenate([-w1[D:D + DT, :], wl[...], ztgt], axis=1)
    bias = jnp.concatenate([-b1[...], bl[...] + bs[...],
                            jnp.zeros((PAD - D - 1,), f32)])
    tt[...] = jnp.dot(tf[...], wtgt, preferred_element_type=f32) + bias


def _edge_body(sup_hbm, tt_hbm, edge_hbm, w2_hbm, out_hbm,
               idx_v, gbuf_a, gbuf_b, tt_v, w2_v, out_v, sem_a, sem_b):
    w = lax.axis_index("s") * 2 + lax.axis_index("c")
    pltpu.sync_copy(edge_hbm.at[pl.ds(w * EPW, EPW)], idx_v)
    pltpu.sync_copy(tt_hbm.at[pl.ds(w * TPW, TPW)], tt_v)
    pltpu.sync_copy(w2_hbm, w2_v)
    lane = lax.iota(jnp.int32, 16)
    nd = D // 16
    w2v = [w2_v[pl.ds(i * 16, 16)] for i in range(nd)]

    def issue(c, gbuf, sem):
        pltpu.async_copy(
            sup_hbm.at[idx_v.at[pl.ds(c * ROWS, 128)]],
            gbuf.at[pl.ds(0, 128)], sem)
        pltpu.async_copy(
            sup_hbm.at[idx_v.at[pl.ds(c * ROWS + 128, 128)]],
            gbuf.at[pl.ds(128, 128)], sem)

    def wait(gbuf, sem):
        pltpu.make_async_copy(sup_hbm.at[idx_v.at[pl.ds(0, 128)]],
                              gbuf.at[pl.ds(0, 128)], sem).wait()
        pltpu.make_async_copy(sup_hbm.at[idx_v.at[pl.ds(0, 128)]],
                              gbuf.at[pl.ds(128, 128)], sem).wait()

    def compute(c, gbuf):
        tpb_vec = plsc.load_gather(tt_v, [c * CT + lane,
                                          jnp.full((16,), D, jnp.int32)])

        def tgt_body(t, carry2):
            num_acc, den_acc = carry2
            ct = c * CT + t
            ttv = [tt_v[ct, pl.ds(i * 16, 16)] for i in range(nd)]
            score = jnp.zeros((16,), jnp.float32)
            for k in range(K):
                row = t * K + k
                p = (jnp.maximum(gbuf[row, pl.ds(0, 16)], ttv[0]) * w2v[0]
                     + jnp.maximum(gbuf[row, pl.ds(16, 16)], ttv[1]) * w2v[1]
                     + jnp.maximum(gbuf[row, pl.ds(32, 16)], ttv[2]) * w2v[2]
                     + jnp.maximum(gbuf[row, pl.ds(48, 16)], ttv[3]) * w2v[3])
                score = jnp.where(lane == k, jnp.sum(p), score)
            e = jnp.exp(score)
            rows = t * K + lane
            spg = plsc.load_gather(gbuf, [rows, jnp.full((16,), D, jnp.int32)])
            num = jnp.sum(e * spg)
            den = jnp.sum(e)
            return (jnp.where(lane == t, num, num_acc),
                    jnp.where(lane == t, den, den_acc))

        zero16 = jnp.zeros((16,), jnp.float32)
        num_vec, den_vec = lax.fori_loop(0, CT, tgt_body,
                                         (zero16, jnp.ones((16,), jnp.float32)))
        out_v[pl.ds(c * CT, CT)] = tpb_vec + num_vec / den_vec

    issue(0, gbuf_a, sem_a)

    def pair_body(cp, carry):
        c0 = 2 * cp
        issue(c0 + 1, gbuf_b, sem_b)
        wait(gbuf_a, sem_a)
        compute(c0, gbuf_a)

        @pl.when(cp < NCHUNK // 2 - 1)
        def _():
            issue(c0 + 2, gbuf_a, sem_a)

        wait(gbuf_b, sem_b)
        compute(c0 + 1, gbuf_b)
        return carry

    lax.fori_loop(0, NCHUNK // 2, pair_body, 0)
    pltpu.sync_copy(out_v, out_hbm.at[pl.ds(w * TPW, TPW)])


def kernel(source_feat, target_feat, edge_src, W1, b1, W2, b2, Ws, bs, Wl, bl):
    f32 = jnp.float32
    sup, tt = pl.pallas_call(
        _dense_body,
        out_shape=(
            jax.ShapeDtypeStruct((NS, PAD), f32),
            jax.ShapeDtypeStruct((NT, PAD), f32),
        ),
    )(source_feat.T, target_feat, W1, b1, Ws, bs, Wl, bl)

    mesh = plsc.VectorSubcoreMesh(core_axis_name="c", subcore_axis_name="s")
    edge_fn = pl.kernel(
        _edge_body,
        out_type=jax.ShapeDtypeStruct((NT,), f32),
        mesh=mesh,
        compiler_params=pltpu.CompilerParams(needs_layout_passes=False),
        scratch_types=[
            pltpu.VMEM((EPW,), jnp.int32),
            pltpu.VMEM((ROWS, PAD), f32),
            pltpu.VMEM((ROWS, PAD), f32),
            pltpu.VMEM((TPW, PAD), f32),
            pltpu.VMEM((D,), f32),
            pltpu.VMEM((TPW,), f32),
            pltpu.SemaphoreType.DMA,
            pltpu.SemaphoreType.DMA,
        ],
    )
    return edge_fn(
        sup,
        tt,
        edge_src.reshape(NT * K),
        W2.reshape(D),
    )

# --- scband reference (transcript-rebuilt; emitter-appended) ---
"""Pipeline reference for scband-cross-gtpnet-17463337025772 (READ-ONLY COPY).

The authoritative reference and input builder live on the scoring server;
editing this copy changes nothing except your own understanding.
"""

import jax, jax.numpy as jnp
import numpy as np

NS, NT, D, DT, K = 10000, 4096, 64, 256, 16

def setup_inputs(seed: int = 0) -> dict:
    key = jax.random.key(seed)
    ks = jax.random.split(key, 12)
    source_feat = jax.random.normal(ks[0], (NS, D), jnp.float32)
    target_feat = jax.random.normal(ks[1], (NT, DT), jnp.float32)
    # Replicate __init__: normalized embeddings -> cosine sim -> per-target top-k source neighbors
    src_emb = jax.random.normal(ks[2], (NS, D), jnp.float32)
    tgt_emb = jax.random.normal(ks[3], (NT, D), jnp.float32)
    src_emb = src_emb / jnp.sqrt(1e-05 + (src_emb ** 2).sum(1, keepdims=True))
    tgt_emb = tgt_emb / jnp.sqrt(1e-05 + (tgt_emb ** 2).sum(1, keepdims=True))
    cossim = src_emb @ tgt_emb.T  # [NS, NT]
    _, edge_src = jax.lax.top_k(cossim.T, K)  # [NT, K] source indices per target
    edge_src = edge_src.astype(jnp.int32)
    W1 = jax.random.normal(ks[4], (D + DT, 64), jnp.float32) * 0.05
    b1 = jnp.zeros((64,), jnp.float32)
    W2 = jax.random.normal(ks[5], (64, 1), jnp.float32) * 0.05
    b2 = jnp.zeros((1,), jnp.float32)
    Ws = jax.random.normal(ks[6], (D, 1), jnp.float32) * 0.05
    bs = jnp.zeros((1,), jnp.float32)
    Wl = jax.random.normal(ks[7], (DT, 1), jnp.float32) * 0.05
    bl = jnp.zeros((1,), jnp.float32)
    return {"source_feat": source_feat, "target_feat": target_feat, "edge_src": edge_src,
            "W1": W1, "b1": b1, "W2": W2, "b2": b2, "Ws": Ws, "bs": bs, "Wl": Wl, "bl": bl}

def reference(source_feat, target_feat, edge_src, W1, b1, W2, b2, Ws, bs, Wl, bl):
    # Gather top-k source node features per target node (memory-bound gather)
    gathered = jnp.take(source_feat, edge_src, axis=0)  # [NT, K, D]
    tf = jnp.broadcast_to(target_feat[:, None, :], (NT, K, DT))  # [NT, K, DT]
    e_in = jnp.concatenate([gathered, tf], axis=-1)  # [NT, K, 320] -> att_module input
    h = jax.nn.relu(e_in @ W1 + b1)
    scores = (h @ W2 + b2)[..., 0]  # [NT, K]
    a = jax.nn.softmax(scores, axis=-1)  # edge softmax over each target's neighborhood
    src_pred = (gathered @ Ws + bs)[..., 0]  # [NT, K] source_linear
    cross = (a * src_pred).sum(-1)  # [NT] attention-weighted cross-city aggregation
    tgt_pred = (target_feat @ Wl + bl)[..., 0]  # [NT] self.linear on target temporal feats
    return tgt_pred + cross

if __name__ == "__main__":
    import jax
    _d = setup_inputs()
    print(jax.jit(kernel)(*tuple(_d.values())))

</pallas_src>

<mosaic_0001>
#map = affine_map<(d0, d1) -> (0, 0)>
#map1 = affine_map<(d0, d1) -> (0)>
module attributes {stable_mosaic.version = 14 : i64} {
  func.func @_edge_body(%arg0: i32, %arg1: i32, %arg2: memref<10000x128xf32, #tpu.memory_space<hbm>>, %arg3: memref<4096x128xf32, #tpu.memory_space<hbm>>, %arg4: memref<65536xi32, #tpu.memory_space<hbm>>, %arg5: memref<64xf32, #tpu.memory_space<hbm>>, %arg6: memref<4096xf32, #tpu.memory_space<hbm>>, %arg7: memref<2048xi32, #tpu.memory_space<vmem>>, %arg8: memref<256x128xf32, #tpu.memory_space<vmem>>, %arg9: memref<256x128xf32, #tpu.memory_space<vmem>>, %arg10: memref<128x128xf32, #tpu.memory_space<vmem>>, %arg11: memref<64xf32, #tpu.memory_space<vmem>>, %arg12: memref<128xf32, #tpu.memory_space<vmem>>, %arg13: memref<!tpu.dma_semaphore, #tpu.memory_space<semaphore_mem>>, %arg14: memref<!tpu.dma_semaphore, #tpu.memory_space<semaphore_mem>>) attributes {dimension_semantics = [#tpu.dimension_semantics<core_parallel>, #tpu.dimension_semantics<subcore_parallel>], iteration_bounds = array<i64: 2, 16>, scalar_prefetch = 0 : i64, scratch_operands = 8 : i64, tpu.core_type = #tpu.core_type<sc_vector_subcore>, window_params = [{transform_indices = #map}, {transform_indices = #map}, {transform_indices = #map1}, {transform_indices = #map1}, {transform_indices = #map1}]} {
    %mul3A = arith.constant 2 : i32
    %mul3A_0 = arith.muli %arg1, %mul3A : i32
    %add3A = arith.addi %mul3A_0, %arg0 : i32
    %mul3A_1 = arith.constant 2048 : i32
    %mul3A_2 = arith.muli %add3A, %mul3A_1 : i32
    "tpu.region"() ({
      %run_scoped3A = tpu.sem_alloc : memref<!tpu.dma_semaphore, #tpu.memory_space<semaphore_mem>>
      %dma_start3A_34 = tpu.memref_slice %arg4[%mul3A_2] : memref<65536xi32, #tpu.memory_space<hbm>> -> memref<2048xi32, #tpu.memory_space<hbm>>
      %dma_start3A_35 = tpu.memref_slice %arg4[%mul3A_2] : memref<65536xi32, #tpu.memory_space<hbm>> -> memref<2048xi32, #tpu.memory_space<hbm>>
      tpu.enqueue_dma source(%dma_start3A_35 : memref<2048xi32, #tpu.memory_space<hbm>>) target(%arg7 : memref<2048xi32, #tpu.memory_space<vmem>>) target_semaphore(%run_scoped3A : memref<!tpu.dma_semaphore, #tpu.memory_space<semaphore_mem>>)
      %dma_wait3A = tpu.memref_slice %arg4[%mul3A_2] : memref<65536xi32, #tpu.memory_space<hbm>> -> memref<2048xi32, #tpu.memory_space<hbm>>
      %dma_wait3A_36 = tpu.memref_slice %arg4[%mul3A_2] : memref<65536xi32, #tpu.memory_space<hbm>> -> memref<2048xi32, #tpu.memory_space<hbm>>
      tpu.wait_dma2 semaphore(%run_scoped3A : memref<!tpu.dma_semaphore, #tpu.memory_space<semaphore_mem>>) src(%dma_wait3A_36 : memref<2048xi32, #tpu.memory_space<hbm>>) dst(%arg7 : memref<2048xi32, #tpu.memory_space<vmem>>)
      tpu.yield
    }) : () -> ()
    %mul3A_3 = arith.constant 128 : i32
    %mul3A_4 = arith.muli %add3A, %mul3A_3 : i32
    "tpu.region"() ({
      %run_scoped3A = tpu.sem_alloc : memref<!tpu.dma_semaphore, #tpu.memory_space<semaphore_mem>>
      %dma_start3A_34 = arith.constant 0 : i32
      %dma_start3A_35 = tpu.memref_slice %arg3[%mul3A_4, %dma_start3A_34] : memref<4096x128xf32, #tpu.memory_space<hbm>> -> memref<128x128xf32, #tpu.memory_space<hbm>>
      %dma_start3A_36 = arith.constant 0 : i32
      %dma_start3A_37 = tpu.memref_slice %arg3[%mul3A_4, %dma_start3A_36] : memref<4096x128xf32, #tpu.memory_space<hbm>> -> memref<128x128xf32, #tpu.memory_space<hbm>>
      tpu.enqueue_dma source(%dma_start3A_37 : memref<128x128xf32, #tpu.memory_space<hbm>>) target(%arg10 : memref<128x128xf32, #tpu.memory_space<vmem>>) target_semaphore(%run_scoped3A : memref<!tpu.dma_semaphore, #tpu.memory_space<semaphore_mem>>)
      %dma_wait3A = arith.constant 0 : i32
      %dma_wait3A_38 = tpu.memref_slice %arg3[%mul3A_4, %dma_wait3A] : memref<4096x128xf32, #tpu.memory_space<hbm>> -> memref<128x128xf32, #tpu.memory_space<hbm>>
      %dma_wait3A_39 = arith.constant 0 : i32
      %dma_wait3A_40 = tpu.memref_slice %arg3[%mul3A_4, %dma_wait3A_39] : memref<4096x128xf32, #tpu.memory_space<hbm>> -> memref<128x128xf32, #tpu.memory_space<hbm>>
      tpu.wait_dma2 semaphore(%run_scoped3A : memref<!tpu.dma_semaphore, #tpu.memory_space<semaphore_mem>>) src(%dma_wait3A_40 : memref<128x128xf32, #tpu.memory_space<hbm>>) dst(%arg10 : memref<128x128xf32, #tpu.memory_space<vmem>>)
      tpu.yield
    }) : () -> ()
    "tpu.region"() ({
      %run_scoped3A = tpu.sem_alloc : memref<!tpu.dma_semaphore, #tpu.memory_space<semaphore_mem>>
      tpu.enqueue_dma source(%arg5 : memref<64xf32, #tpu.memory_space<hbm>>) target(%arg11 : memref<64xf32, #tpu.memory_space<vmem>>) target_semaphore(%run_scoped3A : memref<!tpu.dma_semaphore, #tpu.memory_space<semaphore_mem>>)
      tpu.wait_dma2 semaphore(%run_scoped3A : memref<!tpu.dma_semaphore, #tpu.memory_space<semaphore_mem>>) src(%arg5 : memref<64xf32, #tpu.memory_space<hbm>>) dst(%arg11 : memref<64xf32, #tpu.memory_space<vmem>>)
      tpu.yield
    }) : () -> ()
    %iota3A = tpu.iota {dimensions = array<i32: 0>} : vector<16xi32>
    %get3A = arith.constant 0 : index
    %get3A_5 = tpu.vector_load %arg11[%get3A] {strides = array<i32>} : memref<64xf32, #tpu.memory_space<vmem>>, vector<16xf32>,
    %get3A_6 = arith.constant 16 : index
    %get3A_7 = tpu.vector_load %arg11[%get3A_6] {strides = array<i32>} : memref<64xf32, #tpu.memory_space<vmem>>, vector<16xf32>,
    %get3A_8 = arith.constant 32 : index
    %get3A_9 = tpu.vector_load %arg11[%get3A_8] {strides = array<i32>} : memref<64xf32, #tpu.memory_space<vmem>>, vector<16xf32>,
    %get3A_10 = arith.constant 48 : index
    %get3A_11 = tpu.vector_load %arg11[%get3A_10] {strides = array<i32>} : memref<64xf32, #tpu.memory_space<vmem>>, vector<16xf32>,
    %dma_start3A = arith.constant 0 : i32
    %dma_start3A_12 = arith.constant 0 : i32
    %dma_start3A_13 = tpu.memref_slice %arg8[%dma_start3A, %dma_start3A_12] : memref<256x128xf32, #tpu.memory_space<vmem>> -> memref<128x128xf32, #tpu.memory_space<vmem>>
    %dma_start3A_14 = arith.constant 0 : i32
    %dma_start3A_15 = tpu.memref_slice %arg7[%dma_start3A_14] : memref<2048xi32, #tpu.memory_space<vmem>> -> memref<128xi32, #tpu.memory_space<vmem>>
    %dma_start3A_16 = arith.constant 0 : i32
    %dma_start3A_17 = arith.constant 0 : i32
    %dma_start3A_18 = tpu.memref_slice %arg2[%dma_start3A_16, %dma_start3A_17] : memref<10000x128xf32, #tpu.memory_space<hbm>> -> memref<10000x128xf32, #tpu.memory_space<hbm>>
    tpu.enqueue_indirect_dma source(%dma_start3A_18 : memref<10000x128xf32, #tpu.memory_space<hbm>>) target(%dma_start3A_13 : memref<128x128xf32, #tpu.memory_space<vmem>>) offsets(%dma_start3A_15 : memref<128xi32, #tpu.memory_space<vmem>>) semaphore(%arg13 : memref<!tpu.dma_semaphore, #tpu.memory_space<semaphore_mem>>)
    %dma_start3A_19 = arith.constant 128 : i32
    %dma_start3A_20 = arith.constant 0 : i32
    %dma_start3A_21 = tpu.memref_slice %arg8[%dma_start3A_19, %dma_start3A_20] : memref<256x128xf32, #tpu.memory_space<vmem>> -> memref<128x128xf32, #tpu.memory_space<vmem>>
    %dma_start3A_22 = arith.constant 128 : i32
    %dma_start3A_23 = tpu.memref_slice %arg7[%dma_start3A_22] : memref<2048xi32, #tpu.memory_space<vmem>> -> memref<128xi32, #tpu.memory_space<vmem>>
    %dma_start3A_24 = arith.constant 0 : i32
    %dma_start3A_25 = arith.constant 0 : i32
    %dma_start3A_26 = tpu.memref_slice %arg2[%dma_start3A_24, %dma_start3A_25] : memref<10000x128xf32, #tpu.memory_space<hbm>> -> memref<10000x128xf32, #tpu.memory_space<hbm>>
    tpu.enqueue_indirect_dma source(%dma_start3A_26 : memref<10000x128xf32, #tpu.memory_space<hbm>>) target(%dma_start3A_21 : memref<128x128xf32, #tpu.memory_space<vmem>>) offsets(%dma_start3A_23 : memref<128xi32, #tpu.memory_space<vmem>>) semaphore(%arg13 : memref<!tpu.dma_semaphore, #tpu.memory_space<semaphore_mem>>)
    %scan3A = arith.constant 0 : i32
    %scan3A_27 = arith.constant 0 : i32
    %scan3A_28 = arith.constant 4 : i32
    %scan3A_29 = arith.addi %scan3A_27, %scan3A_28 : i32
    %scan3A_30 = arith.constant 1 : i32
    scf.for %scan3A_34 = %scan3A_27 to %scan3A_29 step %scan3A_30  : i32 {
      %mul3A_35 = arith.constant 2 : i32
      %mul3A_36 = arith.muli %mul3A_35, %scan3A_34 : i32
      %add3A_37 = arith.constant 1 : i32
      %add3A_38 = arith.addi %mul3A_36, %add3A_37 : i32
      %mul3A_39 = arith.constant 256 : i32
      %mul3A_40 = arith.muli %add3A_38, %mul3A_39 : i32
      %dma_start3A_41 = arith.constant 0 : i32
      %dma_start3A_42 = arith.constant 0 : i32
      %dma_start3A_43 = tpu.memref_slice %arg9[%dma_start3A_41, %dma_start3A_42] : memref<256x128xf32, #tpu.memory_space<vmem>> -> memref<128x128xf32, #tpu.memory_space<vmem>>
      %dma_start3A_44 = tpu.memref_slice %arg7[%mul3A_40] : memref<2048xi32, #tpu.memory_space<vmem>> -> memref<128xi32, #tpu.memory_space<vmem>>
      %dma_start3A_45 = arith.constant 0 : i32
      %dma_start3A_46 = arith.constant 0 : i32
      %dma_start3A_47 = tpu.memref_slice %arg2[%dma_start3A_45, %dma_start3A_46] : memref<10000x128xf32, #tpu.memory_space<hbm>> -> memref<10000x128xf32, #tpu.memory_space<hbm>>
      tpu.enqueue_indirect_dma source(%dma_start3A_47 : memref<10000x128xf32, #tpu.memory_space<hbm>>) target(%dma_start3A_43 : memref<128x128xf32, #tpu.memory_space<vmem>>) offsets(%dma_start3A_44 : memref<128xi32, #tpu.memory_space<vmem>>) semaphore(%arg14 : memref<!tpu.dma_semaphore, #tpu.memory_space<semaphore_mem>>)
      %mul3A_48 = arith.constant 256 : i32
      %mul3A_49 = arith.muli %add3A_38, %mul3A_48 : i32
      %add3A_50 = arith.constant 128 : i32
      %add3A_51 = arith.addi %mul3A_49, %add3A_50 : i32
      %dma_start3A_52 = arith.constant 128 : i32
      %dma_start3A_53 = arith.constant 0 : i32
      %dma_start3A_54 = tpu.memref_slice %arg9[%dma_start3A_52, %dma_start3A_53] : memref<256x128xf32, #tpu.memory_space<vmem>> -> memref<128x128xf32, #tpu.memory_space<vmem>>
      %dma_start3A_55 = tpu.memref_slice %arg7[%add3A_51] : memref<2048xi32, #tpu.memory_space<vmem>> -> memref<128xi32, #tpu.memory_space<vmem>>
      %dma_start3A_56 = arith.constant 0 : i32
      %dma_start3A_57 = arith.constant 0 : i32
      %dma_start3A_58 = tpu.memref_slice %arg2[%dma_start3A_56, %dma_start3A_57] : memref<10000x128xf32, #tpu.memory_space<hbm>> -> memref<10000x128xf32, #tpu.memory_space<hbm>>
      tpu.enqueue_indirect_dma source(%dma_start3A_58 : memref<10000x128xf32, #tpu.memory_space<hbm>>) target(%dma_start3A_54 : memref<128x128xf32, #tpu.memory_space<vmem>>) offsets(%dma_start3A_55 : memref<128xi32, #tpu.memory_space<vmem>>) semaphore(%arg14 : memref<!tpu.dma_semaphore, #tpu.memory_space<semaphore_mem>>)
      %dma_wait3A = arith.constant 0 : i32
      %dma_wait3A_59 = arith.constant 0 : i32
      %dma_wait3A_60 = tpu.memref_slice %arg8[%dma_wait3A, %dma_wait3A_59] : memref<256x128xf32, #tpu.memory_space<vmem>> -> memref<128x128xf32, #tpu.memory_space<vmem>>
      %dma_wait3A_61 = arith.constant 0 : i32
      %dma_wait3A_62 = tpu.memref_slice %arg7[%dma_wait3A_61] : memref<2048xi32, #tpu.memory_space<vmem>> -> memref<128xi32, #tpu.memory_space<vmem>>
      %dma_wait3A_63 = arith.constant 0 : i32
      %dma_wait3A_64 = arith.constant 0 : i32
      %dma_wait3A_65 = tpu.memref_slice %arg2[%dma_wait3A_63, %dma_wait3A_64] : memref<10000x128xf32, #tpu.memory_space<hbm>> -> memref<10000x128xf32, #tpu.memory_space<hbm>>
      tpu.wait_indirect_dma semaphore(%arg13 : memref<!tpu.dma_semaphore, #tpu.memory_space<semaphore_mem>>) src(%dma_wait3A_65 : memref<10000x128xf32, #tpu.memory_space<hbm>>) dst(%dma_wait3A_60 : memref<128x128xf32, #tpu.memory_space<vmem>>)
      %dma_wait3A_66 = arith.constant 128 : i32
      %dma_wait3A_67 = arith.constant 0 : i32
      %dma_wait3A_68 = tpu.memref_slice %arg8[%dma_wait3A_66, %dma_wait3A_67] : memref<256x128xf32, #tpu.memory_space<vmem>> -> memref<128x128xf32, #tpu.memory_space<vmem>>
      %dma_wait3A_69 = arith.constant 0 : i32
      %dma_wait3A_70 = tpu.memref_slice %arg7[%dma_wait3A_69] : memref<2048xi32, #tpu.memory_space<vmem>> -> memref<128xi32, #tpu.memory_space<vmem>>
      %dma_wait3A_71 = arith.constant 0 : i32
      %dma_wait3A_72 = arith.constant 0 : i32
      %dma_wait3A_73 = tpu.memref_slice %arg2[%dma_wait3A_71, %dma_wait3A_72] : memref<10000x128xf32, #tpu.memory_space<hbm>> -> memref<10000x128xf32, #tpu.memory_space<hbm>>
      tpu.wait_indirect_dma semaphore(%arg13 : memref<!tpu.dma_semaphore, #tpu.memory_space<semaphore_mem>>) src(%dma_wait3A_73 : memref<10000x128xf32, #tpu.memory_space<hbm>>) dst(%dma_wait3A_68 : memref<128x128xf32, #tpu.memory_space<vmem>>)
      %mul3A_74 = arith.constant 16 : i32
      %mul3A_75 = arith.muli %mul3A_36, %mul3A_74 : i32
      %add3A_76 = vector.broadcast %mul3A_75 : i32 to vector<16xi32>
      %add3A_77 = arith.addi %add3A_76, %iota3A : vector<16xi32>
      %broadcast_in_dim3A = arith.constant 64 : i32
      %broadcast_in_dim3A_78 = vector.broadcast %broadcast_in_dim3A : i32 to vector<16xi32>
      %gather3A = tpu.vector_load_idx %arg10[%add3A_77, %broadcast_in_dim3A_78] : memref<128x128xf32, #tpu.memory_space<vmem>>[vector<16xi32>, vector<16xi32>], vector<16xf32>,
      %broadcast_in_dim3A_79 = arith.constant 0.000000e+00 : f32
      %broadcast_in_dim3A_80 = vector.broadcast %broadcast_in_dim3A_79 : f32 to vector<16xf32>
      %broadcast_in_dim3A_81 = arith.constant 1.000000e+00 : f32
      %broadcast_in_dim3A_82 = vector.broadcast %broadcast_in_dim3A_81 : f32 to vector<16xf32>
      %scan3A_83 = arith.constant 0 : i32
      %scan3A_84 = arith.constant 16 : i32
      %scan3A_85 = arith.addi %scan3A_83, %scan3A_84 : i32
      %scan3A_86 = arith.constant 1 : i32
      %scan3A_87:2 = scf.for %scan3A_136 = %scan3A_83 to %scan3A_85 step %scan3A_86 iter_args(%scan3A_137 = %broadcast_in_dim3A_80, %scan3A_138 = %broadcast_in_dim3A_82) -> (vector<16xf32>, vector<16xf32>)  : i32 {
        %mul3A_139 = arith.constant 16 : i32
        %mul3A_140 = arith.muli %mul3A_36, %mul3A_139 : i32
        %add3A_141 = arith.addi %mul3A_140, %scan3A_136 : i32
        %get3A_142 = arith.index_cast %add3A_141 : i32 to index
        %get3A_143 = arith.constant 0 : index
        %get3A_144 = tpu.vector_load %arg10[%get3A_142, %get3A_143] {strides = array<i32>} : memref<128x128xf32, #tpu.memory_space<vmem>>, vector<16xf32>,
        %get3A_145 = arith.index_cast %add3A_141 : i32 to index
        %get3A_146 = arith.constant 16 : index
        %get3A_147 = tpu.vector_load %arg10[%get3A_145, %get3A_146] {strides = array<i32>} : memref<128x128xf32, #tpu.memory_space<vmem>>, vector<16xf32>,
        %get3A_148 = arith.index_cast %add3A_141 : i32 to index
        %get3A_149 = arith.constant 32 : index
        %get3A_150 = tpu.vector_load %arg10[%get3A_148, %get3A_149] {strides = array<i32>} : memref<128x128xf32, #tpu.memory_space<vmem>>, vector<16xf32>,
        %get3A_151 = arith.index_cast %add3A_141 : i32 to index
        %get3A_152 = arith.constant 48 : index
        %get3A_153 = tpu.vector_load %arg10[%get3A_151, %get3A_152] {strides = array<i32>} : memref<128x128xf32, #tpu.memory_space<vmem>>, vector<16xf32>,
        %broadcast_in_dim3A_154 = arith.constant 0.000000e+00 : f32
        %broadcast_in_dim3A_155 = vector.broadcast %broadcast_in_dim3A_154 : f32 to vector<16xf32>
        %mul3A_156 = arith.constant 16 : i32
        %mul3A_157 = arith.muli %scan3A_136, %mul3A_156 : i32
        %add3A_158 = arith.constant 0 : i32
        %add3A_159 = arith.addi %mul3A_157, %add3A_158 : i32
        %get3A_160 = arith.index_cast %add3A_159 : i32 to index
        %get3A_161 = arith.constant 0 : index
        %get3A_162 = tpu.vector_load %arg8[%get3A_160, %get3A_161] {strides = array<i32>} : memref<256x128xf32, #tpu.memory_space<vmem>>, vector<16xf32>,
        %max3A = arith.maximumf %get3A_162, %get3A_144 : vector<16xf32>
        %mul3A_163 = arith.mulf %max3A, %get3A_5 : vector<16xf32>
        %get3A_164 = arith.index_cast %add3A_159 : i32 to index
        %get3A_165 = arith.constant 16 : index
        %get3A_166 = tpu.vector_load %arg8[%get3A_164, %get3A_165] {strides = array<i32>} : memref<256x128xf32, #tpu.memory_space<vmem>>, vector<16xf32>,
        %max3A_167 = arith.maximumf %get3A_166, %get3A_147 : vector<16xf32>
        %mul3A_168 = arith.mulf %max3A_167, %get3A_7 : vector<16xf32>
        %add3A_169 = arith.addf %mul3A_163, %mul3A_168 : vector<16xf32>
        %get3A_170 = arith.index_cast %add3A_159 : i32 to index
        %get3A_171 = arith.constant 32 : index
        %get3A_172 = tpu.vector_load %arg8[%get3A_170, %get3A_171] {strides = array<i32>} : memref<256x128xf32, #tpu.memory_space<vmem>>, vector<16xf32>,
        %max3A_173 = arith.maximumf %get3A_172, %get3A_150 : vector<16xf32>
        %mul3A_174 = arith.mulf %max3A_173, %get3A_9 : vector<16xf32>
        %add3A_175 = arith.addf %add3A_169, %mul3A_174 : vector<16xf32>
        %get3A_176 = arith.index_cast %add3A_159 : i32 to index
        %get3A_177 = arith.constant 48 : index
        %get3A_178 = tpu.vector_load %arg8[%get3A_176, %get3A_177] {strides = array<i32>} : memref<256x128xf32, #tpu.memory_space<vmem>>, vector<16xf32>,
        %max3A_179 = arith.maximumf %get3A_178, %get3A_153 : vector<16xf32>
        %mul3A_180 = arith.mulf %max3A_179, %get3A_11 : vector<16xf32>
        %add3A_181 = arith.addf %add3A_175, %mul3A_180 : vector<16xf32>
        %eq3A = arith.constant 0 : i32
        %eq3A_182 = vector.broadcast %eq3A : i32 to vector<16xi32>
        %eq3A_183 = arith.cmpi eq, %iota3A, %eq3A_182 : vector<16xi32>
        %reduce_sum3A = arith.constant true
        %reduce_sum3A_184 = vector.broadcast %reduce_sum3A : i1 to vector<16xi1>
        %reduce_sum3A_185 = tpu.scan <sum>, %add3A_181 masked %reduce_sum3A_184 : vector<16xf32>, vector<16xi1> -> vector<16xf32>
        %reduce_sum3A_186 = vector.extract %reduce_sum3A_185[15] : f32 from vector<16xf32>
        %broadcast_in_dim3A_187 = vector.broadcast %reduce_sum3A_186 : f32 to vector<16xf32>
        %select_n3A = arith.select %eq3A_183, %broadcast_in_dim3A_187, %broadcast_in_dim3A_155 : vector<16xi1>, vector<16xf32>
        %mul3A_188 = arith.constant 16 : i32
        %mul3A_189 = arith.muli %scan3A_136, %mul3A_188 : i32
        %add3A_190 = arith.constant 1 : i32
        %add3A_191 = arith.addi %mul3A_189, %add3A_190 : i32
        %get3A_192 = arith.index_cast %add3A_191 : i32 to index
        %get3A_193 = arith.constant 0 : index
        %get3A_194 = tpu.vector_load %arg8[%get3A_192, %get3A_193] {strides = array<i32>} : memref<256x128xf32, #tpu.memory_space<vmem>>, vector<16xf32>,
        %max3A_195 = arith.maximumf %get3A_194, %get3A_144 : vector<16xf32>
        %mul3A_196 = arith.mulf %max3A_195, %get3A_5 : vector<16xf32>
        %get3A_197 = arith.index_cast %add3A_191 : i32 to index
        %get3A_198 = arith.constant 16 : index
        %get3A_199 = tpu.vector_load %arg8[%get3A_197, %get3A_198] {strides = array<i32>} : memref<256x128xf32, #tpu.memory_space<vmem>>, vector<16xf32>,
        %max3A_200 = arith.maximumf %get3A_199, %get3A_147 : vector<16xf32>
        %mul3A_201 = arith.mulf %max3A_200, %get3A_7 : vector<16xf32>
        %add3A_202 = arith.addf %mul3A_196, %mul3A_201 : vector<16xf32>
        %get3A_203 = arith.index_cast %add3A_191 : i32 to index
        %get3A_204 = arith.constant 32 : index
        %get3A_205 = tpu.vector_load %arg8[%get3A_203, %get3A_204] {strides = array<i32>} : memref<256x128xf32, #tpu.memory_space<vmem>>, vector<16xf32>,
        %max3A_206 = arith.maximumf %get3A_205, %get3A_150 : vector<16xf32>
        %mul3A_207 = arith.mulf %max3A_206, %get3A_9 : vector<16xf32>
        %add3A_208 = arith.addf %add3A_202, %mul3A_207 : vector<16xf32>
        %get3A_209 = arith.index_cast %add3A_191 : i32 to index
        %get3A_210 = arith.constant 48 : index
        %get3A_211 = tpu.vector_load %arg8[%get3A_209, %get3A_210] {strides = array<i32>} : memref<256x128xf32, #tpu.memory_space<vmem>>, vector<16xf32>,
        %max3A_212 = arith.maximumf %get3A_211, %get3A_153 : vector<16xf32>
        %mul3A_213 = arith.mulf %max3A_212, %get3A_11 : vector<16xf32>
        %add3A_214 = arith.addf %add3A_208, %mul3A_213 : vector<16xf32>
        %eq3A_215 = arith.constant 1 : i32
        %eq3A_216 = vector.broadcast %eq3A_215 : i32 to vector<16xi32>
        %eq3A_217 = arith.cmpi eq, %iota3A, %eq3A_216 : vector<16xi32>
        %reduce_sum3A_218 = arith.constant true
        %reduce_sum3A_219 = vector.broadcast %reduce_sum3A_218 : i1 to vector<16xi1>
        %reduce_sum3A_220 = tpu.scan <sum>, %add3A_214 masked %reduce_sum3A_219 : vector<16xf32>, vector<16xi1> -> vector<16xf32>
        %reduce_sum3A_221 = vector.extract %reduce_sum3A_220[15] : f32 from vector<16xf32>
        %broadcast_in_dim3A_222 = vector.broadcast %reduce_sum3A_221 : f32 to vector<16xf32>
        %select_n3A_223 = arith.select %eq3A_217, %broadcast_in_dim3A_222, %select_n3A : vector<16xi1>, vector<16xf32>
        %mul3A_224 = arith.constant 16 : i32
        %mul3A_225 = arith.muli %scan3A_136, %mul3A_224 : i32
        %add3A_226 = arith.constant 2 : i32
        %add3A_227 = arith.addi %mul3A_225, %add3A_226 : i32
        %get3A_228 = arith.index_cast %add3A_227 : i32 to index
        %get3A_229 = arith.constant 0 : index
        %get3A_230 = tpu.vector_load %arg8[%get3A_228, %get3A_229] {strides = array<i32>} : memref<256x128xf32, #tpu.memory_space<vmem>>, vector<16xf32>,
        %max3A_231 = arith.maximumf %get3A_230, %get3A_144 : vector<16xf32>
        %mul3A_232 = arith.mulf %max3A_231, %get3A_5 : vector<16xf32>
        %get3A_233 = arith.index_cast %add3A_227 : i32 to index
        %get3A_234 = arith.constant 16 : index
        %get3A_235 = tpu.vector_load %arg8[%get3A_233, %get3A_234] {strides = array<i32>} : memref<256x128xf32, #tpu.memory_space<vmem>>, vector<16xf32>,
        %max3A_236 = arith.maximumf %get3A_235, %get3A_147 : vector<16xf32>
        %mul3A_237 = arith.mulf %max3A_236, %get3A_7 : vector<16xf32>
        %add3A_238 = arith.addf %mul3A_232, %mul3A_237 : vector<16xf32>
        %get3A_239 = arith.index_cast %add3A_227 : i32 to index
        %get3A_240 = arith.constant 32 : index
        %get3A_241 = tpu.vector_load %arg8[%get3A_239, %get3A_240] {strides = array<i32>} : memref<256x128xf32, #tpu.memory_space<vmem>>, vector<16xf32>,
        %max3A_242 = arith.maximumf %get3A_241, %get3A_150 : vector<16xf32>
        %mul3A_243 = arith.mulf %max3A_242, %get3A_9 : vector<16xf32>
        %add3A_244 = arith.addf %add3A_238, %mul3A_243 : vector<16xf32>
        %get3A_245 = arith.index_cast %add3A_227 : i32 to index
        %get3A_246 = arith.constant 48 : index
        %get3A_247 = tpu.vector_load %arg8[%get3A_245, %get3A_246] {strides = array<i32>} : memref<256x128xf32, #tpu.memory_space<vmem>>, vector<16xf32>,
        %max3A_248 = arith.maximumf %get3A_247, %get3A_153 : vector<16xf32>
        %mul3A_249 = arith.mulf %max3A_248, %get3A_11 : vector<16xf32>
        %add3A_250 = arith.addf %add3A_244, %mul3A_249 : vector<16xf32>
        %eq3A_251 = arith.constant 2 : i32
        %eq3A_252 = vector.broadcast %eq3A_251 : i32 to vector<16xi32>
        %eq3A_253 = arith.cmpi eq, %iota3A, %eq3A_252 : vector<16xi32>
        %reduce_sum3A_254 = arith.constant true
        %reduce_sum3A_255 = vector.broadcast %reduce_sum3A_254 : i1 to vector<16xi1>
        %reduce_sum3A_256 = tpu.scan <sum>, %add3A_250 masked %reduce_sum3A_255 : vector<16xf32>, vector<16xi1> -> vector<16xf32>
        %reduce_sum3A_257 = vector.extract %reduce_sum3A_256[15] : f32 from vector<16xf32>
        %broadcast_in_dim3A_258 = vector.broadcast %reduce_sum3A_257 : f32 to vector<16xf32>
        %select_n3A_259 = arith.select %eq3A_253, %broadcast_in_dim3A_258, %select_n3A_223 : vector<16xi1>, vector<16xf32>
        %mul3A_260 = arith.constant 16 : i32
        %mul3A_261 = arith.muli %scan3A_136, %mul3A_260 : i32
        %add3A_262 = arith.constant 3 : i32
        %add3A_263 = arith.addi %mul3A_261, %add3A_262 : i32
        %get3A_264 = arith.index_cast %add3A_263 : i32 to index
        %get3A_265 = arith.constant 0 : index
        %get3A_266 = tpu.vector_load %arg8[%get3A_264, %get3A_265] {strides = array<i32>} : memref<256x128xf32, #tpu.memory_space<vmem>>, vector<16xf32>,
        %max3A_267 = arith.maximumf %get3A_266, %get3A_144 : vector<16xf32>
        %mul3A_268 = arith.mulf %max3A_267, %get3A_5 : vector<16xf32>
        %get3A_269 = arith.index_cast %add3A_263 : i32 to index
        %get3A_270 = arith.constant 16 : index
        %get3A_271 = tpu.vector_load %arg8[%get3A_269, %get3A_270] {strides = array<i32>} : memref<256x128xf32, #tpu.memory_space<vmem>>, vector<16xf32>,
        %max3A_272 = arith.maximumf %get3A_271, %get3A_147 : vector<16xf32>
        %mul3A_273 = arith.mulf %max3A_272, %get3A_7 : vector<16xf32>
        %add3A_274 = arith.addf %mul3A_268, %mul3A_273 : vector<16xf32>
        %get3A_275 = arith.index_cast %add3A_263 : i32 to index
        %get3A_276 = arith.constant 32 : index
        %get3A_277 = tpu.vector_load %arg8[%get3A_275, %get3A_276] {strides = array<i32>} : memref<256x128xf32, #tpu.memory_space<vmem>>, vector<16xf32>,
        %max3A_278 = arith.maximumf %get3A_277, %get3A_150 : vector<16xf32>
        %mul3A_279 = arith.mulf %max3A_278, %get3A_9 : vector<16xf32>
        %add3A_280 = arith.addf %add3A_274, %mul3A_279 : vector<16xf32>
        %get3A_281 = arith.index_cast %add3A_263 : i32 to index
        %get3A_282 = arith.constant 48 : index
        %get3A_283 = tpu.vector_load %arg8[%get3A_281, %get3A_282] {strides = array<i32>} : memref<256x128xf32, #tpu.memory_space<vmem>>, vector<16xf32>,
        %max3A_284 = arith.maximumf %get3A_283, %get3A_153 : vector<16xf32>
        %mul3A_285 = arith.mulf %max3A_284, %get3A_11 : vector<16xf32>
        %add3A_286 = arith.addf %add3A_280, %mul3A_285 : vector<16xf32>
        %eq3A_287 = arith.constant 3 : i32
        %eq3A_288 = vector.broadcast %eq3A_287 : i32 to vector<16xi32>
        %eq3A_289 = arith.cmpi eq, %iota3A, %eq3A_288 : vector<16xi32>
        %reduce_sum3A_290 = arith.constant true
        %reduce_sum3A_291 = vector.broadcast %reduce_sum3A_290 : i1 to vector<16xi1>
        %reduce_sum3A_292 = tpu.scan <sum>, %add3A_286 masked %reduce_sum3A_291 : vector<16xf32>, vector<16xi1> -> vector<16xf32>
        %reduce_sum3A_293 = vector.extract %reduce_sum3A_292[15] : f32 from vector<16xf32>
        %broadcast_in_dim3A_294 = vector.broadcast %reduce_sum3A_293 : f32 to vector<16xf32>
        %select_n3A_295 = arith.select %eq3A_289, %broadcast_in_dim3A_294, %select_n3A_259 : vector<16xi1>, vector<16xf32>
        %mul3A_296 = arith.constant 16 : i32
        %mul3A_297 = arith.muli %scan3A_136, %mul3A_296 : i32
        %add3A_298 = arith.constant 4 : i32
        %add3A_299 = arith.addi %mul3A_297, %add3A_298 : i32
        %get3A_300 = arith.index_cast %add3A_299 : i32 to index
        %get3A_301 = arith.constant 0 : index
        %get3A_302 = tpu.vector_load %arg8[%get3A_300, %get3A_301] {strides = array<i32>} : memref<256x128xf32, #tpu.memory_space<vmem>>, vector<16xf32>,
        %max3A_303 = arith.maximumf %get3A_302, %get3A_144 : vector<16xf32>
        %mul3A_304 = arith.mulf %max3A_303, %get3A_5 : vector<16xf32>
        %get3A_305 = arith.index_cast %add3A_299 : i32 to index
        %get3A_306 = arith.constant 16 : index
        %get3A_307 = tpu.vector_load %arg8[%get3A_305, %get3A_306] {strides = array<i32>} : memref<256x128xf32, #tpu.memory_space<vmem>>, vector<16xf32>,
        %max3A_308 = arith.maximumf %get3A_307, %get3A_147 : vector<16xf32>
        %mul3A_309 = arith.mulf %max3A_308, %get3A_7 : vector<16xf32>
        %add3A_310 = arith.addf %mul3A_304, %mul3A_309 : vector<16xf32>
        %get3A_311 = arith.index_cast %add3A_299 : i32 to index
        %get3A_312 = arith.constant 32 : index
        %get3A_313 = tpu.vector_load %arg8[%get3A_311, %get3A_312] {strides = array<i32>} : memref<256x128xf32, #tpu.memory_space<vmem>>, vector<16xf32>,
        %max3A_314 = arith.maximumf %get3A_313, %get3A_150 : vector<16xf32>
        %mul3A_315 = arith.mulf %max3A_314, %get3A_9 : vector<16xf32>
        %add3A_316 = arith.addf %add3A_310, %mul3A_315 : vector<16xf32>
        %get3A_317 = arith.index_cast %add3A_299 : i32 to index
        %get3A_318 = arith.constant 48 : index
        %get3A_319 = tpu.vector_load %arg8[%get3A_317, %get3A_318] {strides = array<i32>} : memref<256x128xf32, #tpu.memory_space<vmem>>, vector<16xf32>,
        %max3A_320 = arith.maximumf %get3A_319, %get3A_153 : vector<16xf32>
        %mul3A_321 = arith.mulf %max3A_320, %get3A_11 : vector<16xf32>
        %add3A_322 = arith.addf %add3A_316, %mul3A_321 : vector<16xf32>
        %eq3A_323 = arith.constant 4 : i32
        %eq3A_324 = vector.broadcast %eq3A_323 : i32 to vector<16xi32>
        %eq3A_325 = arith.cmpi eq, %iota3A, %eq3A_324 : vector<16xi32>
        %reduce_sum3A_326 = arith.constant true
        %reduce_sum3A_327 = vector.broadcast %reduce_sum3A_326 : i1 to vector<16xi1>
        %reduce_sum3A_328 = tpu.scan <sum>, %add3A_322 masked %reduce_sum3A_327 : vector<16xf32>, vector<16xi1> -> vector<16xf32>
        %reduce_sum3A_329 = vector.extract %reduce_sum3A_328[15] : f32 from vector<16xf32>
        %broadcast_in_dim3A_330 = vector.broadcast %reduce_sum3A_329 : f32 to vector<16xf32>
        %select_n3A_331 = arith.select %eq3A_325, %broadcast_in_dim3A_330, %select_n3A_295 : vector<16xi1>, vector<16xf32>
        %mul3A_332 = arith.constant 16 : i32
        %mul3A_333 = arith.muli %scan3A_136, %mul3A_332 : i32
        %add3A_334 = arith.constant 5 : i32
        %add3A_335 = arith.addi %mul3A_333, %add3A_334 : i32
        %get3A_336 = arith.index_cast %add3A_335 : i32 to index
        %get3A_337 = arith.constant 0 : index
        %get3A_338 = tpu.vector_load %arg8[%get3A_336, %get3A_337] {strides = array<i32>} : memref<256x128xf32, #tpu.memory_space<vmem>>, vector<16xf32>,
        %max3A_339 = arith.maximumf %get3A_338, %get3A_144 : vector<16xf32>
        %mul3A_340 = arith.mulf %max3A_339, %get3A_5 : vector<16xf32>
        %get3A_341 = arith.index_cast %add3A_335 : i32 to index
        %get3A_342 = arith.constant 16 : index
        %get3A_343 = tpu.vector_load %arg8[%get3A_341, %get3A_342] {strides = array<i32>} : memref<256x128xf32, #tpu.memory_space<vmem>>, vector<16xf32>,
        %max3A_344 = arith.maximumf %get3A_343, %get3A_147 : vector<16xf32>
        %mul3A_345 = arith.mulf %max3A_344, %get3A_7 : vector<16xf32>
        %add3A_346 = arith.addf %mul3A_340, %mul3A_345 : vector<16xf32>
        %get3A_347 = arith.index_cast %add3A_335 : i32 to index
        %get3A_348 = arith.constant 32 : index
        %get3A_349 = tpu.vector_load %arg8[%get3A_347, %get3A_348] {strides = array<i32>} : memref<256x128xf32, #tpu.memory_space<vmem>>, vector<16xf32>,
        %max3A_350 = arith.maximumf %get3A_349, %get3A_150 : vector<16xf32>
        %mul3A_351 = arith.mulf %max3A_350, %get3A_9 : vector<16xf32>
        %add3A_352 = arith.addf %add3A_346, %mul3A_351 : vector<16xf32>
        %get3A_353 = arith.index_cast %add3A_335 : i32 to index
        %get3A_354 = arith.constant 48 : index
        %get3A_355 = tpu.vector_load %arg8[%get3A_353, %get3A_354] {strides = array<i32>} : memref<256x128xf32, #tpu.memory_space<vmem>>, vector<16xf32>,
        %max3A_356 = arith.maximumf %get3A_355, %get3A_153 : vector<16xf32>
        %mul3A_357 = arith.mulf %max3A_356, %get3A_11 : vector<16xf32>
        %add3A_358 = arith.addf %add3A_352, %mul3A_357 : vector<16xf32>
        %eq3A_359 = arith.constant 5 : i32
        %eq3A_360 = vector.broadcast %eq3A_359 : i32 to vector<16xi32>
        %eq3A_361 = arith.cmpi eq, %iota3A, %eq3A_360 : vector<16xi32>
        %reduce_sum3A_362 = arith.constant true
        %reduce_sum3A_363 = vector.broadcast %reduce_sum3A_362 : i1 to vector<16xi1>
        %reduce_sum3A_364 = tpu.scan <sum>, %add3A_358 masked %reduce_sum3A_363 : vector<16xf32>, vector<16xi1> -> vector<16xf32>
        %reduce_sum3A_365 = vector.extract %reduce_sum3A_364[15] : f32 from vector<16xf32>
        %broadcast_in_dim3A_366 = vector.broadcast %reduce_sum3A_365 : f32 to vector<16xf32>
        %select_n3A_367 = arith.select %eq3A_361, %broadcast_in_dim3A_366, %select_n3A_331 : vector<16xi1>, vector<16xf32>
        %mul3A_368 = arith.constant 16 : i32
        %mul3A_369 = arith.muli %scan3A_136, %mul3A_368 : i32
        %add3A_370 = arith.constant 6 : i32
        %add3A_371 = arith.addi %mul3A_369, %add3A_370 : i32
        %get3A_372 = arith.index_cast %add3A_371 : i32 to index
        %get3A_373 = arith.constant 0 : index
        %get3A_374 = tpu.vector_load %arg8[%get3A_372, %get3A_373] {strides = array<i32>} : memref<256x128xf32, #tpu.memory_space<vmem>>, vector<16xf32>,
        %max3A_375 = arith.maximumf %get3A_374, %get3A_144 : vector<16xf32>
        %mul3A_376 = arith.mulf %max3A_375, %get3A_5 : vector<16xf32>
        %get3A_377 = arith.index_cast %add3A_371 : i32 to index
        %get3A_378 = arith.constant 16 : index
        %get3A_379 = tpu.vector_load %arg8[%get3A_377, %get3A_378] {strides = array<i32>} : memref<256x128xf32, #tpu.memory_space<vmem>>, vector<16xf32>,
        %max3A_380 = arith.maximumf %get3A_379, %get3A_147 : vector<16xf32>
        %mul3A_381 = arith.mulf %max3A_380, %get3A_7 : vector<16xf32>
        %add3A_382 = arith.addf %mul3A_376, %mul3A_381 : vector<16xf32>
        %get3A_383 = arith.index_cast %add3A_371 : i32 to index
        %get3A_384 = arith.constant 32 : index
        %get3A_385 = tpu.vector_load %arg8[%get3A_383, %get3A_384] {strides = array<i32>} : memref<256x128xf32, #tpu.memory_space<vmem>>, vector<16xf32>,
        %max3A_386 = arith.maximumf %get3A_385, %get3A_150 : vector<16xf32>
        %mul3A_387 = arith.mulf %max3A_386, %get3A_9 : vector<16xf32>
        %add3A_388 = arith.addf %add3A_382, %mul3A_387 : vector<16xf32>
        %get3A_389 = arith.index_cast %add3A_371 : i32 to index
        %get3A_390 = arith.constant 48 : index
        %get3A_391 = tpu.vector_load %arg8[%get3A_389, %get3A_390] {strides = array<i32>} : memref<256x128xf32, #tpu.memory_space<vmem>>, vector<16xf32>,
        %max3A_392 = arith.maximumf %get3A_391, %get3A_153 : vector<16xf32>
        %mul3A_393 = arith.mulf %max3A_392, %get3A_11 : vector<16xf32>
        %add3A_394 = arith.addf %add3A_388, %mul3A_393 : vector<16xf32>
        %eq3A_395 = arith.constant 6 : i32
        %eq3A_396 = vector.broadcast %eq3A_395 : i32 to vector<16xi32>
        %eq3A_397 = arith.cmpi eq, %iota3A, %eq3A_396 : vector<16xi32>
        %reduce_sum3A_398 = arith.constant true
        %reduce_sum3A_399 = vector.broadcast %reduce_sum3A_398 : i1 to vector<16xi1>
        %reduce_sum3A_400 = tpu.scan <sum>, %add3A_394 masked %reduce_sum3A_399 : vector<16xf32>, vector<16xi1> -> vector<16xf32>
        %reduce_sum3A_401 = vector.extract %reduce_sum3A_400[15] : f32 from vector<16xf32>
        %broadcast_in_dim3A_402 = vector.broadcast %reduce_sum3A_401 : f32 to vector<16xf32>
        %select_n3A_403 = arith.select %eq3A_397, %broadcast_in_dim3A_402, %select_n3A_367 : vector<16xi1>, vector<16xf32>
        %mul3A_404 = arith.constant 16 : i32
        %mul3A_405 = arith.muli %scan3A_136, %mul3A_404 : i32
        %add3A_406 = arith.constant 7 : i32
        %add3A_407 = arith.addi %mul3A_405, %add3A_406 : i32
        %get3A_408 = arith.index_cast %add3A_407 : i32 to index
        %get3A_409 = arith.constant 0 : index
        %get3A_410 = tpu.vector_load %arg8[%get3A_408, %get3A_409] {strides = array<i32>} : memref<256x128xf32, #tpu.memory_space<vmem>>, vector<16xf32>,
        %max3A_411 = arith.maximumf %get3A_410, %get3A_144 : vector<16xf32>
        %mul3A_412 = arith.mulf %max3A_411, %get3A_5 : vector<16xf32>
        %get3A_413 = arith.index_cast %add3A_407 : i32 to index
        %get3A_414 = arith.constant 16 : index
        %get3A_415 = tpu.vector_load %arg8[%get3A_413, %get3A_414] {strides = array<i32>} : memref<256x128xf32, #tpu.memory_space<vmem>>, vector<16xf32>,
        %max3A_416 = arith.maximumf %get3A_415, %get3A_147 : vector<16xf32>
        %mul3A_417 = arith.mulf %max3A_416, %get3A_7 : vector<16xf32>
        %add3A_418 = arith.addf %mul3A_412, %mul3A_417 : vector<16xf32>
        %get3A_419 = arith.index_cast %add3A_407 : i32 to index
        %get3A_420 = arith.constant 32 : index
        %get3A_421 = tpu.vector_load %arg8[%get3A_419, %get3A_420] {strides = array<i32>} : memref<256x128xf32, #tpu.memory_space<vmem>>, vector<16xf32>,
        %max3A_422 = arith.maximumf %get3A_421, %get3A_150 : vector<16xf32>
        %mul3A_423 = arith.mulf %max3A_422, %get3A_9 : vector<16xf32>
        %add3A_424 = arith.addf %add3A_418, %mul3A_423 : vector<16xf32>
        %get3A_425 = arith.index_cast %add3A_407 : i32 to index
        %get3A_426 = arith.constant 48 : index
        %get3A_427 = tpu.vector_load %arg8[%get3A_425, %get3A_426] {strides = array<i32>} : memref<256x128xf32, #tpu.memory_space<vmem>>, vector<16xf32>,
        %max3A_428 = arith.maximumf %get3A_427, %get3A_153 : vector<16xf32>
        %mul3A_429 = arith.mulf %max3A_428, %get3A_11 : vector<16xf32>
        %add3A_430 = arith.addf %add3A_424, %mul3A_429 : vector<16xf32>
        %eq3A_431 = arith.constant 7 : i32
        %eq3A_432 = vector.broadcast %eq3A_431 : i32 to vector<16xi32>
        %eq3A_433 = arith.cmpi eq, %iota3A, %eq3A_432 : vector<16xi32>
        %reduce_sum3A_434 = arith.constant true
        %reduce_sum3A_435 = vector.broadcast %reduce_sum3A_434 : i1 to vector<16xi1>
        %reduce_sum3A_436 = tpu.scan <sum>, %add3A_430 masked %reduce_sum3A_435 : vector<16xf32>, vector<16xi1> -> vector<16xf32>
        %reduce_sum3A_437 = vector.extract %reduce_sum3A_436[15] : f32 from vector<16xf32>
        %broadcast_in_dim3A_438 = vector.broadcast %reduce_sum3A_437 : f32 to vector<16xf32>
        %select_n3A_439 = arith.select %eq3A_433, %broadcast_in_dim3A_438, %select_n3A_403 : vector<16xi1>, vector<16xf32>
        %mul3A_440 = arith.constant 16 : i32
        %mul3A_441 = arith.muli %scan3A_136, %mul3A_440 : i32
        %add3A_442 = arith.constant 8 : i32
        %add3A_443 = arith.addi %mul3A_441, %add3A_442 : i32
        %get3A_444 = arith.index_cast %add3A_443 : i32 to index
        %get3A_445 = arith.constant 0 : index
        %get3A_446 = tpu.vector_load %arg8[%get3A_444, %get3A_445] {strides = array<i32>} : memref<256x128xf32, #tpu.memory_space<vmem>>, vector<16xf32>,
        %max3A_447 = arith.maximumf %get3A_446, %get3A_144 : vector<16xf32>
        %mul3A_448 = arith.mulf %max3A_447, %get3A_5 : vector<16xf32>
        %get3A_449 = arith.index_cast %add3A_443 : i32 to index
        %get3A_450 = arith.constant 16 : index
        %get3A_451 = tpu.vector_load %arg8[%get3A_449, %get3A_450] {strides = array<i32>} : memref<256x128xf32, #tpu.memory_space<vmem>>, vector<16xf32>,
        %max3A_452 = arith.maximumf %get3A_451, %get3A_147 : vector<16xf32>
        %mul3A_453 = arith.mulf %max3A_452, %get3A_7 : vector<16xf32>
        %add3A_454 = arith.addf %mul3A_448, %mul3A_453 : vector<16xf32>
        %get3A_455 = arith.index_cast %add3A_443 : i32 to index
        %get3A_456 = arith.constant 32 : index
        %get3A_457 = tpu.vector_load %arg8[%get3A_455, %get3A_456] {strides = array<i32>} : memref<256x128xf32, #tpu.memory_space<vmem>>, vector<16xf32>,
        %max3A_458 = arith.maximumf %get3A_457, %get3A_150 : vector<16xf32>
        %mul3A_459 = arith.mulf %max3A_458, %get3A_9 : vector<16xf32>
        %add3A_460 = arith.addf %add3A_454, %mul3A_459 : vector<16xf32>
        %get3A_461 = arith.index_cast %add3A_443 : i32 to index
        %get3A_462 = arith.constant 48 : index
        %get3A_463 = tpu.vector_load %arg8[%get3A_461, %get3A_462] {strides = array<i32>} : memref<256x128xf32, #tpu.memory_space<vmem>>, vector<16xf32>,
        %max3A_464 = arith.maximumf %get3A_463, %get3A_153 : vector<16xf32>
        %mul3A_465 = arith.mulf %max3A_464, %get3A_11 : vector<16xf32>
        %add3A_466 = arith.addf %add3A_460, %mul3A_465 : vector<16xf32>
        %eq3A_467 = arith.constant 8 : i32
        %eq3A_468 = vector.broadcast %eq3A_467 : i32 to vector<16xi32>
        %eq3A_469 = arith.cmpi eq, %iota3A, %eq3A_468 : vector<16xi32>
        %reduce_sum3A_470 = arith.constant true
        %reduce_sum3A_471 = vector.broadcast %reduce_sum3A_470 : i1 to vector<16xi1>
        %reduce_sum3A_472 = tpu.scan <sum>, %add3A_466 masked %reduce_sum3A_471 : vector<16xf32>, vector<16xi1> -> vector<16xf32>
        %reduce_sum3A_473 = vector.extract %reduce_sum3A_472[15] : f32 from vector<16xf32>
        %broadcast_in_dim3A_474 = vector.broadcast %reduce_sum3A_473 : f32 to vector<16xf32>
        %select_n3A_475 = arith.select %eq3A_469, %broadcast_in_dim3A_474, %select_n3A_439 : vector<16xi1>, vector<16xf32>
        %mul3A_476 = arith.constant 16 : i32
        %mul3A_477 = arith.muli %scan3A_136, %mul3A_476 : i32
        %add3A_478 = arith.constant 9 : i32
        %add3A_479 = arith.addi %mul3A_477, %add3A_478 : i32
        %get3A_480 = arith.index_cast %add3A_479 : i32 to index
        %get3A_481 = arith.constant 0 : index
        %get3A_482 = tpu.vector_load %arg8[%get3A_480, %get3A_481] {strides = array<i32>} : memref<256x128xf32, #tpu.memory_space<vmem>>, vector<16xf32>,
        %max3A_483 = arith.maximumf %get3A_482, %get3A_144 : vector<16xf32>
        %mul3A_484 = arith.mulf %max3A_483, %get3A_5 : vector<16xf32>
        %get3A_485 = arith.index_cast %add3A_479 : i32 to index
        %get3A_486 = arith.constant 16 : index
        %get3A_487 = tpu.vector_load %arg8[%get3A_485, %get3A_486] {strides = array<i32>} : memref<256x128xf32, #tpu.memory_space<vmem>>, vector<16xf32>,
        %max3A_488 = arith.maximumf %get3A_487, %get3A_147 : vector<16xf32>
        %mul3A_489 = arith.mulf %max3A_488, %get3A_7 : vector<16xf32>
        %add3A_490 = arith.addf %mul3A_484, %mul3A_489 : vector<16xf32>
        %get3A_491 = arith.index_cast %add3A_479 : i32 to index
        %get3A_492 = arith.constant 32 : index
        %get3A_493 = tpu.vector_load %arg8[%get3A_491, %get3A_492] {strides = array<i32>} : memref<256x128xf32, #tpu.memory_space<vmem>>, vector<16xf32>,
        %max3A_494 = arith.maximumf %get3A_493, %get3A_150 : vector<16xf32>
        %mul3A_495 = arith.mulf %max3A_494, %get3A_9 : vector<16xf32>
        %add3A_496 = arith.addf %add3A_490, %mul3A_495 : vector<16xf32>
        %get3A_497 = arith.index_cast %add3A_479 : i32 to index
        %get3A_498 = arith.constant 48 : index
        %get3A_499 = tpu.vector_load %arg8[%get3A_497, %get3A_498] {strides = array<i32>} : memref<256x128xf32, #tpu.memory_space<vmem>>, vector<16xf32>,
        %max3A_500 = arith.maximumf %get3A_499, %get3A_153 : vector<16xf32>
        %mul3A_501 = arith.mulf %max3A_500, %get3A_11 : vector<16xf32>
        %add3A_502 = arith.addf %add3A_496, %mul3A_501 : vector<16xf32>
        %eq3A_503 = arith.constant 9 : i32
        %eq3A_504 = vector.broadcast %eq3A_503 : i32 to vector<16xi32>
        %eq3A_505 = arith.cmpi eq, %iota3A, %eq3A_504 : vector<16xi32>
        %reduce_sum3A_506 = arith.constant true
        %reduce_sum3A_507 = vector.broadcast %reduce_sum3A_506 : i1 to vector<16xi1>
        %reduce_sum3A_508 = tpu.scan <sum>, %add3A_502 masked %reduce_sum3A_507 : vector<16xf32>, vector<16xi1> -> vector<16xf32>
        %reduce_sum3A_509 = vector.extract %reduce_sum3A_508[15] : f32 from vector<16xf32>
        %broadcast_in_dim3A_510 = vector.broadcast %reduce_sum3A_509 : f32 to vector<16xf32>
        %select_n3A_511 = arith.select %eq3A_505, %broadcast_in_dim3A_510, %select_n3A_475 : vector<16xi1>, vector<16xf32>
        %mul3A_512 = arith.constant 16 : i32
        %mul3A_513 = arith.muli %scan3A_136, %mul3A_512 : i32
        %add3A_514 = arith.constant 10 : i32
        %add3A_515 = arith.addi %mul3A_513, %add3A_514 : i32
        %get3A_516 = arith.index_cast %add3A_515 : i32 to index
        %get3A_517 = arith.constant 0 : index
        %get3A_518 = tpu.vector_load %arg8[%get3A_516, %get3A_517] {strides = array<i32>} : memref<256x128xf32, #tpu.memory_space<vmem>>, vector<16xf32>,
        %max3A_519 = arith.maximumf %get3A_518, %get3A_144 : vector<16xf32>
        %mul3A_520 = arith.mulf %max3A_519, %get3A_5 : vector<16xf32>
        %get3A_521 = arith.index_cast %add3A_515 : i32 to index
        %get3A_522 = arith.constant 16 : index
        %get3A_523 = tpu.vector_load %arg8[%get3A_521, %get3A_522] {strides = array<i32>} : memref<256x128xf32, #tpu.memory_space<vmem>>, vector<16xf32>,
        %max3A_524 = arith.maximumf %get3A_523, %get3A_147 : vector<16xf32>
        %mul3A_525 = arith.mulf %max3A_524, %get3A_7 : vector<16xf32>
        %add3A_526 = arith.addf %mul3A_520, %mul3A_525 : vector<16xf32>
        %get3A_527 = arith.index_cast %add3A_515 : i32 to index
        %get3A_528 = arith.constant 32 : index
        %get3A_529 = tpu.vector_load %arg8[%get3A_527, %get3A_528] {strides = array<i32>} : memref<256x128xf32, #tpu.memory_space<vmem>>, vector<16xf32>,
        %max3A_530 = arith.maximumf %get3A_529, %get3A_150 : vector<16xf32>
        %mul3A_531 = arith.mulf %max3A_530, %get3A_9 : vector<16xf32>
        %add3A_532 = arith.addf %add3A_526, %mul3A_531 : vector<16xf32>
        %get3A_533 = arith.index_cast %add3A_515 : i32 to index
        %get3A_534 = arith.constant 48 : index
        %get3A_535 = tpu.vector_load %arg8[%get3A_533, %get3A_534] {strides = array<i32>} : memref<256x128xf32, #tpu.memory_space<vmem>>, vector<16xf32>,
        %max3A_536 = arith.maximumf %get3A_535, %get3A_153 : vector<16xf32>
        %mul3A_537 = arith.mulf %max3A_536, %get3A_11 : vector<16xf32>
        %add3A_538 = arith.addf %add3A_532, %mul3A_537 : vector<16xf32>
        %eq3A_539 = arith.constant 10 : i32
        %eq3A_540 = vector.broadcast %eq3A_539 : i32 to vector<16xi32>
        %eq3A_541 = arith.cmpi eq, %iota3A, %eq3A_540 : vector<16xi32>
        %reduce_sum3A_542 = arith.constant true
        %reduce_sum3A_543 = vector.broadcast %reduce_sum3A_542 : i1 to vector<16xi1>
        %reduce_sum3A_544 = tpu.scan <sum>, %add3A_538 masked %reduce_sum3A_543 : vector<16xf32>, vector<16xi1> -> vector<16xf32>
        %reduce_sum3A_545 = vector.extract %reduce_sum3A_544[15] : f32 from vector<16xf32>
        %broadcast_in_dim3A_546 = vector.broadcast %reduce_sum3A_545 : f32 to vector<16xf32>
        %select_n3A_547 = arith.select %eq3A_541, %broadcast_in_dim3A_546, %select_n3A_511 : vector<16xi1>, vector<16xf32>
        %mul3A_548 = arith.constant 16 : i32
        %mul3A_549 = arith.muli %scan3A_136, %mul3A_548 : i32
        %add3A_550 = arith.constant 11 : i32
        %add3A_551 = arith.addi %mul3A_549, %add3A_550 : i32
        %get3A_552 = arith.index_cast %add3A_551 : i32 to index
        %get3A_553 = arith.constant 0 : index
        %get3A_554 = tpu.vector_load %arg8[%get3A_552, %get3A_553] {strides = array<i32>} : memref<256x128xf32, #tpu.memory_space<vmem>>, vector<16xf32>,
        %max3A_555 = arith.maximumf %get3A_554, %get3A_144 : vector<16xf32>
        %mul3A_556 = arith.mulf %max3A_555, %get3A_5 : vector<16xf32>
        %get3A_557 = arith.index_cast %add3A_551 : i32 to index
        %get3A_558 = arith.constant 16 : index
        %get3A_559 = tpu.vector_load %arg8[%get3A_557, %get3A_558] {strides = array<i32>} : memref<256x128xf32, #tpu.memory_space<vmem>>, vector<16xf32>,
        %max3A_560 = arith.maximumf %get3A_559, %get3A_147 : vector<16xf32>
        %mul3A_561 = arith.mulf %max3A_560, %get3A_7 : vector<16xf32>
        %add3A_562 = arith.addf %mul3A_556, %mul3A_561 : vector<16xf32>
        %get3A_563 = arith.index_cast %add3A_551 : i32 to index
        %get3A_564 = arith.constant 32 : index
        %get3A_565 = tpu.vector_load %arg8[%get3A_563, %get3A_564] {strides = array<i32>} : memref<256x128xf32, #tpu.memory_space<vmem>>, vector<16xf32>,
        %max3A_566 = arith.maximumf %get3A_565, %get3A_150 : vector<16xf32>
        %mul3A_567 = arith.mulf %max3A_566, %get3A_9 : vector<16xf32>
        %add3A_568 = arith.addf %add3A_562, %mul3A_567 : vector<16xf32>
        %get3A_569 = arith.index_cast %add3A_551 : i32 to index
        %get3A_570 = arith.constant 48 : index
        %get3A_571 = tpu.vector_load %arg8[%get3A_569, %get3A_570] {strides = array<i32>} : memref<256x128xf32, #tpu.memory_space<vmem>>, vector<16xf32>,
        %max3A_572 = arith.maximumf %get3A_571, %get3A_153 : vector<16xf32>
        %mul3A_573 = arith.mulf %max3A_572, %get3A_11 : vector<16xf32>
        %add3A_574 = arith.addf %add3A_568, %mul3A_573 : vector<16xf32>
        %eq3A_575 = arith.constant 11 : i32
        %eq3A_576 = vector.broadcast %eq3A_575 : i32 to vector<16xi32>
        %eq3A_577 = arith.cmpi eq, %iota3A, %eq3A_576 : vector<16xi32>
        %reduce_sum3A_578 = arith.constant true
        %reduce_sum3A_579 = vector.broadcast %reduce_sum3A_578 : i1 to vector<16xi1>
        %reduce_sum3A_580 = tpu.scan <sum>, %add3A_574 masked %reduce_sum3A_579 : vector<16xf32>, vector<16xi1> -> vector<16xf32>
        %reduce_sum3A_581 = vector.extract %reduce_sum3A_580[15] : f32 from vector<16xf32>
        %broadcast_in_dim3A_582 = vector.broadcast %reduce_sum3A_581 : f32 to vector<16xf32>
        %select_n3A_583 = arith.select %eq3A_577, %broadcast_in_dim3A_582, %select_n3A_547 : vector<16xi1>, vector<16xf32>
        %mul3A_584 = arith.constant 16 : i32
        %mul3A_585 = arith.muli %scan3A_136, %mul3A_584 : i32
        %add3A_586 = arith.constant 12 : i32
        %add3A_587 = arith.addi %mul3A_585, %add3A_586 : i32
        %get3A_588 = arith.index_cast %add3A_587 : i32 to index
        %get3A_589 = arith.constant 0 : index
        %get3A_590 = tpu.vector_load %arg8[%get3A_588, %get3A_589] {strides = array<i32>} : memref<256x128xf32, #tpu.memory_space<vmem>>, vector<16xf32>,
        %max3A_591 = arith.maximumf %get3A_590, %get3A_144 : vector<16xf32>
        %mul3A_592 = arith.mulf %max3A_591, %get3A_5 : vector<16xf32>
        %get3A_593 = arith.index_cast %add3A_587 : i32 to index
        %get3A_594 = arith.constant 16 : index
        %get3A_595 = tpu.vector_load %arg8[%get3A_593, %get3A_594] {strides = array<i32>} : memref<256x128xf32, #tpu.memory_space<vmem>>, vector<16xf32>,
        %max3A_596 = arith.maximumf %get3A_595, %get3A_147 : vector<16xf32>
        %mul3A_597 = arith.mulf %max3A_596, %get3A_7 : vector<16xf32>
        %add3A_598 = arith.addf %mul3A_592, %mul3A_597 : vector<16xf32>
        %get3A_599 = arith.index_cast %add3A_587 : i32 to index
        %get3A_600 = arith.constant 32 : index
        %get3A_601 = tpu.vector_load %arg8[%get3A_599, %get3A_600] {strides = array<i32>} : memref<256x128xf32, #tpu.memory_space<vmem>>, vector<16xf32>,
        %max3A_602 = arith.maximumf %get3A_601, %get3A_150 : vector<16xf32>
        %mul3A_603 = arith.mulf %max3A_602, %get3A_9 : vector<16xf32>
        %add3A_604 = arith.addf %add3A_598, %mul3A_603 : vector<16xf32>
        %get3A_605 = arith.index_cast %add3A_587 : i32 to index
        %get3A_606 = arith.constant 48 : index
        %get3A_607 = tpu.vector_load %arg8[%get3A_605, %get3A_606] {strides = array<i32>} : memref<256x128xf32, #tpu.memory_space<vmem>>, vector<16xf32>,
        %max3A_608 = arith.maximumf %get3A_607, %get3A_153 : vector<16xf32>
        %mul3A_609 = arith.mulf %max3A_608, %get3A_11 : vector<16xf32>
        %add3A_610 = arith.addf %add3A_604, %mul3A_609 : vector<16xf32>
        %eq3A_611 = arith.constant 12 : i32
        %eq3A_612 = vector.broadcast %eq3A_611 : i32 to vector<16xi32>
        %eq3A_613 = arith.cmpi eq, %iota3A, %eq3A_612 : vector<16xi32>
        %reduce_sum3A_614 = arith.constant true
        %reduce_sum3A_615 = vector.broadcast %reduce_sum3A_614 : i1 to vector<16xi1>
        %reduce_sum3A_616 = tpu.scan <sum>, %add3A_610 masked %reduce_sum3A_615 : vector<16xf32>, vector<16xi1> -> vector<16xf32>
        %reduce_sum3A_617 = vector.extract %reduce_sum3A_616[15] : f32 from vector<16xf32>
        %broadcast_in_dim3A_618 = vector.broadcast %reduce_sum3A_617 : f32 to vector<16xf32>
        %select_n3A_619 = arith.select %eq3A_613, %broadcast_in_dim3A_618, %select_n3A_583 : vector<16xi1>, vector<16xf32>
        %mul3A_620 = arith.constant 16 : i32
        %mul3A_621 = arith.muli %scan3A_136, %mul3A_620 : i32
        %add3A_622 = arith.constant 13 : i32
        %add3A_623 = arith.addi %mul3A_621, %add3A_622 : i32
        %get3A_624 = arith.index_cast %add3A_623 : i32 to index
        %get3A_625 = arith.constant 0 : index
        %get3A_626 = tpu.vector_load %arg8[%get3A_624, %get3A_625] {strides = array<i32>} : memref<256x128xf32, #tpu.memory_space<vmem>>, vector<16xf32>,
        %max3A_627 = arith.maximumf %get3A_626, %get3A_144 : vector<16xf32>
        %mul3A_628 = arith.mulf %max3A_627, %get3A_5 : vector<16xf32>
        %get3A_629 = arith.index_cast %add3A_623 : i32 to index
        %get3A_630 = arith.constant 16 : index
        %get3A_631 = tpu.vector_load %arg8[%get3A_629, %get3A_630] {strides = array<i32>} : memref<256x128xf32, #tpu.memory_space<vmem>>, vector<16xf32>,
        %max3A_632 = arith.maximumf %get3A_631, %get3A_147 : vector<16xf32>
        %mul3A_633 = arith.mulf %max3A_632, %get3A_7 : vector<16xf32>
        %add3A_634 = arith.addf %mul3A_628, %mul3A_633 : vector<16xf32>
        %get3A_635 = arith.index_cast %add3A_623 : i32 to index
        %get3A_636 = arith.constant 32 : index
        %get3A_637 = tpu.vector_load %arg8[%get3A_635, %get3A_636] {strides = array<i32>} : memref<256x128xf32, #tpu.memory_space<vmem>>, vector<16xf32>,
        %max3A_638 = arith.maximumf %get3A_637, %get3A_150 : vector<16xf32>
        %mul3A_639 = arith.mulf %max3A_638, %get3A_9 : vector<16xf32>
        %add3A_640 = arith.addf %add3A_634, %mul3A_639 : vector<16xf32>
        %get3A_641 = arith.index_cast %add3A_623 : i32 to index
        %get3A_642 = arith.constant 48 : index
        %get3A_643 = tpu.vector_load %arg8[%get3A_641, %get3A_642] {strides = array<i32>} : memref<256x128xf32, #tpu.memory_space<vmem>>, vector<16xf32>,
        %max3A_644 = arith.maximumf %get3A_643, %get3A_153 : vector<16xf32>
        %mul3A_645 = arith.mulf %max3A_644, %get3A_11 : vector<16xf32>
        %add3A_646 = arith.addf %add3A_640, %mul3A_645 : vector<16xf32>
        %eq3A_647 = arith.constant 13 : i32
        %eq3A_648 = vector.broadcast %eq3A_647 : i32 to vector<16xi32>
        %eq3A_649 = arith.cmpi eq, %iota3A, %eq3A_648 : vector<16xi32>
        %reduce_sum3A_650 = arith.constant true
        %reduce_sum3A_651 = vector.broadcast %reduce_sum3A_650 : i1 to vector<16xi1>
        %reduce_sum3A_652 = tpu.scan <sum>, %add3A_646 masked %reduce_sum3A_651 : vector<16xf32>, vector<16xi1> -> vector<16xf32>
        %reduce_sum3A_653 = vector.extract %reduce_sum3A_652[15] : f32 from vector<16xf32>
        %broadcast_in_dim3A_654 = vector.broadcast %reduce_sum3A_653 : f32 to vector<16xf32>
        %select_n3A_655 = arith.select %eq3A_649, %broadcast_in_dim3A_654, %select_n3A_619 : vector<16xi1>, vector<16xf32>
        %mul3A_656 = arith.constant 16 : i32
        %mul3A_657 = arith.muli %scan3A_136, %mul3A_656 : i32
        %add3A_658 = arith.constant 14 : i32
        %add3A_659 = arith.addi %mul3A_657, %add3A_658 : i32
        %get3A_660 = arith.index_cast %add3A_659 : i32 to index
        %get3A_661 = arith.constant 0 : index
        %get3A_662 = tpu.vector_load %arg8[%get3A_660, %get3A_661] {strides = array<i32>} : memref<256x128xf32, #tpu.memory_space<vmem>>, vector<16xf32>,
        %max3A_663 = arith.maximumf %get3A_662, %get3A_144 : vector<16xf32>
        %mul3A_664 = arith.mulf %max3A_663, %get3A_5 : vector<16xf32>
        %get3A_665 = arith.index_cast %add3A_659 : i32 to index
        %get3A_666 = arith.constant 16 : index
        %get3A_667 = tpu.vector_load %arg8[%get3A_665, %get3A_666] {strides = array<i32>} : memref<256x128xf32, #tpu.memory_space<vmem>>, vector<16xf32>,
        %max3A_668 = arith.maximumf %get3A_667, %get3A_147 : vector<16xf32>
        %mul3A_669 = arith.mulf %max3A_668, %get3A_7 : vector<16xf32>
        %add3A_670 = arith.addf %mul3A_664, %mul3A_669 : vector<16xf32>
        %get3A_671 = arith.index_cast %add3A_659 : i32 to index
        %get3A_672 = arith.constant 32 : index
        %get3A_673 = tpu.vector_load %arg8[%get3A_671, %get3A_672] {strides = array<i32>} : memref<256x128xf32, #tpu.memory_space<vmem>>, vector<16xf32>,
        %max3A_674 = arith.maximumf %get3A_673, %get3A_150 : vector<16xf32>
        %mul3A_675 = arith.mulf %max3A_674, %get3A_9 : vector<16xf32>
        %add3A_676 = arith.addf %add3A_670, %mul3A_675 : vector<16xf32>
        %get3A_677 = arith.index_cast %add3A_659 : i32 to index
        %get3A_678 = arith.constant 48 : index
        %get3A_679 = tpu.vector_load %arg8[%get3A_677, %get3A_678] {strides = array<i32>} : memref<256x128xf32, #tpu.memory_space<vmem>>, vector<16xf32>,
        %max3A_680 = arith.maximumf %get3A_679, %get3A_153 : vector<16xf32>
        %mul3A_681 = arith.mulf %max3A_680, %get3A_11 : vector<16xf32>
        %add3A_682 = arith.addf %add3A_676, %mul3A_681 : vector<16xf32>
        %eq3A_683 = arith.constant 14 : i32
        %eq3A_684 = vector.broadcast %eq3A_683 : i32 to vector<16xi32>
        %eq3A_685 = arith.cmpi eq, %iota3A, %eq3A_684 : vector<16xi32>
        %reduce_sum3A_686 = arith.constant true
        %reduce_sum3A_687 = vector.broadcast %reduce_sum3A_686 : i1 to vector<16xi1>
        %reduce_sum3A_688 = tpu.scan <sum>, %add3A_682 masked %reduce_sum3A_687 : vector<16xf32>, vector<16xi1> -> vector<16xf32>
        %reduce_sum3A_689 = vector.extract %reduce_sum3A_688[15] : f32 from vector<16xf32>
        %broadcast_in_dim3A_690 = vector.broadcast %reduce_sum3A_689 : f32 to vector<16xf32>
        %select_n3A_691 = arith.select %eq3A_685, %broadcast_in_dim3A_690, %select_n3A_655 : vector<16xi1>, vector<16xf32>
        %mul3A_692 = arith.constant 16 : i32
        %mul3A_693 = arith.muli %scan3A_136, %mul3A_692 : i32
        %add3A_694 = arith.constant 15 : i32
        %add3A_695 = arith.addi %mul3A_693, %add3A_694 : i32
        %get3A_696 = arith.index_cast %add3A_695 : i32 to index
        %get3A_697 = arith.constant 0 : index
        %get3A_698 = tpu.vector_load %arg8[%get3A_696, %get3A_697] {strides = array<i32>} : memref<256x128xf32, #tpu.memory_space<vmem>>, vector<16xf32>,
        %max3A_699 = arith.maximumf %get3A_698, %get3A_144 : vector<16xf32>
        %mul3A_700 = arith.mulf %max3A_699, %get3A_5 : vector<16xf32>
        %get3A_701 = arith.index_cast %add3A_695 : i32 to index
        %get3A_702 = arith.constant 16 : index
        %get3A_703 = tpu.vector_load %arg8[%get3A_701, %get3A_702] {strides = array<i32>} : memref<256x128xf32, #tpu.memory_space<vmem>>, vector<16xf32>,
        %max3A_704 = arith.maximumf %get3A_703, %get3A_147 : vector<16xf32>
        %mul3A_705 = arith.mulf %max3A_704, %get3A_7 : vector<16xf32>
        %add3A_706 = arith.addf %mul3A_700, %mul3A_705 : vector<16xf32>
        %get3A_707 = arith.index_cast %add3A_695 : i32 to index
        %get3A_708 = arith.constant 32 : index
        %get3A_709 = tpu.vector_load %arg8[%get3A_707, %get3A_708] {strides = array<i32>} : memref<256x128xf32, #tpu.memory_space<vmem>>, vector<16xf32>,
        %max3A_710 = arith.maximumf %get3A_709, %get3A_150 : vector<16xf32>
        %mul3A_711 = arith.mulf %max3A_710, %get3A_9 : vector<16xf32>
        %add3A_712 = arith.addf %add3A_706, %mul3A_711 : vector<16xf32>
        %get3A_713 = arith.index_cast %add3A_695 : i32 to index
        %get3A_714 = arith.constant 48 : index
        %get3A_715 = tpu.vector_load %arg8[%get3A_713, %get3A_714] {strides = array<i32>} : memref<256x128xf32, #tpu.memory_space<vmem>>, vector<16xf32>,
        %max3A_716 = arith.maximumf %get3A_715, %get3A_153 : vector<16xf32>
        %mul3A_717 = arith.mulf %max3A_716, %get3A_11 : vector<16xf32>
        %add3A_718 = arith.addf %add3A_712, %mul3A_717 : vector<16xf32>
        %eq3A_719 = arith.constant 15 : i32
        %eq3A_720 = vector.broadcast %eq3A_719 : i32 to vector<16xi32>
        %eq3A_721 = arith.cmpi eq, %iota3A, %eq3A_720 : vector<16xi32>
        %reduce_sum3A_722 = arith.constant true
        %reduce_sum3A_723 = vector.broadcast %reduce_sum3A_722 : i1 to vector<16xi1>
        %reduce_sum3A_724 = tpu.scan <sum>, %add3A_718 masked %reduce_sum3A_723 : vector<16xf32>, vector<16xi1> -> vector<16xf32>
        %reduce_sum3A_725 = vector.extract %reduce_sum3A_724[15] : f32 from vector<16xf32>
        %broadcast_in_dim3A_726 = vector.broadcast %reduce_sum3A_725 : f32 to vector<16xf32>
        %select_n3A_727 = arith.select %eq3A_721, %broadcast_in_dim3A_726, %select_n3A_691 : vector<16xi1>, vector<16xf32>
        %exp3A = math.exp %select_n3A_727 : vector<16xf32>
        %mul3A_728 = arith.constant 16 : i32
        %mul3A_729 = arith.muli %scan3A_136, %mul3A_728 : i32
        %add3A_730 = vector.broadcast %mul3A_729 : i32 to vector<16xi32>
        %add3A_731 = arith.addi %add3A_730, %iota3A : vector<16xi32>
        %broadcast_in_dim3A_732 = arith.constant 64 : i32
        %broadcast_in_dim3A_733 = vector.broadcast %broadcast_in_dim3A_732 : i32 to vector<16xi32>
        %gather3A_734 = tpu.vector_load_idx %arg8[%add3A_731, %broadcast_in_dim3A_733] : memref<256x128xf32, #tpu.memory_space<vmem>>[vector<16xi32>, vector<16xi32>], vector<16xf32>,
        %mul3A_735 = arith.mulf %exp3A, %gather3A_734 : vector<16xf32>
        %reduce_sum3A_736 = arith.constant true
        %reduce_sum3A_737 = vector.broadcast %reduce_sum3A_736 : i1 to vector<16xi1>
        %reduce_sum3A_738 = tpu.scan <sum>, %mul3A_735 masked %reduce_sum3A_737 : vector<16xf32>, vector<16xi1> -> vector<16xf32>
        %reduce_sum3A_739 = vector.extract %reduce_sum3A_738[15] : f32 from vector<16xf32>
        %reduce_sum3A_740 = arith.constant true
        %reduce_sum3A_741 = vector.broadcast %reduce_sum3A_740 : i1 to vector<16xi1>
        %reduce_sum3A_742 = tpu.scan <sum>, %exp3A masked %reduce_sum3A_741 : vector<16xf32>, vector<16xi1> -> vector<16xf32>
        %reduce_sum3A_743 = vector.extract %reduce_sum3A_742[15] : f32 from vector<16xf32>
        %eq3A_744 = vector.broadcast %scan3A_136 : i32 to vector<16xi32>
        %eq3A_745 = arith.cmpi eq, %iota3A, %eq3A_744 : vector<16xi32>
        %broadcast_in_dim3A_746 = vector.broadcast %reduce_sum3A_739 : f32 to vector<16xf32>
        %select_n3A_747 = arith.select %eq3A_745, %broadcast_in_dim3A_746, %scan3A_137 : vector<16xi1>, vector<16xf32>
        %eq3A_748 = vector.broadcast %scan3A_136 : i32 to vector<16xi32>
        %eq3A_749 = arith.cmpi eq, %iota3A, %eq3A_748 : vector<16xi32>
        %broadcast_in_dim3A_750 = vector.broadcast %reduce_sum3A_743 : f32 to vector<16xf32>
        %select_n3A_751 = arith.select %eq3A_749, %broadcast_in_dim3A_750, %scan3A_138 : vector<16xi1>, vector<16xf32>
        scf.yield %select_n3A_747, %select_n3A_751 : vector<16xf32>, vector<16xf32>
      }
      %scan3A_88 = arith.constant 16 : i32
      %div3A = arith.divf %scan3A_87#0, %scan3A_87#1 : vector<16xf32>
      %add3A_89 = arith.addf %gather3A, %div3A : vector<16xf32>
      %mul3A_90 = arith.constant 16 : i32
      %mul3A_91 = arith.muli %mul3A_36, %mul3A_90 : i32
      %swap3A = arith.index_cast %mul3A_91 : i32 to index
      %swap3A_92 = tpu.vector_load %arg12[%swap3A] {strides = array<i32>} : memref<128xf32, #tpu.memory_space<vmem>>, vector<16xf32>,
      tpu.vector_store %arg12[%swap3A], %add3A_89 {strides = array<i32>} : memref<128xf32, #tpu.memory_space<vmem>>, vector<16xf32>,
      %lt3A = arith.constant 3 : i32
      %lt3A_93 = arith.cmpi slt, %scan3A_34, %lt3A : i32
      %convert_element_type3A = arith.extui %lt3A_93 : i1 to i32
      %cond3A = arith.constant 0 : i32
      %cond3A_94 = arith.cmpi ne, %convert_element_type3A, %cond3A : i32
      scf.if %cond3A_94 {
        %add3A_136 = arith.constant 2 : i32
        %add3A_137 = arith.addi %mul3A_36, %add3A_136 : i32
        %mul3A_138 = arith.constant 256 : i32
        %mul3A_139 = arith.muli %add3A_137, %mul3A_138 : i32
        %dma_start3A_140 = arith.constant 0 : i32
        %dma_start3A_141 = arith.constant 0 : i32
        %dma_start3A_142 = tpu.memref_slice %arg8[%dma_start3A_140, %dma_start3A_141] : memref<256x128xf32, #tpu.memory_space<vmem>> -> memref<128x128xf32, #tpu.memory_space<vmem>>
        %dma_start3A_143 = tpu.memref_slice %arg7[%mul3A_139] : memref<2048xi32, #tpu.memory_space<vmem>> -> memref<128xi32, #tpu.memory_space<vmem>>
        %dma_start3A_144 = arith.constant 0 : i32
        %dma_start3A_145 = arith.constant 0 : i32
        %dma_start3A_146 = tpu.memref_slice %arg2[%dma_start3A_144, %dma_start3A_145] : memref<10000x128xf32, #tpu.memory_space<hbm>> -> memref<10000x128xf32, #tpu.memory_space<hbm>>
        tpu.enqueue_indirect_dma source(%dma_start3A_146 : memref<10000x128xf32, #tpu.memory_space<hbm>>) target(%dma_start3A_142 : memref<128x128xf32, #tpu.memory_space<vmem>>) offsets(%dma_start3A_143 : memref<128xi32, #tpu.memory_space<vmem>>) semaphore(%arg13 : memref<!tpu.dma_semaphore, #tpu.memory_space<semaphore_mem>>)
        %mul3A_147 = arith.constant 256 : i32
        %mul3A_148 = arith.muli %add3A_137, %mul3A_147 : i32
        %add3A_149 = arith.constant 128 : i32
        %add3A_150 = arith.addi %mul3A_148, %add3A_149 : i32
        %dma_start3A_151 = arith.constant 128 : i32
        %dma_start3A_152 = arith.constant 0 : i32
        %dma_start3A_153 = tpu.memref_slice %arg8[%dma_start3A_151, %dma_start3A_152] : memref<256x128xf32, #tpu.memory_space<vmem>> -> memref<128x128xf32, #tpu.memory_space<vmem>>
        %dma_start3A_154 = tpu.memref_slice %arg7[%add3A_150] : memref<2048xi32, #tpu.memory_space<vmem>> -> memref<128xi32, #tpu.memory_space<vmem>>
        %dma_start3A_155 = arith.constant 0 : i32
        %dma_start3A_156 = arith.constant 0 : i32
        %dma_start3A_157 = tpu.memref_slice %arg2[%dma_start3A_155, %dma_start3A_156] : memref<10000x128xf32, #tpu.memory_space<hbm>> -> memref<10000x128xf32, #tpu.memory_space<hbm>>
        tpu.enqueue_indirect_dma source(%dma_start3A_157 : memref<10000x128xf32, #tpu.memory_space<hbm>>) target(%dma_start3A_153 : memref<128x128xf32, #tpu.memory_space<vmem>>) offsets(%dma_start3A_154 : memref<128xi32, #tpu.memory_space<vmem>>) semaphore(%arg13 : memref<!tpu.dma_semaphore, #tpu.memory_space<semaphore_mem>>)
      } else {
      }
      %dma_wait3A_95 = arith.constant 0 : i32
      %dma_wait3A_96 = arith.constant 0 : i32
      %dma_wait3A_97 = tpu.memref_slice %arg9[%dma_wait3A_95, %dma_wait3A_96] : memref<256x128xf32, #tpu.memory_space<vmem>> -> memref<128x128xf32, #tpu.memory_space<vmem>>
      %dma_wait3A_98 = arith.constant 0 : i32
      %dma_wait3A_99 = tpu.memref_slice %arg7[%dma_wait3A_98] : memref<2048xi32, #tpu.memory_space<vmem>> -> memref<128xi32, #tpu.memory_space<vmem>>
      %dma_wait3A_100 = arith.constant 0 : i32
      %dma_wait3A_101 = arith.constant 0 : i32
      %dma_wait3A_102 = tpu.memref_slice %arg2[%dma_wait3A_100, %dma_wait3A_101] : memref<10000x128xf32, #tpu.memory_space<hbm>> -> memref<10000x128xf32, #tpu.memory_space<hbm>>
      tpu.wait_indirect_dma semaphore(%arg14 : memref<!tpu.dma_semaphore, #tpu.memory_space<semaphore_mem>>) src(%dma_wait3A_102 : memref<10000x128xf32, #tpu.memory_space<hbm>>) dst(%dma_wait3A_97 : memref<128x128xf32, #tpu.memory_space<vmem>>)
      %dma_wait3A_103 = arith.constant 128 : i32
      %dma_wait3A_104 = arith.constant 0 : i32
      %dma_wait3A_105 = tpu.memref_slice %arg9[%dma_wait3A_103, %dma_wait3A_104] : memref<256x128xf32, #tpu.memory_space<vmem>> -> memref<128x128xf32, #tpu.memory_space<vmem>>
      %dma_wait3A_106 = arith.constant 0 : i32
      %dma_wait3A_107 = tpu.memref_slice %arg7[%dma_wait3A_106] : memref<2048xi32, #tpu.memory_space<vmem>> -> memref<128xi32, #tpu.memory_space<vmem>>
      %dma_wait3A_108 = arith.constant 0 : i32
      %dma_wait3A_109 = arith.constant 0 : i32
      %dma_wait3A_110 = tpu.memref_slice %arg2[%dma_wait3A_108, %dma_wait3A_109] : memref<10000x128xf32, #tpu.memory_space<hbm>> -> memref<10000x128xf32, #tpu.memory_space<hbm>>
      tpu.wait_indirect_dma semaphore(%arg14 : memref<!tpu.dma_semaphore, #tpu.memory_space<semaphore_mem>>) src(%dma_wait3A_110 : memref<10000x128xf32, #tpu.memory_space<hbm>>) dst(%dma_wait3A_105 : memref<128x128xf32, #tpu.memory_space<vmem>>)
      %add3A_111 = arith.constant 1 : i32
      %add3A_112 = arith.addi %mul3A_36, %add3A_111 : i32
      %mul3A_113 = arith.constant 16 : i32
      %mul3A_114 = arith.muli %add3A_112, %mul3A_113 : i32
      %add3A_115 = vector.broadcast %mul3A_114 : i32 to vector<16xi32>
      %add3A_116 = arith.addi %add3A_115, %iota3A : vector<16xi32>
      %broadcast_in_dim3A_117 = arith.constant 64 : i32
      %broadcast_in_dim3A_118 = vector.broadcast %broadcast_in_dim3A_117 : i32 to vector<16xi32>
      %gather3A_119 = tpu.vector_load_idx %arg10[%add3A_116, %broadcast_in_dim3A_118] : memref<128x128xf32, #tpu.memory_space<vmem>>[vector<16xi32>, vector<16xi32>], vector<16xf32>,
      %broadcast_in_dim3A_120 = arith.constant 0.000000e+00 : f32
      %broadcast_in_dim3A_121 = vector.broadcast %broadcast_in_dim3A_120 : f32 to vector<16xf32>
      %broadcast_in_dim3A_122 = arith.constant 1.000000e+00 : f32
      %broadcast_in_dim3A_123 = vector.broadcast %broadcast_in_dim3A_122 : f32 to vector<16xf32>
      %scan3A_124 = arith.constant 0 : i32
      %scan3A_125 = arith.constant 16 : i32
      %scan3A_126 = arith.addi %scan3A_124, %scan3A_125 : i32
      %scan3A_127 = arith.constant 1 : i32
      %scan3A_128:2 = scf.for %scan3A_136 = %scan3A_124 to %scan3A_126 step %scan3A_127 iter_args(%scan3A_137 = %broadcast_in_dim3A_121, %scan3A_138 = %broadcast_in_dim3A_123) -> (vector<16xf32>, vector<16xf32>)  : i32 {
        %mul3A_139 = arith.constant 16 : i32
        %mul3A_140 = arith.muli %add3A_112, %mul3A_139 : i32
        %add3A_141 = arith.addi %mul3A_140, %scan3A_136 : i32
        %get3A_142 = arith.index_cast %add3A_141 : i32 to index
        %get3A_143 = arith.constant 0 : index
        %get3A_144 = tpu.vector_load %arg10[%get3A_142, %get3A_143] {strides = array<i32>} : memref<128x128xf32, #tpu.memory_space<vmem>>, vector<16xf32>,
        %get3A_145 = arith.index_cast %add3A_141 : i32 to index
        %get3A_146 = arith.constant 16 : index
        %get3A_147 = tpu.vector_load %arg10[%get3A_145, %get3A_146] {strides = array<i32>} : memref<128x128xf32, #tpu.memory_space<vmem>>, vector<16xf32>,
        %get3A_148 = arith.index_cast %add3A_141 : i32 to index
        %get3A_149 = arith.constant 32 : index
        %get3A_150 = tpu.vector_load %arg10[%get3A_148, %get3A_149] {strides = array<i32>} : memref<128x128xf32, #tpu.memory_space<vmem>>, vector<16xf32>,
        %get3A_151 = arith.index_cast %add3A_141 : i32 to index
        %get3A_152 = arith.constant 48 : index
        %get3A_153 = tpu.vector_load %arg10[%get3A_151, %get3A_152] {strides = array<i32>} : memref<128x128xf32, #tpu.memory_space<vmem>>, vector<16xf32>,
        %broadcast_in_dim3A_154 = arith.constant 0.000000e+00 : f32
        %broadcast_in_dim3A_155 = vector.broadcast %broadcast_in_dim3A_154 : f32 to vector<16xf32>
        %mul3A_156 = arith.constant 16 : i32
        %mul3A_157 = arith.muli %scan3A_136, %mul3A_156 : i32
        %add3A_158 = arith.constant 0 : i32
        %add3A_159 = arith.addi %mul3A_157, %add3A_158 : i32
        %get3A_160 = arith.index_cast %add3A_159 : i32 to index
        %get3A_161 = arith.constant 0 : index
        %get3A_162 = tpu.vector_load %arg9[%get3A_160, %get3A_161] {strides = array<i32>} : memref<256x128xf32, #tpu.memory_space<vmem>>, vector<16xf32>,
        %max3A = arith.maximumf %get3A_162, %get3A_144 : vector<16xf32>
        %mul3A_163 = arith.mulf %max3A, %get3A_5 : vector<16xf32>
        %get3A_164 = arith.index_cast %add3A_159 : i32 to index
        %get3A_165 = arith.constant 16 : index
        %get3A_166 = tpu.vector_load %arg9[%get3A_164, %get3A_165] {strides = array<i32>} : memref<256x128xf32, #tpu.memory_space<vmem>>, vector<16xf32>,
        %max3A_167 = arith.maximumf %get3A_166, %get3A_147 : vector<16xf32>
        %mul3A_168 = arith.mulf %max3A_167, %get3A_7 : vector<16xf32>
        %add3A_169 = arith.addf %mul3A_163, %mul3A_168 : vector<16xf32>
        %get3A_170 = arith.index_cast %add3A_159 : i32 to index
        %get3A_171 = arith.constant 32 : index
        %get3A_172 = tpu.vector_load %arg9[%get3A_170, %get3A_171] {strides = array<i32>} : memref<256x128xf32, #tpu.memory_space<vmem>>, vector<16xf32>,
        %max3A_173 = arith.maximumf %get3A_172, %get3A_150 : vector<16xf32>
        %mul3A_174 = arith.mulf %max3A_173, %get3A_9 : vector<16xf32>
        %add3A_175 = arith.addf %add3A_169, %mul3A_174 : vector<16xf32>
        %get3A_176 = arith.index_cast %add3A_159 : i32 to index
        %get3A_177 = arith.constant 48 : index
        %get3A_178 = tpu.vector_load %arg9[%get3A_176, %get3A_177] {strides = array<i32>} : memref<256x128xf32, #tpu.memory_space<vmem>>, vector<16xf32>,
        %max3A_179 = arith.maximumf %get3A_178, %get3A_153 : vector<16xf32>
        %mul3A_180 = arith.mulf %max3A_179, %get3A_11 : vector<16xf32>
        %add3A_181 = arith.addf %add3A_175, %mul3A_180 : vector<16xf32>
        %eq3A = arith.constant 0 : i32
        %eq3A_182 = vector.broadcast %eq3A : i32 to vector<16xi32>
        %eq3A_183 = arith.cmpi eq, %iota3A, %eq3A_182 : vector<16xi32>
        %reduce_sum3A = arith.constant true
        %reduce_sum3A_184 = vector.broadcast %reduce_sum3A : i1 to vector<16xi1>
        %reduce_sum3A_185 = tpu.scan <sum>, %add3A_181 masked %reduce_sum3A_184 : vector<16xf32>, vector<16xi1> -> vector<16xf32>
        %reduce_sum3A_186 = vector.extract %reduce_sum3A_185[15] : f32 from vector<16xf32>
        %broadcast_in_dim3A_187 = vector.broadcast %reduce_sum3A_186 : f32 to vector<16xf32>
        %select_n3A = arith.select %eq3A_183, %broadcast_in_dim3A_187, %broadcast_in_dim3A_155 : vector<16xi1>, vector<16xf32>
        %mul3A_188 = arith.constant 16 : i32
        %mul3A_189 = arith.muli %scan3A_136, %mul3A_188 : i32
        %add3A_190 = arith.constant 1 : i32
        %add3A_191 = arith.addi %mul3A_189, %add3A_190 : i32
        %get3A_192 = arith.index_cast %add3A_191 : i32 to index
        %get3A_193 = arith.constant 0 : index
        %get3A_194 = tpu.vector_load %arg9[%get3A_192, %get3A_193] {strides = array<i32>} : memref<256x128xf32, #tpu.memory_space<vmem>>, vector<16xf32>,
        %max3A_195 = arith.maximumf %get3A_194, %get3A_144 : vector<16xf32>
        %mul3A_196 = arith.mulf %max3A_195, %get3A_5 : vector<16xf32>
        %get3A_197 = arith.index_cast %add3A_191 : i32 to index
        %get3A_198 = arith.constant 16 : index
        %get3A_199 = tpu.vector_load %arg9[%get3A_197, %get3A_198] {strides = array<i32>} : memref<256x128xf32, #tpu.memory_space<vmem>>, vector<16xf32>,
        %max3A_200 = arith.maximumf %get3A_199, %get3A_147 : vector<16xf32>
        %mul3A_201 = arith.mulf %max3A_200, %get3A_7 : vector<16xf32>
        %add3A_202 = arith.addf %mul3A_196, %mul3A_201 : vector<16xf32>
        %get3A_203 = arith.index_cast %add3A_191 : i32 to index
        %get3A_204 = arith.constant 32 : index
        %get3A_205 = tpu.vector_load %arg9[%get3A_203, %get3A_204] {strides = array<i32>} : memref<256x128xf32, #tpu.memory_space<vmem>>, vector<16xf32>,
        %max3A_206 = arith.maximumf %get3A_205, %get3A_150 : vector<16xf32>
        %mul3A_207 = arith.mulf %max3A_206, %get3A_9 : vector<16xf32>
        %add3A_208 = arith.addf %add3A_202, %mul3A_207 : vector<16xf32>
        %get3A_209 = arith.index_cast %add3A_191 : i32 to index
        %get3A_210 = arith.constant 48 : index
        %get3A_211 = tpu.vector_load %arg9[%get3A_209, %get3A_210] {strides = array<i32>} : memref<256x128xf32, #tpu.memory_space<vmem>>, vector<16xf32>,
        %max3A_212 = arith.maximumf %get3A_211, %get3A_153 : vector<16xf32>
        %mul3A_213 = arith.mulf %max3A_212, %get3A_11 : vector<16xf32>
        %add3A_214 = arith.addf %add3A_208, %mul3A_213 : vector<16xf32>
        %eq3A_215 = arith.constant 1 : i32
        %eq3A_216 = vector.broadcast %eq3A_215 : i32 to vector<16xi32>
        %eq3A_217 = arith.cmpi eq, %iota3A, %eq3A_216 : vector<16xi32>
        %reduce_sum3A_218 = arith.constant true
        %reduce_sum3A_219 = vector.broadcast %reduce_sum3A_218 : i1 to vector<16xi1>
        %reduce_sum3A_220 = tpu.scan <sum>, %add3A_214 masked %reduce_sum3A_219 : vector<16xf32>, vector<16xi1> -> vector<16xf32>
        %reduce_sum3A_221 = vector.extract %reduce_sum3A_220[15] : f32 from vector<16xf32>
        %broadcast_in_dim3A_222 = vector.broadcast %reduce_sum3A_221 : f32 to vector<16xf32>
        %select_n3A_223 = arith.select %eq3A_217, %broadcast_in_dim3A_222, %select_n3A : vector<16xi1>, vector<16xf32>
        %mul3A_224 = arith.constant 16 : i32
        %mul3A_225 = arith.muli %scan3A_136, %mul3A_224 : i32
        %add3A_226 = arith.constant 2 : i32
        %add3A_227 = arith.addi %mul3A_225, %add3A_226 : i32
        %get3A_228 = arith.index_cast %add3A_227 : i32 to index
        %get3A_229 = arith.constant 0 : index
        %get3A_230 = tpu.vector_load %arg9[%get3A_228, %get3A_229] {strides = array<i32>} : memref<256x128xf32, #tpu.memory_space<vmem>>, vector<16xf32>,
        %max3A_231 = arith.maximumf %get3A_230, %get3A_144 : vector<16xf32>
        %mul3A_232 = arith.mulf %max3A_231, %get3A_5 : vector<16xf32>
        %get3A_233 = arith.index_cast %add3A_227 : i32 to index
        %get3A_234 = arith.constant 16 : index
        %get3A_235 = tpu.vector_load %arg9[%get3A_233, %get3A_234] {strides = array<i32>} : memref<256x128xf32, #tpu.memory_space<vmem>>, vector<16xf32>,
        %max3A_236 = arith.maximumf %get3A_235, %get3A_147 : vector<16xf32>
        %mul3A_237 = arith.mulf %max3A_236, %get3A_7 : vector<16xf32>
        %add3A_238 = arith.addf %mul3A_232, %mul3A_237 : vector<16xf32>
        %get3A_239 = arith.index_cast %add3A_227 : i32 to index
        %get3A_240 = arith.constant 32 : index
        %get3A_241 = tpu.vector_load %arg9[%get3A_239, %get3A_240] {strides = array<i32>} : memref<256x128xf32, #tpu.memory_space<vmem>>, vector<16xf32>,
        %max3A_242 = arith.maximumf %get3A_241, %get3A_150 : vector<16xf32>
        %mul3A_243 = arith.mulf %max3A_242, %get3A_9 : vector<16xf32>
        %add3A_244 = arith.addf %add3A_238, %mul3A_243 : vector<16xf32>
        %get3A_245 = arith.index_cast %add3A_227 : i32 to index
        %get3A_246 = arith.constant 48 : index
        %get3A_247 = tpu.vector_load %arg9[%get3A_245, %get3A_246] {strides = array<i32>} : memref<256x128xf32, #tpu.memory_space<vmem>>, vector<16xf32>,
        %max3A_248 = arith.maximumf %get3A_247, %get3A_153 : vector<16xf32>
        %mul3A_249 = arith.mulf %max3A_248, %get3A_11 : vector<16xf32>
        %add3A_250 = arith.addf %add3A_244, %mul3A_249 : vector<16xf32>
        %eq3A_251 = arith.constant 2 : i32
        %eq3A_252 = vector.broadcast %eq3A_251 : i32 to vector<16xi32>
        %eq3A_253 = arith.cmpi eq, %iota3A, %eq3A_252 : vector<16xi32>
        %reduce_sum3A_254 = arith.constant true
        %reduce_sum3A_255 = vector.broadcast %reduce_sum3A_254 : i1 to vector<16xi1>
        %reduce_sum3A_256 = tpu.scan <sum>, %add3A_250 masked %reduce_sum3A_255 : vector<16xf32>, vector<16xi1> -> vector<16xf32>
        %reduce_sum3A_257 = vector.extract %reduce_sum3A_256[15] : f32 from vector<16xf32>
        %broadcast_in_dim3A_258 = vector.broadcast %reduce_sum3A_257 : f32 to vector<16xf32>
        %select_n3A_259 = arith.select %eq3A_253, %broadcast_in_dim3A_258, %select_n3A_223 : vector<16xi1>, vector<16xf32>
        %mul3A_260 = arith.constant 16 : i32
        %mul3A_261 = arith.muli %scan3A_136, %mul3A_260 : i32
        %add3A_262 = arith.constant 3 : i32
        %add3A_263 = arith.addi %mul3A_261, %add3A_262 : i32
        %get3A_264 = arith.index_cast %add3A_263 : i32 to index
        %get3A_265 = arith.constant 0 : index
        %get3A_266 = tpu.vector_load %arg9[%get3A_264, %get3A_265] {strides = array<i32>} : memref<256x128xf32, #tpu.memory_space<vmem>>, vector<16xf32>,
        %max3A_267 = arith.maximumf %get3A_266, %get3A_144 : vector<16xf32>
        %mul3A_268 = arith.mulf %max3A_267, %get3A_5 : vector<16xf32>
        %get3A_269 = arith.index_cast %add3A_263 : i32 to index
        %get3A_270 = arith.constant 16 : index
        %get3A_271 = tpu.vector_load %arg9[%get3A_269, %get3A_270] {strides = array<i32>} : memref<256x128xf32, #tpu.memory_space<vmem>>, vector<16xf32>,
        %max3A_272 = arith.maximumf %get3A_271, %get3A_147 : vector<16xf32>
        %mul3A_273 = arith.mulf %max3A_272, %get3A_7 : vector<16xf32>
        %add3A_274 = arith.addf %mul3A_268, %mul3A_273 : vector<16xf32>
        %get3A_275 = arith.index_cast %add3A_263 : i32 to index
        %get3A_276 = arith.constant 32 : index
        %get3A_277 = tpu.vector_load %arg9[%get3A_275, %get3A_276] {strides = array<i32>} : memref<256x128xf32, #tpu.memory_space<vmem>>, vector<16xf32>,
        %max3A_278 = arith.maximumf %get3A_277, %get3A_150 : vector<16xf32>
        %mul3A_279 = arith.mulf %max3A_278, %get3A_9 : vector<16xf32>
        %add3A_280 = arith.addf %add3A_274, %mul3A_279 : vector<16xf32>
        %get3A_281 = arith.index_cast %add3A_263 : i32 to index
        %get3A_282 = arith.constant 48 : index
        %get3A_283 = tpu.vector_load %arg9[%get3A_281, %get3A_282] {strides = array<i32>} : memref<256x128xf32, #tpu.memory_space<vmem>>, vector<16xf32>,
        %max3A_284 = arith.maximumf %get3A_283, %get3A_153 : vector<16xf32>
        %mul3A_285 = arith.mulf %max3A_284, %get3A_11 : vector<16xf32>
        %add3A_286 = arith.addf %add3A_280, %mul3A_285 : vector<16xf32>
        %eq3A_287 = arith.constant 3 : i32
        %eq3A_288 = vector.broadcast %eq3A_287 : i32 to vector<16xi32>
        %eq3A_289 = arith.cmpi eq, %iota3A, %eq3A_288 : vector<16xi32>
        %reduce_sum3A_290 = arith.constant true
        %reduce_sum3A_291 = vector.broadcast %reduce_sum3A_290 : i1 to vector<16xi1>
        %reduce_sum3A_292 = tpu.scan <sum>, %add3A_286 masked %reduce_sum3A_291 : vector<16xf32>, vector<16xi1> -> vector<16xf32>
        %reduce_sum3A_293 = vector.extract %reduce_sum3A_292[15] : f32 from vector<16xf32>
        %broadcast_in_dim3A_294 = vector.broadcast %reduce_sum3A_293 : f32 to vector<16xf32>
        %select_n3A_295 = arith.select %eq3A_289, %broadcast_in_dim3A_294, %select_n3A_259 : vector<16xi1>, vector<16xf32>
        %mul3A_296 = arith.constant 16 : i32
        %mul3A_297 = arith.muli %scan3A_136, %mul3A_296 : i32
        %add3A_298 = arith.constant 4 : i32
        %add3A_299 = arith.addi %mul3A_297, %add3A_298 : i32
        %get3A_300 = arith.index_cast %add3A_299 : i32 to index
        %get3A_301 = arith.constant 0 : index
        %get3A_302 = tpu.vector_load %arg9[%get3A_300, %get3A_301] {strides = array<i32>} : memref<256x128xf32, #tpu.memory_space<vmem>>, vector<16xf32>,
        %max3A_303 = arith.maximumf %get3A_302, %get3A_144 : vector<16xf32>
        %mul3A_304 = arith.mulf %max3A_303, %get3A_5 : vector<16xf32>
        %get3A_305 = arith.index_cast %add3A_299 : i32 to index
        %get3A_306 = arith.constant 16 : index
        %get3A_307 = tpu.vector_load %arg9[%get3A_305, %get3A_306] {strides = array<i32>} : memref<256x128xf32, #tpu.memory_space<vmem>>, vector<16xf32>,
        %max3A_308 = arith.maximumf %get3A_307, %get3A_147 : vector<16xf32>
        %mul3A_309 = arith.mulf %max3A_308, %get3A_7 : vector<16xf32>
        %add3A_310 = arith.addf %mul3A_304, %mul3A_309 : vector<16xf32>
        %get3A_311 = arith.index_cast %add3A_299 : i32 to index
        %get3A_312 = arith.constant 32 : index
        %get3A_313 = tpu.vector_load %arg9[%get3A_311, %get3A_312] {strides = array<i32>} : memref<256x128xf32, #tpu.memory_space<vmem>>, vector<16xf32>,
        %max3A_314 = arith.maximumf %get3A_313, %get3A_150 : vector<16xf32>
        %mul3A_315 = arith.mulf %max3A_314, %get3A_9 : vector<16xf32>
        %add3A_316 = arith.addf %add3A_310, %mul3A_315 : vector<16xf32>
        %get3A_317 = arith.index_cast %add3A_299 : i32 to index
        %get3A_318 = arith.constant 48 : index
        %get3A_319 = tpu.vector_load %arg9[%get3A_317, %get3A_318] {strides = array<i32>} : memref<256x128xf32, #tpu.memory_space<vmem>>, vector<16xf32>,
        %max3A_320 = arith.maximumf %get3A_319, %get3A_153 : vector<16xf32>
        %mul3A_321 = arith.mulf %max3A_320, %get3A_11 : vector<16xf32>
        %add3A_322 = arith.addf %add3A_316, %mul3A_321 : vector<16xf32>
        %eq3A_323 = arith.constant 4 : i32
        %eq3A_324 = vector.broadcast %eq3A_323 : i32 to vector<16xi32>
        %eq3A_325 = arith.cmpi eq, %iota3A, %eq3A_324 : vector<16xi32>
        %reduce_sum3A_326 = arith.constant true
        %reduce_sum3A_327 = vector.broadcast %reduce_sum3A_326 : i1 to vector<16xi1>
        %reduce_sum3A_328 = tpu.scan <sum>, %add3A_322 masked %reduce_sum3A_327 : vector<16xf32>, vector<16xi1> -> vector<16xf32>
        %reduce_sum3A_329 = vector.extract %reduce_sum3A_328[15] : f32 from vector<16xf32>
        %broadcast_in_dim3A_330 = vector.broadcast %reduce_sum3A_329 : f32 to vector<16xf32>
        %select_n3A_331 = arith.select %eq3A_325, %broadcast_in_dim3A_330, %select_n3A_295 : vector<16xi1>, vector<16xf32>
        %mul3A_332 = arith.constant 16 : i32
        %mul3A_333 = arith.muli %scan3A_136, %mul3A_332 : i32
        %add3A_334 = arith.constant 5 : i32
        %add3A_335 = arith.addi %mul3A_333, %add3A_334 : i32
        %get3A_336 = arith.index_cast %add3A_335 : i32 to index
        %get3A_337 = arith.constant 0 : index
        %get3A_338 = tpu.vector_load %arg9[%get3A_336, %get3A_337] {strides = array<i32>} : memref<256x128xf32, #tpu.memory_space<vmem>>, vector<16xf32>,
        %max3A_339 = arith.maximumf %get3A_338, %get3A_144 : vector<16xf32>
        %mul3A_340 = arith.mulf %max3A_339, %get3A_5 : vector<16xf32>
        %get3A_341 = arith.index_cast %add3A_335 : i32 to index
        %get3A_342 = arith.constant 16 : index
        %get3A_343 = tpu.vector_load %arg9[%get3A_341, %get3A_342] {strides = array<i32>} : memref<256x128xf32, #tpu.memory_space<vmem>>, vector<16xf32>,
        %max3A_344 = arith.maximumf %get3A_343, %get3A_147 : vector<16xf32>
        %mul3A_345 = arith.mulf %max3A_344, %get3A_7 : vector<16xf32>
        %add3A_346 = arith.addf %mul3A_340, %mul3A_345 : vector<16xf32>
        %get3A_347 = arith.index_cast %add3A_335 : i32 to index
        %get3A_348 = arith.constant 32 : index
        %get3A_349 = tpu.vector_load %arg9[%get3A_347, %get3A_348] {strides = array<i32>} : memref<256x128xf32, #tpu.memory_space<vmem>>, vector<16xf32>,
        %max3A_350 = arith.maximumf %get3A_349, %get3A_150 : vector<16xf32>
        %mul3A_351 = arith.mulf %max3A_350, %get3A_9 : vector<16xf32>
        %add3A_352 = arith.addf %add3A_346, %mul3A_351 : vector<16xf32>
        %get3A_353 = arith.index_cast %add3A_335 : i32 to index
        %get3A_354 = arith.constant 48 : index
        %get3A_355 = tpu.vector_load %arg9[%get3A_353, %get3A_354] {strides = array<i32>} : memref<256x128xf32, #tpu.memory_space<vmem>>, vector<16xf32>,
        %max3A_356 = arith.maximumf %get3A_355, %get3A_153 : vector<16xf32>
        %mul3A_357 = arith.mulf %max3A_356, %get3A_11 : vector<16xf32>
        %add3A_358 = arith.addf %add3A_352, %mul3A_357 : vector<16xf32>
        %eq3A_359 = arith.constant 5 : i32
        %eq3A_360 = vector.broadcast %eq3A_359 : i32 to vector<16xi32>
        %eq3A_361 = arith.cmpi eq, %iota3A, %eq3A_360 : vector<16xi32>
        %reduce_sum3A_362 = arith.constant true
        %reduce_sum3A_363 = vector.broadcast %reduce_sum3A_362 : i1 to vector<16xi1>
        %reduce_sum3A_364 = tpu.scan <sum>, %add3A_358 masked %reduce_sum3A_363 : vector<16xf32>, vector<16xi1> -> vector<16xf32>
        %reduce_sum3A_365 = vector.extract %reduce_sum3A_364[15] : f32 from vector<16xf32>
        %broadcast_in_dim3A_366 = vector.broadcast %reduce_sum3A_365 : f32 to vector<16xf32>
        %select_n3A_367 = arith.select %eq3A_361, %broadcast_in_dim3A_366, %select_n3A_331 : vector<16xi1>, vector<16xf32>
        %mul3A_368 = arith.constant 16 : i32
        %mul3A_369 = arith.muli %scan3A_136, %mul3A_368 : i32
        %add3A_370 = arith.constant 6 : i32
        %add3A_371 = arith.addi %mul3A_369, %add3A_370 : i32
        %get3A_372 = arith.index_cast %add3A_371 : i32 to index
        %get3A_373 = arith.constant 0 : index
        %get3A_374 = tpu.vector_load %arg9[%get3A_372, %get3A_373] {strides = array<i32>} : memref<256x128xf32, #tpu.memory_space<vmem>>, vector<16xf32>,
        %max3A_375 = arith.maximumf %get3A_374, %get3A_144 : vector<16xf32>
        %mul3A_376 = arith.mulf %max3A_375, %get3A_5 : vector<16xf32>
        %get3A_377 = arith.index_cast %add3A_371 : i32 to index
        %get3A_378 = arith.constant 16 : index
        %get3A_379 = tpu.vector_load %arg9[%get3A_377, %get3A_378] {strides = array<i32>} : memref<256x128xf32, #tpu.memory_space<vmem>>, vector<16xf32>,
        %max3A_380 = arith.maximumf %get3A_379, %get3A_147 : vector<16xf32>
        %mul3A_381 = arith.mulf %max3A_380, %get3A_7 : vector<16xf32>
        %add3A_382 = arith.addf %mul3A_376, %mul3A_381 : vector<16xf32>
        %get3A_383 = arith.index_cast %add3A_371 : i32 to index
        %get3A_384 = arith.constant 32 : index
        %get3A_385 = tpu.vector_load %arg9[%get3A_383, %get3A_384] {strides = array<i32>} : memref<256x128xf32, #tpu.memory_space<vmem>>, vector<16xf32>,
        %max3A_386 = arith.maximumf %get3A_385, %get3A_150 : vector<16xf32>
        %mul3A_387 = arith.mulf %max3A_386, %get3A_9 : vector<16xf32>
        %add3A_388 = arith.addf %add3A_382, %mul3A_387 : vector<16xf32>
        %get3A_389 = arith.index_cast %add3A_371 : i32 to index
        %get3A_390 = arith.constant 48 : index
        %get3A_391 = tpu.vector_load %arg9[%get3A_389, %get3A_390] {strides = array<i32>} : memref<256x128xf32, #tpu.memory_space<vmem>>, vector<16xf32>,
        %max3A_392 = arith.maximumf %get3A_391, %get3A_153 : vector<16xf32>
        %mul3A_393 = arith.mulf %max3A_392, %get3A_11 : vector<16xf32>
        %add3A_394 = arith.addf %add3A_388, %mul3A_393 : vector<16xf32>
        %eq3A_395 = arith.constant 6 : i32
        %eq3A_396 = vector.broadcast %eq3A_395 : i32 to vector<16xi32>
        %eq3A_397 = arith.cmpi eq, %iota3A, %eq3A_396 : vector<16xi32>
        %reduce_sum3A_398 = arith.constant true
        %reduce_sum3A_399 = vector.broadcast %reduce_sum3A_398 : i1 to vector<16xi1>
        %reduce_sum3A_400 = tpu.scan <sum>, %add3A_394 masked %reduce_sum3A_399 : vector<16xf32>, vector<16xi1> -> vector<16xf32>
        %reduce_sum3A_401 = vector.extract %reduce_sum3A_400[15] : f32 from vector<16xf32>
        %broadcast_in_dim3A_402 = vector.broadcast %reduce_sum3A_401 : f32 to vector<16xf32>
        %select_n3A_403 = arith.select %eq3A_397, %broadcast_in_dim3A_402, %select_n3A_367 : vector<16xi1>, vector<16xf32>
        %mul3A_404 = arith.constant 16 : i32
        %mul3A_405 = arith.muli %scan3A_136, %mul3A_404 : i32
        %add3A_406 = arith.constant 7 : i32
        %add3A_407 = arith.addi %mul3A_405, %add3A_406 : i32
        %get3A_408 = arith.index_cast %add3A_407 : i32 to index
        %get3A_409 = arith.constant 0 : index
        %get3A_410 = tpu.vector_load %arg9[%get3A_408, %get3A_409] {strides = array<i32>} : memref<256x128xf32, #tpu.memory_space<vmem>>, vector<16xf32>,
        %max3A_411 = arith.maximumf %get3A_410, %get3A_144 : vector<16xf32>
        %mul3A_412 = arith.mulf %max3A_411, %get3A_5 : vector<16xf32>
        %get3A_413 = arith.index_cast %add3A_407 : i32 to index
        %get3A_414 = arith.constant 16 : index
        %get3A_415 = tpu.vector_load %arg9[%get3A_413, %get3A_414] {strides = array<i32>} : memref<256x128xf32, #tpu.memory_space<vmem>>, vector<16xf32>,
        %max3A_416 = arith.maximumf %get3A_415, %get3A_147 : vector<16xf32>
        %mul3A_417 = arith.mulf %max3A_416, %get3A_7 : vector<16xf32>
        %add3A_418 = arith.addf %mul3A_412, %mul3A_417 : vector<16xf32>
        %get3A_419 = arith.index_cast %add3A_407 : i32 to index
        %get3A_420 = arith.constant 32 : index
        %get3A_421 = tpu.vector_load %arg9[%get3A_419, %get3A_420] {strides = array<i32>} : memref<256x128xf32, #tpu.memory_space<vmem>>, vector<16xf32>,
        %max3A_422 = arith.maximumf %get3A_421, %get3A_150 : vector<16xf32>
        %mul3A_423 = arith.mulf %max3A_422, %get3A_9 : vector<16xf32>
        %add3A_424 = arith.addf %add3A_418, %mul3A_423 : vector<16xf32>
        %get3A_425 = arith.index_cast %add3A_407 : i32 to index
        %get3A_426 = arith.constant 48 : index
        %get3A_427 = tpu.vector_load %arg9[%get3A_425, %get3A_426] {strides = array<i32>} : memref<256x128xf32, #tpu.memory_space<vmem>>, vector<16xf32>,
        %max3A_428 = arith.maximumf %get3A_427, %get3A_153 : vector<16xf32>
        %mul3A_429 = arith.mulf %max3A_428, %get3A_11 : vector<16xf32>
        %add3A_430 = arith.addf %add3A_424, %mul3A_429 : vector<16xf32>
        %eq3A_431 = arith.constant 7 : i32
        %eq3A_432 = vector.broadcast %eq3A_431 : i32 to vector<16xi32>
        %eq3A_433 = arith.cmpi eq, %iota3A, %eq3A_432 : vector<16xi32>
        %reduce_sum3A_434 = arith.constant true
        %reduce_sum3A_435 = vector.broadcast %reduce_sum3A_434 : i1 to vector<16xi1>
        %reduce_sum3A_436 = tpu.scan <sum>, %add3A_430 masked %reduce_sum3A_435 : vector<16xf32>, vector<16xi1> -> vector<16xf32>
        %reduce_sum3A_437 = vector.extract %reduce_sum3A_436[15] : f32 from vector<16xf32>
        %broadcast_in_dim3A_438 = vector.broadcast %reduce_sum3A_437 : f32 to vector<16xf32>
        %select_n3A_439 = arith.select %eq3A_433, %broadcast_in_dim3A_438, %select_n3A_403 : vector<16xi1>, vector<16xf32>
        %mul3A_440 = arith.constant 16 : i32
        %mul3A_441 = arith.muli %scan3A_136, %mul3A_440 : i32
        %add3A_442 = arith.constant 8 : i32
        %add3A_443 = arith.addi %mul3A_441, %add3A_442 : i32
        %get3A_444 = arith.index_cast %add3A_443 : i32 to index
        %get3A_445 = arith.constant 0 : index
        %get3A_446 = tpu.vector_load %arg9[%get3A_444, %get3A_445] {strides = array<i32>} : memref<256x128xf32, #tpu.memory_space<vmem>>, vector<16xf32>,
        %max3A_447 = arith.maximumf %get3A_446, %get3A_144 : vector<16xf32>
        %mul3A_448 = arith.mulf %max3A_447, %get3A_5 : vector<16xf32>
        %get3A_449 = arith.index_cast %add3A_443 : i32 to index
        %get3A_450 = arith.constant 16 : index
        %get3A_451 = tpu.vector_load %arg9[%get3A_449, %get3A_450] {strides = array<i32>} : memref<256x128xf32, #tpu.memory_space<vmem>>, vector<16xf32>,
        %max3A_452 = arith.maximumf %get3A_451, %get3A_147 : vector<16xf32>
        %mul3A_453 = arith.mulf %max3A_452, %get3A_7 : vector<16xf32>
        %add3A_454 = arith.addf %mul3A_448, %mul3A_453 : vector<16xf32>
        %get3A_455 = arith.index_cast %add3A_443 : i32 to index
        %get3A_456 = arith.constant 32 : index
        %get3A_457 = tpu.vector_load %arg9[%get3A_455, %get3A_456] {strides = array<i32>} : memref<256x128xf32, #tpu.memory_space<vmem>>, vector<16xf32>,
        %max3A_458 = arith.maximumf %get3A_457, %get3A_150 : vector<16xf32>
        %mul3A_459 = arith.mulf %max3A_458, %get3A_9 : vector<16xf32>
        %add3A_460 = arith.addf %add3A_454, %mul3A_459 : vector<16xf32>
        %get3A_461 = arith.index_cast %add3A_443 : i32 to index
        %get3A_462 = arith.constant 48 : index
        %get3A_463 = tpu.vector_load %arg9[%get3A_461, %get3A_462] {strides = array<i32>} : memref<256x128xf32, #tpu.memory_space<vmem>>, vector<16xf32>,
        %max3A_464 = arith.maximumf %get3A_463, %get3A_153 : vector<16xf32>
        %mul3A_465 = arith.mulf %max3A_464, %get3A_11 : vector<16xf32>
        %add3A_466 = arith.addf %add3A_460, %mul3A_465 : vector<16xf32>
        %eq3A_467 = arith.constant 8 : i32
        %eq3A_468 = vector.broadcast %eq3A_467 : i32 to vector<16xi32>
        %eq3A_469 = arith.cmpi eq, %iota3A, %eq3A_468 : vector<16xi32>
        %reduce_sum3A_470 = arith.constant true
        %reduce_sum3A_471 = vector.broadcast %reduce_sum3A_470 : i1 to vector<16xi1>
        %reduce_sum3A_472 = tpu.scan <sum>, %add3A_466 masked %reduce_sum3A_471 : vector<16xf32>, vector<16xi1> -> vector<16xf32>
        %reduce_sum3A_473 = vector.extract %reduce_sum3A_472[15] : f32 from vector<16xf32>
        %broadcast_in_dim3A_474 = vector.broadcast %reduce_sum3A_473 : f32 to vector<16xf32>
        %select_n3A_475 = arith.select %eq3A_469, %broadcast_in_dim3A_474, %select_n3A_439 : vector<16xi1>, vector<16xf32>
        %mul3A_476 = arith.constant 16 : i32
        %mul3A_477 = arith.muli %scan3A_136, %mul3A_476 : i32
        %add3A_478 = arith.constant 9 : i32
        %add3A_479 = arith.addi %mul3A_477, %add3A_478 : i32
        %get3A_480 = arith.index_cast %add3A_479 : i32 to index
        %get3A_481 = arith.constant 0 : index
        %get3A_482 = tpu.vector_load %arg9[%get3A_480, %get3A_481] {strides = array<i32>} : memref<256x128xf32, #tpu.memory_space<vmem>>, vector<16xf32>,
        %max3A_483 = arith.maximumf %get3A_482, %get3A_144 : vector<16xf32>
        %mul3A_484 = arith.mulf %max3A_483, %get3A_5 : vector<16xf32>
        %get3A_485 = arith.index_cast %add3A_479 : i32 to index
        %get3A_486 = arith.constant 16 : index
        %get3A_487 = tpu.vector_load %arg9[%get3A_485, %get3A_486] {strides = array<i32>} : memref<256x128xf32, #tpu.memory_space<vmem>>, vector<16xf32>,
        %max3A_488 = arith.maximumf %get3A_487, %get3A_147 : vector<16xf32>
        %mul3A_489 = arith.mulf %max3A_488, %get3A_7 : vector<16xf32>
        %add3A_490 = arith.addf %mul3A_484, %mul3A_489 : vector<16xf32>
        %get3A_491 = arith.index_cast %add3A_479 : i32 to index
        %get3A_492 = arith.constant 32 : index
        %get3A_493 = tpu.vector_load %arg9[%get3A_491, %get3A_492] {strides = array<i32>} : memref<256x128xf32, #tpu.memory_space<vmem>>, vector<16xf32>,
        %max3A_494 = arith.maximumf %get3A_493, %get3A_150 : vector<16xf32>
        %mul3A_495 = arith.mulf %max3A_494, %get3A_9 : vector<16xf32>
        %add3A_496 = arith.addf %add3A_490, %mul3A_495 : vector<16xf32>
        %get3A_497 = arith.index_cast %add3A_479 : i32 to index
        %get3A_498 = arith.constant 48 : index
        %get3A_499 = tpu.vector_load %arg9[%get3A_497, %get3A_498] {strides = array<i32>} : memref<256x128xf32, #tpu.memory_space<vmem>>, vector<16xf32>,
        %max3A_500 = arith.maximumf %get3A_499, %get3A_153 : vector<16xf32>
        %mul3A_501 = arith.mulf %max3A_500, %get3A_11 : vector<16xf32>
        %add3A_502 = arith.addf %add3A_496, %mul3A_501 : vector<16xf32>
        %eq3A_503 = arith.constant 9 : i32
        %eq3A_504 = vector.broadcast %eq3A_503 : i32 to vector<16xi32>
        %eq3A_505 = arith.cmpi eq, %iota3A, %eq3A_504 : vector<16xi32>
        %reduce_sum3A_506 = arith.constant true
        %reduce_sum3A_507 = vector.broadcast %reduce_sum3A_506 : i1 to vector<16xi1>
        %reduce_sum3A_508 = tpu.scan <sum>, %add3A_502 masked %reduce_sum3A_507 : vector<16xf32>, vector<16xi1> -> vector<16xf32>
        %reduce_sum3A_509 = vector.extract %reduce_sum3A_508[15] : f32 from vector<16xf32>
        %broadcast_in_dim3A_510 = vector.broadcast %reduce_sum3A_509 : f32 to vector<16xf32>
        %select_n3A_511 = arith.select %eq3A_505, %broadcast_in_dim3A_510, %select_n3A_475 : vector<16xi1>, vector<16xf32>
        %mul3A_512 = arith.constant 16 : i32
        %mul3A_513 = arith.muli %scan3A_136, %mul3A_512 : i32
        %add3A_514 = arith.constant 10 : i32
        %add3A_515 = arith.addi %mul3A_513, %add3A_514 : i32
        %get3A_516 = arith.index_cast %add3A_515 : i32 to index
        %get3A_517 = arith.constant 0 : index
        %get3A_518 = tpu.vector_load %arg9[%get3A_516, %get3A_517] {strides = array<i32>} : memref<256x128xf32, #tpu.memory_space<vmem>>, vector<16xf32>,
        %max3A_519 = arith.maximumf %get3A_518, %get3A_144 : vector<16xf32>
        %mul3A_520 = arith.mulf %max3A_519, %get3A_5 : vector<16xf32>
        %get3A_521 = arith.index_cast %add3A_515 : i32 to index
        %get3A_522 = arith.constant 16 : index
        %get3A_523 = tpu.vector_load %arg9[%get3A_521, %get3A_522] {strides = array<i32>} : memref<256x128xf32, #tpu.memory_space<vmem>>, vector<16xf32>,
        %max3A_524 = arith.maximumf %get3A_523, %get3A_147 : vector<16xf32>
        %mul3A_525 = arith.mulf %max3A_524, %get3A_7 : vector<16xf32>
        %add3A_526 = arith.addf %mul3A_520, %mul3A_525 : vector<16xf32>
        %get3A_527 = arith.index_cast %add3A_515 : i32 to index
        %get3A_528 = arith.constant 32 : index
        %get3A_529 = tpu.vector_load %arg9[%get3A_527, %get3A_528] {strides = array<i32>} : memref<256x128xf32, #tpu.memory_space<vmem>>, vector<16xf32>,
        %max3A_530 = arith.maximumf %get3A_529, %get3A_150 : vector<16xf32>
        %mul3A_531 = arith.mulf %max3A_530, %get3A_9 : vector<16xf32>
        %add3A_532 = arith.addf %add3A_526, %mul3A_531 : vector<16xf32>
        %get3A_533 = arith.index_cast %add3A_515 : i32 to index
        %get3A_534 = arith.constant 48 : index
        %get3A_535 = tpu.vector_load %arg9[%get3A_533, %get3A_534] {strides = array<i32>} : memref<256x128xf32, #tpu.memory_space<vmem>>, vector<16xf32>,
        %max3A_536 = arith.maximumf %get3A_535, %get3A_153 : vector<16xf32>
        %mul3A_537 = arith.mulf %max3A_536, %get3A_11 : vector<16xf32>
        %add3A_538 = arith.addf %add3A_532, %mul3A_537 : vector<16xf32>
        %eq3A_539 = arith.constant 10 : i32
        %eq3A_540 = vector.broadcast %eq3A_539 : i32 to vector<16xi32>
        %eq3A_541 = arith.cmpi eq, %iota3A, %eq3A_540 : vector<16xi32>
        %reduce_sum3A_542 = arith.constant true
        %reduce_sum3A_543 = vector.broadcast %reduce_sum3A_542 : i1 to vector<16xi1>
        %reduce_sum3A_544 = tpu.scan <sum>, %add3A_538 masked %reduce_sum3A_543 : vector<16xf32>, vector<16xi1> -> vector<16xf32>
        %reduce_sum3A_545 = vector.extract %reduce_sum3A_544[15] : f32 from vector<16xf32>
        %broadcast_in_dim3A_546 = vector.broadcast %reduce_sum3A_545 : f32 to vector<16xf32>
        %select_n3A_547 = arith.select %eq3A_541, %broadcast_in_dim3A_546, %select_n3A_511 : vector<16xi1>, vector<16xf32>
        %mul3A_548 = arith.constant 16 : i32
        %mul3A_549 = arith.muli %scan3A_136, %mul3A_548 : i32
        %add3A_550 = arith.constant 11 : i32
        %add3A_551 = arith.addi %mul3A_549, %add3A_550 : i32
        %get3A_552 = arith.index_cast %add3A_551 : i32 to index
        %get3A_553 = arith.constant 0 : index
        %get3A_554 = tpu.vector_load %arg9[%get3A_552, %get3A_553] {strides = array<i32>} : memref<256x128xf32, #tpu.memory_space<vmem>>, vector<16xf32>,
        %max3A_555 = arith.maximumf %get3A_554, %get3A_144 : vector<16xf32>
        %mul3A_556 = arith.mulf %max3A_555, %get3A_5 : vector<16xf32>
        %get3A_557 = arith.index_cast %add3A_551 : i32 to index
        %get3A_558 = arith.constant 16 : index
        %get3A_559 = tpu.vector_load %arg9[%get3A_557, %get3A_558] {strides = array<i32>} : memref<256x128xf32, #tpu.memory_space<vmem>>, vector<16xf32>,
        %max3A_560 = arith.maximumf %get3A_559, %get3A_147 : vector<16xf32>
        %mul3A_561 = arith.mulf %max3A_560, %get3A_7 : vector<16xf32>
        %add3A_562 = arith.addf %mul3A_556, %mul3A_561 : vector<16xf32>
        %get3A_563 = arith.index_cast %add3A_551 : i32 to index
        %get3A_564 = arith.constant 32 : index
        %get3A_565 = tpu.vector_load %arg9[%get3A_563, %get3A_564] {strides = array<i32>} : memref<256x128xf32, #tpu.memory_space<vmem>>, vector<16xf32>,
        %max3A_566 = arith.maximumf %get3A_565, %get3A_150 : vector<16xf32>
        %mul3A_567 = arith.mulf %max3A_566, %get3A_9 : vector<16xf32>
        %add3A_568 = arith.addf %add3A_562, %mul3A_567 : vector<16xf32>
        %get3A_569 = arith.index_cast %add3A_551 : i32 to index
        %get3A_570 = arith.constant 48 : index
        %get3A_571 = tpu.vector_load %arg9[%get3A_569, %get3A_570] {strides = array<i32>} : memref<256x128xf32, #tpu.memory_space<vmem>>, vector<16xf32>,
        %max3A_572 = arith.maximumf %get3A_571, %get3A_153 : vector<16xf32>
        %mul3A_573 = arith.mulf %max3A_572, %get3A_11 : vector<16xf32>
        %add3A_574 = arith.addf %add3A_568, %mul3A_573 : vector<16xf32>
        %eq3A_575 = arith.constant 11 : i32
        %eq3A_576 = vector.broadcast %eq3A_575 : i32 to vector<16xi32>
        %eq3A_577 = arith.cmpi eq, %iota3A, %eq3A_576 : vector<16xi32>
        %reduce_sum3A_578 = arith.constant true
        %reduce_sum3A_579 = vector.broadcast %reduce_sum3A_578 : i1 to vector<16xi1>
        %reduce_sum3A_580 = tpu.scan <sum>, %add3A_574 masked %reduce_sum3A_579 : vector<16xf32>, vector<16xi1> -> vector<16xf32>
        %reduce_sum3A_581 = vector.extract %reduce_sum3A_580[15] : f32 from vector<16xf32>
        %broadcast_in_dim3A_582 = vector.broadcast %reduce_sum3A_581 : f32 to vector<16xf32>
        %select_n3A_583 = arith.select %eq3A_577, %broadcast_in_dim3A_582, %select_n3A_547 : vector<16xi1>, vector<16xf32>
        %mul3A_584 = arith.constant 16 : i32
        %mul3A_585 = arith.muli %scan3A_136, %mul3A_584 : i32
        %add3A_586 = arith.constant 12 : i32
        %add3A_587 = arith.addi %mul3A_585, %add3A_586 : i32
        %get3A_588 = arith.index_cast %add3A_587 : i32 to index
        %get3A_589 = arith.constant 0 : index
        %get3A_590 = tpu.vector_load %arg9[%get3A_588, %get3A_589] {strides = array<i32>} : memref<256x128xf32, #tpu.memory_space<vmem>>, vector<16xf32>,
        %max3A_591 = arith.maximumf %get3A_590, %get3A_144 : vector<16xf32>
        %mul3A_592 = arith.mulf %max3A_591, %get3A_5 : vector<16xf32>
        %get3A_593 = arith.index_cast %add3A_587 : i32 to index
        %get3A_594 = arith.constant 16 : index
        %get3A_595 = tpu.vector_load %arg9[%get3A_593, %get3A_594] {strides = array<i32>} : memref<256x128xf32, #tpu.memory_space<vmem>>, vector<16xf32>,
        %max3A_596 = arith.maximumf %get3A_595, %get3A_147 : vector<16xf32>
        %mul3A_597 = arith.mulf %max3A_596, %get3A_7 : vector<16xf32>
        %add3A_598 = arith.addf %mul3A_592, %mul3A_597 : vector<16xf32>
        %get3A_599 = arith.index_cast %add3A_587 : i32 to index
        %get3A_600 = arith.constant 32 : index
        %get3A_601 = tpu.vector_load %arg9[%get3A_599, %get3A_600] {strides = array<i32>} : memref<256x128xf32, #tpu.memory_space<vmem>>, vector<16xf32>,
        %max3A_602 = arith.maximumf %get3A_601, %get3A_150 : vector<16xf32>
        %mul3A_603 = arith.mulf %max3A_602, %get3A_9 : vector<16xf32>
        %add3A_604 = arith.addf %add3A_598, %mul3A_603 : vector<16xf32>
        %get3A_605 = arith.index_cast %add3A_587 : i32 to index
        %get3A_606 = arith.constant 48 : index
        %get3A_607 = tpu.vector_load %arg9[%get3A_605, %get3A_606] {strides = array<i32>} : memref<256x128xf32, #tpu.memory_space<vmem>>, vector<16xf32>,
        %max3A_608 = arith.maximumf %get3A_607, %get3A_153 : vector<16xf32>
        %mul3A_609 = arith.mulf %max3A_608, %get3A_11 : vector<16xf32>
        %add3A_610 = arith.addf %add3A_604, %mul3A_609 : vector<16xf32>
        %eq3A_611 = arith.constant 12 : i32
        %eq3A_612 = vector.broadcast %eq3A_611 : i32 to vector<16xi32>
        %eq3A_613 = arith.cmpi eq, %iota3A, %eq3A_612 : vector<16xi32>
        %reduce_sum3A_614 = arith.constant true
        %reduce_sum3A_615 = vector.broadcast %reduce_sum3A_614 : i1 to vector<16xi1>
        %reduce_sum3A_616 = tpu.scan <sum>, %add3A_610 masked %reduce_sum3A_615 : vector<16xf32>, vector<16xi1> -> vector<16xf32>
        %reduce_sum3A_617 = vector.extract %reduce_sum3A_616[15] : f32 from vector<16xf32>
        %broadcast_in_dim3A_618 = vector.broadcast %reduce_sum3A_617 : f32 to vector<16xf32>
        %select_n3A_619 = arith.select %eq3A_613, %broadcast_in_dim3A_618, %select_n3A_583 : vector<16xi1>, vector<16xf32>
        %mul3A_620 = arith.constant 16 : i32
        %mul3A_621 = arith.muli %scan3A_136, %mul3A_620 : i32
        %add3A_622 = arith.constant 13 : i32
        %add3A_623 = arith.addi %mul3A_621, %add3A_622 : i32
        %get3A_624 = arith.index_cast %add3A_623 : i32 to index
        %get3A_625 = arith.constant 0 : index
        %get3A_626 = tpu.vector_load %arg9[%get3A_624, %get3A_625] {strides = array<i32>} : memref<256x128xf32, #tpu.memory_space<vmem>>, vector<16xf32>,
        %max3A_627 = arith.maximumf %get3A_626, %get3A_144 : vector<16xf32>
        %mul3A_628 = arith.mulf %max3A_627, %get3A_5 : vector<16xf32>
        %get3A_629 = arith.index_cast %add3A_623 : i32 to index
        %get3A_630 = arith.constant 16 : index
        %get3A_631 = tpu.vector_load %arg9[%get3A_629, %get3A_630] {strides = array<i32>} : memref<256x128xf32, #tpu.memory_space<vmem>>, vector<16xf32>,
        %max3A_632 = arith.maximumf %get3A_631, %get3A_147 : vector<16xf32>
        %mul3A_633 = arith.mulf %max3A_632, %get3A_7 : vector<16xf32>
        %add3A_634 = arith.addf %mul3A_628, %mul3A_633 : vector<16xf32>
        %get3A_635 = arith.index_cast %add3A_623 : i32 to index
        %get3A_636 = arith.constant 32 : index
        %get3A_637 = tpu.vector_load %arg9[%get3A_635, %get3A_636] {strides = array<i32>} : memref<256x128xf32, #tpu.memory_space<vmem>>, vector<16xf32>,
        %max3A_638 = arith.maximumf %get3A_637, %get3A_150 : vector<16xf32>
        %mul3A_639 = arith.mulf %max3A_638, %get3A_9 : vector<16xf32>
        %add3A_640 = arith.addf %add3A_634, %mul3A_639 : vector<16xf32>
        %get3A_641 = arith.index_cast %add3A_623 : i32 to index
        %get3A_642 = arith.constant 48 : index
        %get3A_643 = tpu.vector_load %arg9[%get3A_641, %get3A_642] {strides = array<i32>} : memref<256x128xf32, #tpu.memory_space<vmem>>, vector<16xf32>,
        %max3A_644 = arith.maximumf %get3A_643, %get3A_153 : vector<16xf32>
        %mul3A_645 = arith.mulf %max3A_644, %get3A_11 : vector<16xf32>
        %add3A_646 = arith.addf %add3A_640, %mul3A_645 : vector<16xf32>
        %eq3A_647 = arith.constant 13 : i32
        %eq3A_648 = vector.broadcast %eq3A_647 : i32 to vector<16xi32>
        %eq3A_649 = arith.cmpi eq, %iota3A, %eq3A_648 : vector<16xi32>
        %reduce_sum3A_650 = arith.constant true
        %reduce_sum3A_651 = vector.broadcast %reduce_sum3A_650 : i1 to vector<16xi1>
        %reduce_sum3A_652 = tpu.scan <sum>, %add3A_646 masked %reduce_sum3A_651 : vector<16xf32>, vector<16xi1> -> vector<16xf32>
        %reduce_sum3A_653 = vector.extract %reduce_sum3A_652[15] : f32 from vector<16xf32>
        %broadcast_in_dim3A_654 = vector.broadcast %reduce_sum3A_653 : f32 to vector<16xf32>
        %select_n3A_655 = arith.select %eq3A_649, %broadcast_in_dim3A_654, %select_n3A_619 : vector<16xi1>, vector<16xf32>
        %mul3A_656 = arith.constant 16 : i32
        %mul3A_657 = arith.muli %scan3A_136, %mul3A_656 : i32
        %add3A_658 = arith.constant 14 : i32
        %add3A_659 = arith.addi %mul3A_657, %add3A_658 : i32
        %get3A_660 = arith.index_cast %add3A_659 : i32 to index
        %get3A_661 = arith.constant 0 : index
        %get3A_662 = tpu.vector_load %arg9[%get3A_660, %get3A_661] {strides = array<i32>} : memref<256x128xf32, #tpu.memory_space<vmem>>, vector<16xf32>,
        %max3A_663 = arith.maximumf %get3A_662, %get3A_144 : vector<16xf32>
        %mul3A_664 = arith.mulf %max3A_663, %get3A_5 : vector<16xf32>
        %get3A_665 = arith.index_cast %add3A_659 : i32 to index
        %get3A_666 = arith.constant 16 : index
        %get3A_667 = tpu.vector_load %arg9[%get3A_665, %get3A_666] {strides = array<i32>} : memref<256x128xf32, #tpu.memory_space<vmem>>, vector<16xf32>,
        %max3A_668 = arith.maximumf %get3A_667, %get3A_147 : vector<16xf32>
        %mul3A_669 = arith.mulf %max3A_668, %get3A_7 : vector<16xf32>
        %add3A_670 = arith.addf %mul3A_664, %mul3A_669 : vector<16xf32>
        %get3A_671 = arith.index_cast %add3A_659 : i32 to index
        %get3A_672 = arith.constant 32 : index
        %get3A_673 = tpu.vector_load %arg9[%get3A_671, %get3A_672] {strides = array<i32>} : memref<256x128xf32, #tpu.memory_space<vmem>>, vector<16xf32>,
        %max3A_674 = arith.maximumf %get3A_673, %get3A_150 : vector<16xf32>
        %mul3A_675 = arith.mulf %max3A_674, %get3A_9 : vector<16xf32>
        %add3A_676 = arith.addf %add3A_670, %mul3A_675 : vector<16xf32>
        %get3A_677 = arith.index_cast %add3A_659 : i32 to index
        %get3A_678 = arith.constant 48 : index
        %get3A_679 = tpu.vector_load %arg9[%get3A_677, %get3A_678] {strides = array<i32>} : memref<256x128xf32, #tpu.memory_space<vmem>>, vector<16xf32>,
        %max3A_680 = arith.maximumf %get3A_679, %get3A_153 : vector<16xf32>
        %mul3A_681 = arith.mulf %max3A_680, %get3A_11 : vector<16xf32>
        %add3A_682 = arith.addf %add3A_676, %mul3A_681 : vector<16xf32>
        %eq3A_683 = arith.constant 14 : i32
        %eq3A_684 = vector.broadcast %eq3A_683 : i32 to vector<16xi32>
        %eq3A_685 = arith.cmpi eq, %iota3A, %eq3A_684 : vector<16xi32>
        %reduce_sum3A_686 = arith.constant true
        %reduce_sum3A_687 = vector.broadcast %reduce_sum3A_686 : i1 to vector<16xi1>
        %reduce_sum3A_688 = tpu.scan <sum>, %add3A_682 masked %reduce_sum3A_687 : vector<16xf32>, vector<16xi1> -> vector<16xf32>
        %reduce_sum3A_689 = vector.extract %reduce_sum3A_688[15] : f32 from vector<16xf32>
        %broadcast_in_dim3A_690 = vector.broadcast %reduce_sum3A_689 : f32 to vector<16xf32>
        %select_n3A_691 = arith.select %eq3A_685, %broadcast_in_dim3A_690, %select_n3A_655 : vector<16xi1>, vector<16xf32>
        %mul3A_692 = arith.constant 16 : i32
        %mul3A_693 = arith.muli %scan3A_136, %mul3A_692 : i32
        %add3A_694 = arith.constant 15 : i32
        %add3A_695 = arith.addi %mul3A_693, %add3A_694 : i32
        %get3A_696 = arith.index_cast %add3A_695 : i32 to index
        %get3A_697 = arith.constant 0 : index
        %get3A_698 = tpu.vector_load %arg9[%get3A_696, %get3A_697] {strides = array<i32>} : memref<256x128xf32, #tpu.memory_space<vmem>>, vector<16xf32>,
        %max3A_699 = arith.maximumf %get3A_698, %get3A_144 : vector<16xf32>
        %mul3A_700 = arith.mulf %max3A_699, %get3A_5 : vector<16xf32>
        %get3A_701 = arith.index_cast %add3A_695 : i32 to index
        %get3A_702 = arith.constant 16 : index
        %get3A_703 = tpu.vector_load %arg9[%get3A_701, %get3A_702] {strides = array<i32>} : memref<256x128xf32, #tpu.memory_space<vmem>>, vector<16xf32>,
        %max3A_704 = arith.maximumf %get3A_703, %get3A_147 : vector<16xf32>
        %mul3A_705 = arith.mulf %max3A_704, %get3A_7 : vector<16xf32>
        %add3A_706 = arith.addf %mul3A_700, %mul3A_705 : vector<16xf32>
        %get3A_707 = arith.index_cast %add3A_695 : i32 to index
        %get3A_708 = arith.constant 32 : index
        %get3A_709 = tpu.vector_load %arg9[%get3A_707, %get3A_708] {strides = array<i32>} : memref<256x128xf32, #tpu.memory_space<vmem>>, vector<16xf32>,
        %max3A_710 = arith.maximumf %get3A_709, %get3A_150 : vector<16xf32>
        %mul3A_711 = arith.mulf %max3A_710, %get3A_9 : vector<16xf32>
        %add3A_712 = arith.addf %add3A_706, %mul3A_711 : vector<16xf32>
        %get3A_713 = arith.index_cast %add3A_695 : i32 to index
        %get3A_714 = arith.constant 48 : index
        %get3A_715 = tpu.vector_load %arg9[%get3A_713, %get3A_714] {strides = array<i32>} : memref<256x128xf32, #tpu.memory_space<vmem>>, vector<16xf32>,
        %max3A_716 = arith.maximumf %get3A_715, %get3A_153 : vector<16xf32>
        %mul3A_717 = arith.mulf %max3A_716, %get3A_11 : vector<16xf32>
        %add3A_718 = arith.addf %add3A_712, %mul3A_717 : vector<16xf32>
        %eq3A_719 = arith.constant 15 : i32
        %eq3A_720 = vector.broadcast %eq3A_719 : i32 to vector<16xi32>
        %eq3A_721 = arith.cmpi eq, %iota3A, %eq3A_720 : vector<16xi32>
        %reduce_sum3A_722 = arith.constant true
        %reduce_sum3A_723 = vector.broadcast %reduce_sum3A_722 : i1 to vector<16xi1>
        %reduce_sum3A_724 = tpu.scan <sum>, %add3A_718 masked %reduce_sum3A_723 : vector<16xf32>, vector<16xi1> -> vector<16xf32>
        %reduce_sum3A_725 = vector.extract %reduce_sum3A_724[15] : f32 from vector<16xf32>
        %broadcast_in_dim3A_726 = vector.broadcast %reduce_sum3A_725 : f32 to vector<16xf32>
        %select_n3A_727 = arith.select %eq3A_721, %broadcast_in_dim3A_726, %select_n3A_691 : vector<16xi1>, vector<16xf32>
        %exp3A = math.exp %select_n3A_727 : vector<16xf32>
        %mul3A_728 = arith.constant 16 : i32
        %mul3A_729 = arith.muli %scan3A_136, %mul3A_728 : i32
        %add3A_730 = vector.broadcast %mul3A_729 : i32 to vector<16xi32>
        %add3A_731 = arith.addi %add3A_730, %iota3A : vector<16xi32>
        %broadcast_in_dim3A_732 = arith.constant 64 : i32
        %broadcast_in_dim3A_733 = vector.broadcast %broadcast_in_dim3A_732 : i32 to vector<16xi32>
        %gather3A_734 = tpu.vector_load_idx %arg9[%add3A_731, %broadcast_in_dim3A_733] : memref<256x128xf32, #tpu.memory_space<vmem>>[vector<16xi32>, vector<16xi32>], vector<16xf32>,
        %mul3A_735 = arith.mulf %exp3A, %gather3A_734 : vector<16xf32>
        %reduce_sum3A_736 = arith.constant true
        %reduce_sum3A_737 = vector.broadcast %reduce_sum3A_736 : i1 to vector<16xi1>
        %reduce_sum3A_738 = tpu.scan <sum>, %mul3A_735 masked %reduce_sum3A_737 : vector<16xf32>, vector<16xi1> -> vector<16xf32>
        %reduce_sum3A_739 = vector.extract %reduce_sum3A_738[15] : f32 from vector<16xf32>
        %reduce_sum3A_740 = arith.constant true
        %reduce_sum3A_741 = vector.broadcast %reduce_sum3A_740 : i1 to vector<16xi1>
        %reduce_sum3A_742 = tpu.scan <sum>, %exp3A masked %reduce_sum3A_741 : vector<16xf32>, vector<16xi1> -> vector<16xf32>
        %reduce_sum3A_743 = vector.extract %reduce_sum3A_742[15] : f32 from vector<16xf32>
        %eq3A_744 = vector.broadcast %scan3A_136 : i32 to vector<16xi32>
        %eq3A_745 = arith.cmpi eq, %iota3A, %eq3A_744 : vector<16xi32>
        %broadcast_in_dim3A_746 = vector.broadcast %reduce_sum3A_739 : f32 to vector<16xf32>
        %select_n3A_747 = arith.select %eq3A_745, %broadcast_in_dim3A_746, %scan3A_137 : vector<16xi1>, vector<16xf32>
        %eq3A_748 = vector.broadcast %scan3A_136 : i32 to vector<16xi32>
        %eq3A_749 = arith.cmpi eq, %iota3A, %eq3A_748 : vector<16xi32>
        %broadcast_in_dim3A_750 = vector.broadcast %reduce_sum3A_743 : f32 to vector<16xf32>
        %select_n3A_751 = arith.select %eq3A_749, %broadcast_in_dim3A_750, %scan3A_138 : vector<16xi1>, vector<16xf32>
        scf.yield %select_n3A_747, %select_n3A_751 : vector<16xf32>, vector<16xf32>
      }
      %scan3A_129 = arith.constant 16 : i32
      %div3A_130 = arith.divf %scan3A_128#0, %scan3A_128#1 : vector<16xf32>
      %add3A_131 = arith.addf %gather3A_119, %div3A_130 : vector<16xf32>
      %mul3A_132 = arith.constant 16 : i32
      %mul3A_133 = arith.muli %add3A_112, %mul3A_132 : i32
      %swap3A_134 = arith.index_cast %mul3A_133 : i32 to index
      %swap3A_135 = tpu.vector_load %arg12[%swap3A_134] {strides = array<i32>} : memref<128xf32, #tpu.memory_space<vmem>>, vector<16xf32>,
      tpu.vector_store %arg12[%swap3A_134], %add3A_131 {strides = array<i32>} : memref<128xf32, #tpu.memory_space<vmem>>, vector<16xf32>,
    }
    %scan3A_31 = arith.constant 4 : i32
    %mul3A_32 = arith.constant 128 : i32
    %mul3A_33 = arith.muli %add3A, %mul3A_32 : i32
    "tpu.region"() ({
      %run_scoped3A = tpu.sem_alloc : memref<!tpu.dma_semaphore, #tpu.memory_space<semaphore_mem>>
      %dma_start3A_34 = tpu.memref_slice %arg6[%mul3A_33] : memref<4096xf32, #tpu.memory_space<hbm>> -> memref<128xf32, #tpu.memory_space<hbm>>
      %dma_start3A_35 = tpu.memref_slice %arg6[%mul3A_33] : memref<4096xf32, #tpu.memory_space<hbm>> -> memref<128xf32, #tpu.memory_space<hbm>>
      tpu.enqueue_dma source(%arg12 : memref<128xf32, #tpu.memory_space<vmem>>) target(%dma_start3A_35 : memref<128xf32, #tpu.memory_space<hbm>>) target_semaphore(%run_scoped3A : memref<!tpu.dma_semaphore, #tpu.memory_space<semaphore_mem>>)
      %dma_wait3A = tpu.memref_slice %arg6[%mul3A_33] : memref<4096xf32, #tpu.memory_space<hbm>> -> memref<128xf32, #tpu.memory_space<hbm>>
      %dma_wait3A_36 = tpu.memref_slice %arg6[%mul3A_33] : memref<4096xf32, #tpu.memory_space<hbm>> -> memref<128xf32, #tpu.memory_space<hbm>>
      tpu.wait_dma2 semaphore(%run_scoped3A : memref<!tpu.dma_semaphore, #tpu.memory_space<semaphore_mem>>) src(%arg12 : memref<128xf32, #tpu.memory_space<vmem>>) dst(%dma_wait3A_36 : memref<128xf32, #tpu.memory_space<hbm>>)
      tpu.yield
    }) : () -> ()
    return
  }
}

module attributes {stable_mosaic.version = 14 : i64} {
  func.func @_dense_body(%arg0: memref<64x10000xf32, #tpu.memory_space<vmem>>, %arg1: memref<4096x256xf32, #tpu.memory_space<vmem>>, %arg2: memref<320x64xf32, #tpu.memory_space<vmem>>, %arg3: memref<64xf32, #tpu.memory_space<vmem>>, %arg4: memref<64x1xf32, #tpu.memory_space<vmem>>, %arg5: memref<1xf32, #tpu.memory_space<vmem>>, %arg6: memref<256x1xf32, #tpu.memory_space<vmem>>, %arg7: memref<1xf32, #tpu.memory_space<vmem>>, %arg8: memref<10000x128xf32, #tpu.memory_space<vmem>>, %arg9: memref<4096x128xf32, #tpu.memory_space<vmem>>) attributes {dimension_semantics = [], scalar_prefetch = 0 : i64, scratch_operands = 0 : i64, tpu.core_type = #tpu.core_type<tc>} {
    %broadcast_in_dim3A = arith.constant 0.000000e+00 : f32
    %broadcast_in_dim3A_0 = vector.broadcast %broadcast_in_dim3A : f32 to vector<64x63xf32>
    %get3A = arith.constant 0 : index
    %get3A_1 = arith.constant 0 : index
    %get3A_2 = vector.load %arg2[%get3A, %get3A_1] : memref<320x64xf32, #tpu.memory_space<vmem>>, vector<64x64xf32>
    %get3A_3 = arith.constant 0 : index
    %get3A_4 = arith.constant 0 : index
    %get3A_5 = vector.load %arg4[%get3A_3, %get3A_4] : memref<64x1xf32, #tpu.memory_space<vmem>>, vector<64x1xf32>
    %concatenate3A = tpu.concatenate %get3A_2, %get3A_5, %broadcast_in_dim3A_0 in 1 : vector<64x64xf32>, vector<64x1xf32>, vector<64x63xf32> -> vector<64x128xf32>
    %get3A_6 = arith.constant 0 : index
    %get3A_7 = arith.constant 0 : index
    %get3A_8 = vector.load %arg0[%get3A_6, %get3A_7] : memref<64x10000xf32, #tpu.memory_space<vmem>>, vector<64x10000xf32>
    %dot_general3A = arith.constant dense<0.000000e+00> : vector<10000x128xf32>
    %dot_general3A_9 = tpu.matmul %get3A_8, %concatenate3A, %dot_general3A {dimension_numbers = #tpu.dot_dimension_numbers<[0], [0], [1], [1], [0, 1, 1, 1], [], []>, transpose_lhs_hint = false} : vector<64x10000xf32>, vector<64x128xf32>, vector<10000x128xf32> -> vector<10000x128xf32>
    %swap3A = arith.constant 0 : index
    %swap3A_10 = arith.constant 0 : index
    %swap3A_11 = vector.load %arg8[%swap3A, %swap3A_10] : memref<10000x128xf32, #tpu.memory_space<vmem>>, vector<10000x128xf32>
    tpu.vector_store %arg8[%swap3A, %swap3A_10], %dot_general3A_9 {strides = array<i32>} : memref<10000x128xf32, #tpu.memory_space<vmem>>, vector<10000x128xf32>,
    %broadcast_in_dim3A_12 = arith.constant 0.000000e+00 : f32
    %broadcast_in_dim3A_13 = vector.broadcast %broadcast_in_dim3A_12 : f32 to vector<256x63xf32>
    %get3A_14 = arith.constant 64 : index
    %get3A_15 = arith.constant 0 : index
    %get3A_16 = vector.load %arg2[%get3A_14, %get3A_15] : memref<320x64xf32, #tpu.memory_space<vmem>>, vector<256x64xf32>
    %neg3A = arith.constant 0.000000e+00 : f32
    %neg3A_17 = vector.broadcast %neg3A : f32 to vector<256x64xf32>
    %neg3A_18 = arith.subf %neg3A_17, %get3A_16 : vector<256x64xf32>
    %get3A_19 = arith.constant 0 : index
    %get3A_20 = arith.constant 0 : index
    %get3A_21 = vector.load %arg6[%get3A_19, %get3A_20] : memref<256x1xf32, #tpu.memory_space<vmem>>, vector<256x1xf32>
    %concatenate3A_22 = tpu.concatenate %neg3A_18, %get3A_21, %broadcast_in_dim3A_13 in 1 : vector<256x64xf32>, vector<256x1xf32>, vector<256x63xf32> -> vector<256x128xf32>
    %get3A_23 = arith.constant 0 : index
    %get3A_24 = vector.load %arg3[%get3A_23] : memref<64xf32, #tpu.memory_space<vmem>>, vector<64xf32>
    %neg3A_25 = arith.constant 0.000000e+00 : f32
    %neg3A_26 = vector.broadcast %neg3A_25 : f32 to vector<64xf32>
    %neg3A_27 = arith.subf %neg3A_26, %get3A_24 : vector<64xf32>
    %get3A_28 = arith.constant 0 : index
    %get3A_29 = vector.load %arg7[%get3A_28] : memref<1xf32, #tpu.memory_space<vmem>>, vector<1xf32>
    %get3A_30 = arith.constant 0 : index
    %get3A_31 = vector.load %arg5[%get3A_30] : memref<1xf32, #tpu.memory_space<vmem>>, vector<1xf32>
    %add3A = arith.addf %get3A_29, %get3A_31 : vector<1xf32>
    %broadcast_in_dim3A_32 = arith.constant 0.000000e+00 : f32
    %broadcast_in_dim3A_33 = vector.broadcast %broadcast_in_dim3A_32 : f32 to vector<63xf32>
    %concatenate3A_34 = tpu.concatenate %neg3A_27, %add3A, %broadcast_in_dim3A_33 in 0 : vector<64xf32>, vector<1xf32>, vector<63xf32> -> vector<128xf32>
    %get3A_35 = arith.constant 0 : index
    %get3A_36 = arith.constant 0 : index
    %get3A_37 = vector.load %arg1[%get3A_35, %get3A_36] : memref<4096x256xf32, #tpu.memory_space<vmem>>, vector<4096x256xf32>
    %dot_general3A_38 = arith.constant dense<0.000000e+00> : vector<4096x128xf32>
    %dot_general3A_39 = tpu.matmul %get3A_37, %concatenate3A_22, %dot_general3A_38 {dimension_numbers = #tpu.dot_dimension_numbers<[1], [0], [0], [1], [0, 0, 1, 1], [], []>, transpose_lhs_hint = false} : vector<4096x256xf32>, vector<256x128xf32>, vector<4096x128xf32> -> vector<4096x128xf32>
    %broadcast_in_dim3A_40 = vector.shape_cast %concatenate3A_34 : vector<128xf32> to vector<1x128xf32>
    %add3A_41 = vector.broadcast %broadcast_in_dim3A_40 : vector<1x128xf32> to vector<4096x128xf32>
    %add3A_42 = arith.addf %dot_general3A_39, %add3A_41 : vector<4096x128xf32>
    %swap3A_43 = arith.constant 0 : index
    %swap3A_44 = arith.constant 0 : index
    %swap3A_45 = vector.load %arg9[%swap3A_43, %swap3A_44] : memref<4096x128xf32, #tpu.memory_space<vmem>>, vector<4096x128xf32>
    tpu.vector_store %arg9[%swap3A_43, %swap3A_44], %add3A_42 {strides = array<i32>} : memref<4096x128xf32, #tpu.memory_space<vmem>>, vector<4096x128xf32>,
    return
  }
}

</mosaic_0001>

<sc_bundles>
// kernel: kernel.4.cloned.1.call-start
scs
__scs_entry_jumppad:
0x0: {  	(pc) =	sbr.rel $0x88, $3  }
0x1: {  	(tag) =	ssettag $0x0;
	lr =	simm.s32 $0x1  }
0x2: {  	[smem:$0x3F97] =	sst lr;
	_ =	strace $0xD0000000  }
0x3: {  	_ = 	snop  }
0x4: {  	_ = 	snop  }
0x5: {  	_ = 	snop  }
0x6: {  	_ = 	snop  }
0x7: {  	_ = 	snop  }
__scs_overlays_trampoline_lowered:
0x8: {  	[smem:$0x3FA6] =	sst s0  }
0x9: {  	[smem:$0x3FA7] =	sst s1  }
0xa: {  	[smem:$0x3FA8] =	sst s2  }
0xb: {  	[smem:$0x3FA9] =	sst s3  }
0xc: {  	[smem:$0x3FAA] =	sst s4  }
0xd: {  	[smem:$0x3FAB] =	sst s5  }
0xe: {  	[smem:$0x3FAC] =	sst s6  }
0xf: {  	[smem:$0x3FAD] =	sst s7  }
0x10: {  	[smem:$0x3FAE] =	sst s8  }
0x11: {  	[smem:$0x3FAF] =	sst s9;
	s0 =	simm.s32 @!p0 $0x0  }
0x12: {  	s1 =	sld [smem:$0x3F95];
	s0 =	simm.s32 @p0 $0x1  }
0x13: {  	[smem:$0x3FB0] =	sst s0;
	s0 =	simm.s32 @!p1 $0x0  }
0x14: {  	s2 =	sld [smem:$0x3F94];
	s0 =	simm.s32 @p1 $0x1  }
0x15: {  	[smem:$0x3FB1] =	sst s0;
	s0 =	simm.s32 @!p2 $0x0  }
0x16: {  	s3 =	sld [smem:$0x3FDB];
	s0 =	simm.s32 @p2 $0x1  }
0x17: {  	s4 =	simm.s32 $0x1BF5;
	[smem:$0x3FB3] =	sst s0  }
0x18: {  	s0 =	sld [smem:$0x3F96];
	_ =	swait.ge [sflag:s4], $0x0  }
0x19: {  	s7 =	sld [smem:$0x3F97]  }
0x1a: {  	s8 =	sadd.s32 $0xFFFFE003, lr  }
0x1b: {  	s9 =	sadd.s32 $0xFFFFFEF7, lr;
	s5 =	simm.s32 $0xFFFFFFFF;
	p2 =	slt.u32 s8, $0xFFFFF086  }
0x1c: {  	p1 =	slt.u32 s9, $0xF7A;
	s5 =	simm.s32 @!p2 $0x0  }
0x1d: {  	s5 =	simm.s32 @p1 $0x1;
	p0 =	seq.s32 s7, s2  }
0x1e: {  	s7 =	smul.u32 @!p0 $0xF7A, s2;
	p2 =	seq.s32 @!p0 s5, $0x0  }
0x1f: {  	s9 =	smul.u32 $0xF7A, s1;
	s8 =	simm.s32 @!p0 $0x1BF5;
	p2 =	por !p2, p0  }
0x20: {  	[sflag:s8] =	ssyncset.s32 @!p0 $0xFFFFF086;
	s6 =	sadd.s32 @!p0 s3, s7;
	s7 =	simm.s32 @!p0 $0x108  }
0x21: {  	s3 =	sadd.s32 s3, s9;
	s6 =	sadd.s32 @!p0 $0x88, s6;
	s7 =	simm.s32 @p2 $0x1082  }
0x22: {  	[simem:s7], [sflag:s8] =	dma.local @!p0 [hbm:s6], $0xF7A  }
0x23: {  	s9 =	sor.u32 $0xD0000000, s2;
	s6 =	simm.s32 $0x108;
	_ =	swait.ge @!p0 [sflag:s8], $0x0  }
0x24: {  	s3 =	sadd.s32 $0x88, s3;
	s6 =	simm.s32 @!p1 $0x1082;
	[sflag:s4] =	ssyncset.s32 $0xFFFFF086  }
0x25: {  	[simem:s6], [sflag:s4] =	dma.local [hbm:s3], $0xF7A  }
0x26: {  	[smem:$0x3F97] =	sst s1;
	(tag) =	ssettag s2;
	_ =	strace s9  }
0x27: {  	s1 =	sld [smem:$0x3FA7]  }
0x28: {  	s2 =	sld [smem:$0x3FA8]  }
0x29: {  	s4 =	sld [smem:$0x3FAA]  }
0x2a: {  	p0 =	seq.s32 s5, $0x0;
	s5 =	sld [smem:$0x3FAB]  }
0x2b: {  	s6 =	sld [smem:$0x3FAC]  }
0x2c: {  	s7 =	sld [smem:$0x3FAD]  }
0x2d: {  	s3 =	simm.s32 $0x108;
	s8 =	sld [smem:$0x3FAE]  }
0x2e: {  	s3 =	simm.s32 @!p0 $0x1082;
	s9 =	sld [smem:$0x3FAF]  }
0x2f: {  	lr =	sadd.s32 s0, s3;
	s0 =	sld [smem:$0x3FA6]  }
0x30: {  	s3 =	sld [smem:$0x3FA9]  }
0x31: {  	[smem:$0x3FB2] =	sst s10  }
0x32: {  	s10 =	sld [smem:$0x3FB0];
	_ =	sdelay $0x3  }
0x33: {  	p0 =	seq.s32 s10, $0x1;
	s10 =	sld [smem:$0x3FB2];
	_ =	sdelay $0x3  }
0x34: {  	[smem:$0x3FB2] =	sst s10  }
0x35: {  	s10 =	sld [smem:$0x3FB1];
	_ =	sdelay $0x3  }
0x36: {  	p1 =	seq.s32 s10, $0x1;
	s10 =	sld [smem:$0x3FB2];
	_ =	sdelay $0x3  }
0x37: {  	[smem:$0x3FB2] =	sst s10  }
0x38: {  	s10 =	sld [smem:$0x3FB3]  }
0x39: {  	_ = 	snop;
	(pc) =	sbr.ind lr, $3  }
0x3a: {  	_ = 	snop  }
0x3b: {  	_ = 	snop  }
0x3c: {  	p2 =	seq.s32 s10, $0x1;
	s10 =	sld [smem:$0x3FB2]  }
0x3d: {  	_ =	shalt  }
0x3e: {  	_ =	shalt  }
0x3f: {  	_ =	shalt  }
0x40: {  	_ =	shalt  }
0x41: {  	_ =	shalt  }
0x42: {  	_ =	shalt  }
0x43: {  	_ =	shalt  }
0x44: {  	_ =	shalt  }
0x45: {  	_ =	shalt  }
0x46: {  	_ =	shalt  }
0x47: {  	_ =	shalt  }
0x48: {  	_ =	shalt  }
0x49: {  	_ =	shalt  }
0x4a: {  	_ =	shalt  }
0x4b: {  	_ =	shalt  }
0x4c: {  	_ =	shalt  }
0x4d: {  	_ =	shalt  }
0x4e: {  	_ =	shalt  }
0x4f: {  	_ =	shalt  }
0x50: {  	_ =	shalt  }
0x51: {  	_ =	shalt  }
0x52: {  	_ =	shalt  }
0x53: {  	_ =	shalt  }
0x54: {  	_ =	shalt  }
0x55: {  	_ =	shalt  }
0x56: {  	_ =	shalt  }
0x57: {  	_ =	shalt  }
0x58: {  	_ =	shalt  }
0x59: {  	_ =	shalt  }
0x5a: {  	_ =	shalt  }
0x5b: {  	_ =	shalt  }
0x5c: {  	_ =	shalt  }
0x5d: {  	_ =	shalt  }
0x5e: {  	_ =	shalt  }
0x5f: {  	_ =	shalt  }
0x60: {  	_ =	shalt  }
0x61: {  	_ =	shalt  }
0x62: {  	_ =	shalt  }
0x63: {  	_ =	shalt  }
0x64: {  	_ =	shalt  }
0x65: {  	_ =	shalt  }
0x66: {  	_ =	shalt  }
0x67: {  	_ =	shalt  }
0x68: {  	_ =	shalt  }
0x69: {  	_ =	shalt  }
0x6a: {  	_ =	shalt  }
0x6b: {  	_ =	shalt  }
0x6c: {  	_ =	shalt  }
0x6d: {  	_ =	shalt  }
0x6e: {  	_ =	shalt  }
0x6f: {  	_ =	shalt  }
0x70: {  	_ =	shalt  }
0x71: {  	_ =	shalt  }
0x72: {  	_ =	shalt  }
0x73: {  	_ =	shalt  }
0x74: {  	_ =	shalt  }
0x75: {  	_ =	shalt  }
0x76: {  	_ =	shalt  }
0x77: {  	_ =	shalt  }
0x78: {  	_ =	shalt  }
0x79: {  	_ =	shalt  }
0x7a: {  	_ =	shalt  }
0x7b: {  	_ =	shalt  }
0x7c: {  	_ =	shalt  }
0x7d: {  	_ =	shalt  }
0x7e: {  	_ =	shalt  }
0x7f: {  	_ =	shalt  }
0x80: {  	_ =	shalt  }
0x81: {  	_ =	shalt  }
0x82: {  	_ =	shalt  }
0x83: {  	_ =	shalt  }
0x84: {  	_ =	shalt  }
0x85: {  	_ =	shalt  }
0x86: {  	_ =	shalt  }
0x87: {  	_ =	shalt  }
.Lfunc_end0:
.L_simem_size_0:
called_computation_lowered:
.L_overlay_start_0:
0x88: {  	s2 =	sld [smem:$0x3FD9]  }
0x89: {  	s3 =	sld [smem:$0x3FFE];
	_ =	sdelay $0x1  }
0x8a: {  	s1 =	srdreg.scid  }
0x8b: {  	s0 =	sand.u32 $0x1, s1  }
0x8c: {  	s17 =	sshll.u32 s0, $0xA;
	s2 =	sadd.s32 s3, s2  }
0x8d: {  	s2 =	sadd.s32 s2, s17  }
0x8e: {  	[smem:$0x3FBE] =	sst s2  }
0x8f: {  	_ = 	snop  }
0x90: {  	s2 =	sld [smem:$0x3FC4]  }
0x91: {  	s18 =	sld [smem:$0x3FD0];
	(tm) =	ssettm $0x1  }
0x92: {  	s4 =	sld [smem:$0x3FFB];
	_ =	sdelay $0x3  }
0x93: {  	_ =	strace s4  }
0x94: {  	s4 =	sld [smem:$0x3FFC];
	_ =	sdelay $0x3  }
0x95: {  	_ =	strace s4  }
0x96: {  	s4 =	sld [smem:$0x3FFD];
	_ =	sdelay $0x3  }
0x97: {  	_ =	strace s4  }
0x98: {  	_ =	strace $0x8FFFFFFF  }
0x99: {  	s19 =	sld [smem:$0x3FDB];
	_ =	sdelay $0x1  }
0x9a: {  	s5 =	simm.s32 $_scs_section_size  }
0x9b: {  	s6 =	simm.s32 $_size__tile_overlayer_lowered;
	s7 =	simm.s32 $_tile_overlayer_lowered  }
0x9c: {  	s22 =	simm.s32 $0x1BFF;
	s21 =	sshll.u32 s7, $0x1;
	s4 =	sadd.s32 s5, s19  }
0x9d: {  	s8 =	simm.s32 $0x0;
	s20 =	sshll.u32 s6, $0x1;
	s6 =	sadd.s32 s21, s4  }
0x9e: {  	[timem:s8], [sflag:s22] =	dma.local [hbm:s6], s20  }
0x9f: {  	_ =	swait.ge [sflag:s22], s20  }
0xa0: {  	s5 =	ssub.s32 $0x0, s20;
	[sflag:s22] =	ssyncset.done $0x0  }
0xa1: {  	[sflag:s22] =	ssyncadd.s32 s5;
	_ =	sdelay $0x1  }
0xa2: {  	s23 =	simm.s32 $0x1B8B  }
0xa3: {  	_ =	swait.ge [sflag:s23], $0x1  }
0xa4: {  	[sflag:s23] =	ssyncset.done $0x0  }
0xa5: {  	s25 =	simm.s32 $0x1B8E;
	s24 =	sld [smem:$0x3FFE];
	[sflag:s23] =	ssyncadd.s32 $0xFFFFFFFF  }
0xa6: {  	s26 =	simm.s32 $execute0_lowered;
	[smem:$0x3FD2] =	sst s25  }
0xa7: {  	s6 =	sshll.u32 s26, $0x1;
	_ =	strace $0x80000046;
	[dreg:$0x1] =	wrdreg $0xFFFFFFFF  }
0xa8: {  	s28 =	simm.s32 $_size_execute0_lowered;
	s4 =	sadd.s32 s4, s6;
	[dreg:$0x0] =	wrdreg $0x0  }
0xa9: {  	s6 =	sshll.u32 s28, $0x1;
	[dreg:$0x2] =	wrdreg s4  }
0xaa: {  	[dreg:$0x3] =	wrdreg s6  }
0xab: {  	[dreg:$0x4] =	wrdreg $0xC0  }
0xac: {  	_ =	task [dreg:s8], $0x5FFFF  }
0xad: {  	[dreg:$0x1] =	wrdreg $0xFFFFFFFF  }
0xae: {  	[dreg:$0x0] =	wrdreg $0x60  }
0xaf: {  	[dreg:$0x2] =	wrdreg s24  }
0xb0: {  	[dreg:$0x3] =	wrdreg s2  }
0xb1: {  	[dreg:$0x4] =	wrdreg s18  }
0xb2: {  	[dreg:$0x5] =	wrdreg $0x9  }
0xb3: {  	_ =	task.clear_ibuf [dreg:s8], $0x6FFFF;
	_ =	strace $0x90000046  }
0xb4: {  	s29 =	simm.s32 $0x9;
	_ =	strace $0x80000048  }
0xb5: {  	_ =	swait.ge [sflag:s29], $0x1  }
0xb6: {  	[sflag:s29] =	ssyncadd.s32 $0xFFFFFFFF  }
0xb7: {  	_ =	strace $0x90000048  }
0xb8: {  	_ =	sfence  }
0xb9: {  	s30 =	sld [smem:$0x0];
	_ =	sdelay $0x2  }
0xba: {  	s31 =	sshll.u32 s1, $0xD;
	s1 =	sshrl.u32 s1, $0x2  }
0xbb: {  	s3 =	sand.u32 $0x4000, s31;
	s1 =	sadd.s32 s1, s30  }
0xbc: {  	s0 =	sor.u32 s3, s0;
	s1 =	sshll.u32 s1, $0x11  }
0xbd: {  	s0 =	sor.u32 s1, s0  }
0xbe: {  	s0 =	sadd.s32 $0x8F2B, s0  }
0xbf: {  	[sflag:s0] =	ssyncadd.remote.s32 $0x1  }
0xc0: {  	_ =	sfence.sel $0xFFFF  }
0xc1: {  	[dreg:$0x0] =	wrdreg $0xFFFFFFFF;
	(pc) =	sbr.abs _section_cstart, $3  }
0xc2: {  	[dreg:$0x1] =	wrdreg $0xFFFFFFFF  }
0xc3: {  	_ =	task.clear_ibuf [dreg:s8], $0x2FFFF;
	_ =	strace $0x9FFFFFFF  }
0xc4: {  	(tm) =	ssettm $0x7FFFFFFF  }
0xc5: {  	_ =	shalt  }
tec
execute0_lowered:
.L_overlay_start_1:
0x0: {  	(tag) =	ssettag $0x1  }
0x1: {  	s0 =	rddreg [dreg:$0x0]  }
0x2: {  	s1 =	rddreg [dreg:$0x1];
	s3 =	simm.s32 $0x0;
	vm3 =	vmmov $0x3ff;
	v2 =	vimm.s32 $0x0  }
0x3: {  	[smem:$0x7FF] =	sst s3;
	v2 =	vsel vm3, $0xFFFFFFFF, v2  }
0x4: {  	s7 =	rddreg [dreg:$0x2];
	vm1 =	vmmov $0x7fff;
	_ =	strace $0x80000047;
	[tilespmem:$0x1FF10] =	vst v2;
	v2 =	vimm.s32 $0x0  }
0x5: {  	v2 =	vsel vm1, $0xFFFFFFFF, v2  }
0x6: {  	vm0 =	vmmov $0x1ff;
	[tilespmem:$0x1FF20] =	vst v2;
	v2 =	vimm.s32 $0x0  }
0x7: {  	v2 =	vsel vm0, $0xFFFFFFFF, v2  }
0x8: {  	vm10 =	vmmov $0x1fff;
	[tilespmem:$0x1FF30] =	vst v2;
	v2 =	vimm.s32 $0x0  }
0x9: {  	v2 =	vsel vm10, $0xFFFFFFFF, v2  }
0xa: {  	vm14 =	vmmov $0x7ff;
	[tilespmem:$0x1FF40] =	vst v2;
	v2 =	vimm.s32 $0x0  }
0xb: {  	v2 =	vsel vm14, $0xFFFFFFFF, v2  }
0xc: {  	vm13 =	vmmov $0x3fff;
	[tilespmem:$0x1FF50] =	vst v2;
	v2 =	vimm.s32 $0x0  }
0xd: {  	v2 =	vsel vm13, $0xFFFFFFFF, v2  }
0xe: {  	vm9 =	vmmov $0xff;
	[tilespmem:$0x1FF60] =	vst v2;
	v2 =	vimm.s32 $0x0  }
0xf: {  	v2 =	vsel vm9, $0xFFFFFFFF, v2  }
0x10: {  	vm8 =	vmmov $0x7f;
	[tilespmem:$0x1FF70] =	vst v2;
	v2 =	vimm.s32 $0x0  }
0x11: {  	v2 =	vsel vm8, $0xFFFFFFFF, v2  }
0x12: {  	vm7 =	vmmov $0x3f;
	[tilespmem:$0x1FF80] =	vst v2;
	v2 =	vimm.s32 $0x0  }
0x13: {  	v2 =	vsel vm7, $0xFFFFFFFF, v2  }
0x14: {  	vm6 =	vmmov $0x1f;
	[tilespmem:$0x1FF90] =	vst v2;
	v2 =	vimm.s32 $0x0  }
0x15: {  	v2 =	vsel vm6, $0xFFFFFFFF, v2  }
0x16: {  	vm5 =	vmmov $0xf;
	[tilespmem:$0x1FFA0] =	vst v2;
	v2 =	vimm.s32 $0x0  }
0x17: {  	s4 =	srdreg.scid;
	s2 =	stileid.u32;
	s10 =	simm.s32 $0x10800;
	v2 =	vsel vm5, $0xFFFFFFFF, v2  }
0x18: {  	vm4 =	vmmov $0x7;
	s11 =	simm.s32 $0x14800;
	s12 =	simm.s32 $0x80;
	s13 =	simm.s32 $0x800;
	[tilespmem:$0x1FFB0] =	vst v2;
	v2 =	vimm.s32 $0x0  }
0x19: {  	s14 =	simm.s32 $0x4800;
	s15 =	simm.s32 $0x8800;
	s16 =	simm.s32 $0xC800;
	v2 =	vsel vm4, $0xFFFFFFFF, v2  }
0x1a: {  	vm12 =	vmmov $0x3;
	s17 =	simm.s32 $0x1;
	s18 =	simm.s32 $0x2;
	s19 =	simm.s32 $0x14880;
	[tilespmem:$0x1FFC0] =	vst v2;
	v2 =	vimm.s32 $0x0  }
0x1b: {  	s20 =	simm.s32 $0x0;
	s5 =	sand.u32 $0x1, s4;
	s6 =	sshll.u32 s2, $0x1;
	v2 =	vsel vm12, $0xFFFFFFFF, v2  }
0x1c: {  	vm15 =	vmmov $0x1;
	s4 =	sadd.s32 $0x3000, s0;
	s6 =	sor.u32 s5, s6;
	s5 =	ssub.s32 $0x2, s5;
	[tilespmem:$0x1FFD0] =	vst v2;
	v2 =	vimm.s32 $0x0  }
0x1d: {  	s8 =	sshll.u32 s6, $0xB;
	s9 =	sshll.u32 s6, $0x8;
	s30 =	sshrl.u32 s5, $0x1;
	v2 =	vsel vm15, $0xFFFFFFFF, v2  }
0x1e: {  	vm11 =	vmmov $0xfff;
	s31 =	sshll.u32 s6, $0x4;
	s8 =	sadd.s32 s8, s0;
	s0 =	sadd.s32 s9, s0;
	[tilespmem:$0x1FFE0] =	vst v2;
	v2 =	vimm.s32 $0x0  }
0x1f: {  	v0 =	vlaneseq.u32;
	s9 =	ssub.s32 s5, s30;
	s7 =	sadd.s32 s7, s31;
	s5 =	sadd.s32 $0x1000, s0;
	v2 =	vsel vm11, $0xFFFFFFFF, v2  }
0x20: {  	v1 =	vmul.u32 $0x80, v0;
	s6 =	sadd.s32 $0x2A200, s8;
	s8 =	smax.u32 s9, $0x1;
	s9 =	simm.s32 $0x3;
	[tilespmem:$0x1FFF0] =	vst v2  }
.LBB2_1:
0x21: {  	[tilespmem:s3], [sflag:$0x3] =	stream.linear.gather [hbm4b:s5+s3], $0x800, $0x38;
	[tilespmem:$0x14900] =	vst v63  }
0x22: {  	_ =	swait.ge [sflag:s9], $0x800  }
0x23: {  	[sflag:s9] =	ssyncset.done $0x0  }
0x24: {  	[sflag:s9] =	ssyncadd.s32 $0xFFFFF800  }
0x25: {  	[tilespmem:s10], [sflag:$0x3] =	stream.linear.gather [hbm4b:s6+s3], $0x4000, $0x38;
	[tilespmem:$0x14900] =	vst v63  }
0x26: {  	_ =	swait.ge [sflag:s9], $0x4000  }
0x27: {  	[sflag:s9] =	ssyncset.done $0x0  }
0x28: {  	[sflag:s9] =	ssyncadd.s32 $0xFFFFC000  }
0x29: {  	[tilespmem:s11], [sflag:$0x3] =	stream.linear.gather [hbm4b:s1+s3], $0x80, $0x38;
	[tilespmem:$0x14900] =	vst v63  }
0x2a: {  	_ =	swait.ge [sflag:s9], $0x80  }
0x2b: {  	[sflag:s9] =	ssyncset.done $0x0  }
0x2c: {  	[sflag:s9] =	ssyncadd.s32 $0xFFFFFF80  }
0x2d: {  	v4 =	vld [tilespmem:$0x14820]  }
0x2e: {  	v5 =	vld [tilespmem:$0x14830]  }
0x2f: {  	v2 =	vld [tilespmem:$0x14800]  }
0x30: {  	v3 =	vld [tilespmem:$0x14810];
	[tilespmem:s13], [sflag:$0x1] =	stream.indirect.gather [hbm4b:s4+s12], $0x80, s3, s12, $0xb8  }
0x31: {  	s21 =	simm.s32 $0x10820;
	s22 =	simm.s32 $0x11030;
	s23 =	simm.s32 $0x0  }
0x32: {  	[tilespmem:s14], [sflag:$0x1] =	stream.indirect.gather [hbm4b:s4+s12], $0x80, s12, s12, $0xb8;
	[tilespmem:$0x14900] =	vst v63  }
.LBB2_2:
0x33: {  	s24 =	sshllo.u32 s23, $0x1  }
0x34: {  	s0 =	sshll.u32 s24, $0x8  }
0x35: {  	s0 =	sand.u32 $0x3FFFFF00, s0  }
0x36: {  	[tilespmem:s15], [sflag:$0x2] =	stream.indirect.gather [hbm4b:s4+s12], $0x80, s0, s12, $0xb8;
	[tilespmem:$0x14900] =	vst v63  }
0x37: {  	s0 =	sor.u32 $0x80, s0  }
0x38: {  	[tilespmem:s16], [sflag:$0x2] =	stream.indirect.gather [hbm4b:s4+s12], $0x80, s0, s12, $0xb8;
	[tilespmem:$0x14900] =	vst v63  }
0x39: {  	_ =	swait.ge [sflag:s17], $0x4000  }
0x3a: {  	[sflag:s17] =	ssyncset.done $0x0  }
0x3b: {  	[sflag:s17] =	ssyncadd.s32 $0xFFFFC000  }
0x3c: {  	_ =	swait.ge [sflag:s17], $0x4000  }
0x3d: {  	[sflag:s17] =	ssyncset.done $0x0  }
0x3e: {  	s25 =	simm.s32 $0xC00;
	[sflag:s17] =	ssyncadd.s32 $0xFFFFC000  }
0x3f: {  	v10 =	vld [tilespmem:s25+$0x330]  }
0x40: {  	v11 =	vld [tilespmem:s25+$0x2B0]  }
0x41: {  	v12 =	vld [tilespmem:s25+$0x230]  }
0x42: {  	v13 =	vld [tilespmem:s25+$0x320]  }
0x43: {  	v14 =	vld [tilespmem:s25+$0x1B0]  }
0x44: {  	v15 =	vld [tilespmem:s25+$0x130]  }
0x45: {  	v16 =	vld [tilespmem:s25+$0x220]  }
0x46: {  	v17 =	vld [tilespmem:s25+$0x300]  }
0x47: {  	v18 =	vld [tilespmem:s25+$0x310]  }
0x48: {  	v19 =	vld [tilespmem:s25+$0xB0]  }
0x49: {  	v20 =	vld [tilespmem:s25+$0x1A0]  }
0x4a: {  	v21 =	vld [tilespmem:s25+$0x280]  }
0x4b: {  	v22 =	vld [tilespmem:s25+$0x30]  }
0x4c: {  	v23 =	vld [tilespmem:s25+$0x200]  }
0x4d: {  	v24 =	vld [tilespmem:s25+$0x210]  }
0x4e: {  	v25 =	vld [tilespmem:s25+$0xFFFFFFB0]  }
0x4f: {  	v26 =	vld [tilespmem:s25+$0xA0]  }
0x50: {  	v27 =	vld [tilespmem:s25+$0x180]  }
0x51: {  	v28 =	vld [tilespmem:s25+$0x190]  }
0x52: {  	v29 =	vld [tilespmem:s25+$0xFFFFFF30]  }
0x53: {  	v30 =	vld [tilespmem:s25+$0x20]  }
0x54: {  	v6 =	vld [tilespmem:s21+$0x10]  }
0x55: {  	v7 =	vld [tilespmem:s21+$0x0]  }
0x56: {  	v9 =	vld [tilespmem:s21+$0xFFFFFFE0]  }
0x57: {  	v8 =	vld [tilespmem:s21+$0xFFFFFFF0]  }
0x58: {  	v31 =	vld [tilespmem:s25+$0x100]  }
0x59: {  	v32 =	vld [tilespmem:s25+$0xFFFFFEB0]  }
0x5a: {  	v33 =	vld [tilespmem:s25+$0x80];
	v37 =	vmax.f32 v10, v6;
	v38 =	vmax.f32 v12, v6;
	v10 =	vmax.f32 v11, v6  }
0x5b: {  	v34 =	vld [tilespmem:s25+$0x90];
	v40 =	vmax.f32 v13, v7;
	v11 =	vmax.f32 v15, v6;
	v14 =	vmax.f32 v14, v6  }
0x5c: {  	v35 =	vld [tilespmem:s25+$0xFFFFFE30];
	v41 =	vmax.f32 v16, v7;
	v42 =	vmax.f32 v17, v9;
	v18 =	vmax.f32 v18, v8  }
0x5d: {  	v36 =	vld [tilespmem:s25+$0xFFFFFF20];
	v44 =	vmax.f32 v19, v6;
	v20 =	vmax.f32 v20, v7;
	v12 =	vmax.f32 v21, v9  }
0x5e: {  	v43 =	vld [tilespmem:s25+$0xFFFFFDB0];
	v21 =	vmax.f32 v22, v6;
	v22 =	vmax.f32 v23, v9;
	v23 =	vmax.f32 v24, v8  }
0x5f: {  	v39 =	vld [tilespmem:s25+$0x0];
	v13 =	vmax.f32 v25, v6;
	v25 =	vmax.f32 v26, v7;
	v26 =	vmax.f32 v27, v9  }
0x60: {  	v45 =	vld [tilespmem:s25+$0xFFFFFF00];
	v29 =	vmax.f32 v29, v6;
	v30 =	vmax.f32 v30, v7;
	v28 =	vmax.f32 v28, v8  }
0x61: {  	v48 =	vld [tilespmem:s25+$0xFFFFFC30];
	v32 =	vmax.f32 v32, v6;
	v33 =	vmax.f32 v33, v9;
	v16 =	vmax.f32 v31, v9  }
0x62: {  	v47 =	vld [tilespmem:s25+$0xFFFFFCB0];
	v17 =	vmax.f32 v35, v6;
	v63 =	vmax.f32 v36, v7;
	v34 =	vmax.f32 v34, v8  }
0x63: {  	v36 =	vmax.f32 v43, v6;
	v42 =	vmul.f32 v42, v2;
	v18 =	vmul.f32 v18, v3  }
0x64: {  	v50 =	vld [tilespmem:s25+$0xFFFFFE80];
	v39 =	vmax.f32 v39, v9;
	v40 =	vmul.f32 v40, v4;
	v22 =	vmul.f32 v22, v2  }
0x65: {  	v49 =	vmax.f32 v45, v9;
	v23 =	vmul.f32 v23, v3;
	v37 =	vmul.f32 v37, v5  }
0x66: {  	v15 =	vld [tilespmem:s25+$0x10];
	v51 =	vmax.f32 v48, v6;
	v26 =	vmul.f32 v26, v2;
	v28 =	vmul.f32 v28, v3  }
0x67: {  	v19 =	vld [tilespmem:s25+$0xFFFFFEA0];
	v52 =	vmax.f32 v47, v6;
	v20 =	vmul.f32 v20, v4;
	v54 =	vmul.f32 v34, v3  }
0x68: {  	v27 =	vld [tilespmem:s25+$0xFFFFFD30];
	v14 =	vmul.f32 v14, v5;
	v25 =	vmul.f32 v25, v4;
	v18 =	vadd.f32 v18, v42  }
0x69: {  	v24 =	vld [tilespmem:s25+$0xFFFFFF80];
	v56 =	vmax.f32 v50, v9;
	v57 =	vmul.f32 v39, v2;
	v60 =	vmul.f32 v49, v2  }
0x6a: {  	v31 =	vld [tilespmem:s25+$0xFFFFFF10];
	v22 =	vadd.f32 v23, v22;
	v23 =	vmul.f32 v41, v4;
	v18 =	vadd.f32 v40, v18  }
0x6b: {  	v45 =	vld [tilespmem:s25+$0xFFFFFC80];
	v62 =	vmul.f32 v56, v2;
	v26 =	vadd.f32 v28, v26;
	v28 =	vmul.f32 v33, v2  }
0x6c: {  	v37 =	vadd.f32 v37, v18;
	v18 =	vadd.f32 v23, v22;
	v23 =	vmul.f32 v38, v5  }
0x6d: {  	v53 =	vld [tilespmem:s25+$0xFFFFFE90];
	v15 =	vmax.f32 v15, v8;
	v46 =	vmax.f32 v19, v7;
	v27 =	vmax.f32 v27, v6  }
0x6e: {  	v15 =	vmul.f32 v15, v3;
	v23 =	vadd.f32 v23, v18;
	v18 =	vadd.f32 v20, v26  }
0x6f: {  	v19 =	vmax.f32 v24, v9;
	v31 =	vmax.f32 v31, v8;
	v20 =	vadd.f32 v54, v28;
	v28 =	vld [tilespmem:s25+$0xFFFFFC20]  }
0x70: {  	v24 =	vld [tilespmem:s25+$0xFFFFFDA0];
	v33 =	vmax.f32 v45, v9;
	v15 =	vadd.f32 v15, v57;
	v58 =	vadd.f32 v14, v18  }
0x71: {  	v14 =	vadd.f32 v25, v20;
	v18 =	vmul.f32 v44, v5;
	v20 =	vld [tilespmem:s25+$0xFFFFFD80];
	v25 =	vmul.f32 v30, v4  }
0x72: {  	v59 =	vld [tilespmem:s25+$0xFFFFFD90];
	v31 =	vmul.f32 v31, v3;
	v38 =	vmul.f32 v46, v4;
	v26 =	vmax.f32 v53, v8  }
0x73: {  	v22 =	vld [tilespmem:s25+$0xFFFFFD20];
	v61 =	vadd.f32 v18, v14;
	v14 =	vadd.f32 v25, v15;
	v15 =	vmul.f32 v21, v5  }
0x74: {  	v25 =	vld [tilespmem:s25+$0xFFFFFD00];
	v18 =	vadd.f32 v31, v60;
	v21 =	vmax.f32 v28, v7;
	v28 =	vmul.f32 v63, v4  }
0x75: {  	v24 =	vmax.f32 v24, v7;
	v26 =	vmul.f32 v26, v3;
	v31 =	vld [tilespmem:s25+$0xFFFFFD10];
	v63 =	vadd.f32 v15, v14  }
0x76: {  	v14 =	vmax.f32 v20, v9;
	v15 =	vadd.f32 v28, v18;
	v20 =	vmul.f32 v29, v5  }
0x77: {  	v24 =	vmul.f32 v24, v4;
	v26 =	vadd.f32 v26, v62;
	v28 =	vld [tilespmem:s25+$0xFFFFFC00];
	v29 =	vmax.f32 v59, v8  }
0x78: {  	v42 =	vld [tilespmem:s25+$0xFFFFFC10];
	v14 =	vmul.f32 v14, v2;
	v29 =	vmul.f32 v29, v3;
	v20 =	vadd.f32 v20, v15  }
0x79: {  	v15 =	vmax.f32 v25, v9;
	v25 =	vadd.f32 v38, v26;
	v26 =	vmul.f32 v32, v5  }
0x7a: {  	v47 =	vld [tilespmem:s25+$0xFFFFFCA0];
	v22 =	vmax.f32 v22, v7;
	v31 =	vmax.f32 v31, v8;
	v29 =	vadd.f32 v29, v14  }
0x7b: {  	v46 =	vld [tilespmem:s25+$0xFFFFFC90];
	v15 =	vmul.f32 v15, v2;
	v31 =	vmul.f32 v31, v3;
	v25 =	vadd.f32 v26, v25  }
0x7c: {  	v26 =	vmax.f32 v28, v9;
	v24 =	vadd.f32 v24, v29;
	v28 =	vmul.f32 v36, v5  }
0x7d: {  	v55 =	vld [tilespmem:s25+$0xFFFFFE00];
	v22 =	vmul.f32 v22, v4;
	v29 =	vmax.f32 v42, v8;
	v31 =	vadd.f32 v31, v15  }
0x7e: {  	v26 =	vmul.f32 v26, v2;
	v29 =	vmul.f32 v29, v3;
	v24 =	vadd.f32 v28, v24;
	v28 =	vld [tilespmem:s25+$0xFFFFFE10]  }
0x7f: {  	v48 =	vmax.f32 v47, v7;
	v27 =	vmul.f32 v27, v5;
	(xrf2) =	vadd.scan.msk.f32 $0xffff, v37;
	v22 =	vadd.f32 v22, v31  }
0x80: {  	(xrf2) =	vadd.scan.msk.f32 $0xffff, v23;
	v21 =	vmul.f32 v21, v4;
	v23 =	vadd.f32 v29, v26;
	v26 =	vmax.f32 v46, v8;
	v29 =	vld [tilespmem:s25+$0xFFFFFE20]  }
0x81: {  	(xrf2) =	vadd.scan.msk.f32 $0xffff, v58;
	v31 =	vmul.f32 v33, v2;
	v26 =	vmul.f32 v26, v3;
	v22 =	vadd.f32 v27, v22;
	v27 =	vld [tilespmem:s25+$0xFFFFFF90]  }
0x82: {  	v30 =	vmax.f32 v55, v9;
	(xrf2) =	vadd.scan.msk.f32 $0xffff, v61;
	v21 =	vadd.f32 v21, v23;
	v23 =	vmul.f32 v51, v5  }
0x83: {  	v50 =	vld [tilespmem:s25+$0xFFFFFFA0];
	(xrf2) =	vadd.scan.msk.f32 $0xffff, v63;
	v26 =	vadd.f32 v26, v31;
	v31 =	vmul.f32 v48, v4;
	v28 =	vmax.f32 v28, v8  }
0x84: {  	(xrf2) =	vadd.scan.msk.f32 $0xffff, v20;
	v20 =	vadd.f32 v23, v21;
	v21 =	vmul.f32 v30, v2;
	v23 =	vmul.f32 v28, v3;
	v28 =	vld [tilespmem:s25+$0x110]  }
0x85: {  	(xrf2) =	vadd.scan.msk.f32 $0xffff, v25;
	v25 =	vadd.f32 v31, v26;
	v26 =	vmul.f32 v52, v5;
	v29 =	vmax.f32 v29, v7  }
0x86: {  	(xrf2) =	vadd.scan.msk.f32 $0xffff, v24;
	v24 =	vmax.f32 v27, v8;
	v27 =	vld [tilespmem:s25+$0x120];
	v21 =	vadd.f32 v23, v21;
	v23 =	vmul.f32 v29, v4  }
0x87: {  	v19 =	vmul.f32 v19, v2;
	(xrf2) =	vadd.scan.msk.f32 $0xffff, v22;
	v22 =	vadd.f32 v26, v25;
	v24 =	vmul.f32 v24, v3;
	v25 =	vld [tilespmem:s25+$0x290]  }
0x88: {  	v17 =	vmul.f32 v17, v5;
	v21 =	vadd.f32 v23, v21;
	v23 =	vmax.f32 v50, v7  }
0x89: {  	(xrf2) =	vadd.scan.msk.f32 $0xffff, v20;
	v19 =	vadd.f32 v24, v19;
	v23 =	vmul.f32 v23, v4;
	v24 =	vmax.f32 v28, v8;
	v28 =	vld [tilespmem:s25+$0x2A0]  }
0x8a: {  	v16 =	vmul.f32 v16, v2;
	v26, _, _ =	vpop (xrf2);
	v17 =	vadd.f32 v17, v21;
	v21 =	vmul.f32 v24, v3  }
0x8b: {  	v49 =	vld [tilespmem:s25+$0x380];
	v13 =	vmul.f32 v13, v5;
	(xrf2) =	vadd.scan.msk.f32 $0xffff, v22;
	v22, _, _ =	vpop (xrf2);
	v19 =	vadd.f32 v23, v19;
	v23 =	vmax.f32 v27, v7  }
0x8c: {  	v24, _, _ =	vpop (xrf2);
	v16 =	vadd.f32 v21, v16;
	v21 =	vmul.f32 v23, v4;
	v23 =	vmax.f32 v25, v8  }
0x8d: {  	v12 =	vmul.f32 v12, v2;
	v30 =	vld [tilespmem:s25+$0x390];
	v27, _, _ =	vpop (xrf2);
	v13 =	vadd.f32 v13, v19;
	v19 =	vmul.f32 v23, v3  }
0x8e: {  	(xrf2) =	vadd.scan.msk.f32 $0xffff, v17;
	v17, _, _ =	vpop (xrf2);
	v16 =	vadd.f32 v21, v16;
	v21 =	vmax.f32 v28, v7  }
0x8f: {  	s26 =	simm.s32 $0x1400;
	v23, _, _ =	vpop (xrf2);
	v12 =	vadd.f32 v19, v12;
	v19 =	vmul.f32 v21, v4  }
0x90: {  	v11 =	vmul.f32 v11, v5;
	v56 =	vld [tilespmem:s26+$0x200];
	v9 =	vmax.f32 v49, v9;
	v28, _, _ =	vpop (xrf2)  }
0x91: {  	v44 =	vld [tilespmem:s25+$0x3A0];
	v9 =	vmul.f32 v9, v2;
	(xrf2) =	vadd.scan.msk.f32 $0xffff, v13;
	v13, _, _ =	vpop (xrf2)  }
0x92: {  	v18 =	vld [tilespmem:s25+$0x3B0];
	v8 =	vmax.f32 v30, v8;
	v11 =	vadd.f32 v11, v16;
	v16, _, _ =	vpop (xrf2)  }
0x93: {  	v57 =	vld [tilespmem:s26+$0x180];
	v8 =	vmul.f32 v8, v3;
	v12 =	vadd.f32 v19, v12;
	v19, _, _ =	vpop (xrf2)  }
0x94: {  	v53 =	vld [tilespmem:s26+$0x310];
	(xrf2) =	vadd.scan.msk.f32 $0xffff, v11;
	v11 =	vbroadcast v19, $0xF  }
0x95: {  	v10 =	vmul.f32 v10, v5;
	v54 =	vld [tilespmem:s26+$0x280];
	v8 =	vadd.f32 v8, v9;
	v9, _, _ =	vpop (xrf2)  }
0x96: {  	v55 =	vld [tilespmem:s26+$0x30];
	v7 =	vmax.f32 v44, v7;
	v9 =	vbroadcast v9, $0xF  }
0x97: {  	v62 =	vld [tilespmem:s26+$0xFFFFFEA0];
	v6 =	vmax.f32 v18, v6;
	v7 =	vmul.f32 v7, v4;
	v10 =	vadd.f32 v10, v12  }
0x98: {  	v58 =	vld [tilespmem:s26+$0x20];
	v6 =	vmul.f32 v6, v5;
	v9 =	vsel vm15, v11, v9;
	v11, _, _ =	vpop (xrf2)  }
0x99: {  	v61 =	vld [tilespmem:s26+$0xFFFFFDB0];
	v7 =	vadd.f32 v7, v8;
	v12 =	vbroadcast v16, $0xF;
	(xrf2) =	vadd.scan.msk.f32 $0xffff, v10;
	v11 =	vbroadcast v11, $0xF  }
0x9a: {  	v59 =	vld [tilespmem:s26+$0x80];
	v10 =	vbroadcast v13, $0xF  }
0x9b: {  	v14 =	vld [tilespmem:s26+$0x330];
	v6 =	vadd.f32 v6, v7;
	v9 =	vsel vm12, v9, v12  }
0x9c: {  	v15 =	vld [tilespmem:s26+$0x2B0];
	v7 =	vsel vm4, v9, v10;
	v9 =	vbroadcast v28, $0xF;
	v10 =	vbroadcast v23, $0xF  }
0x9d: {  	v51 =	vld [tilespmem:s26+$0x130];
	(xrf2) =	vadd.scan.msk.f32 $0xffff, v6;
	v7 =	vsel vm5, v7, v11;
	v11, _, _ =	vpop (xrf2)  }
0x9e: {  	v31 =	vld [tilespmem:s26+$0x1B0];
	v6 =	vsel vm6, v7, v9;
	v7 =	vbroadcast v11, $0xF  }
0x9f: {  	v20 =	vld [tilespmem:s26+$0x230];
	v9 =	vbroadcast v17, $0xF;
	v6 =	vsel vm7, v6, v10  }
0xa0: {  	v29 =	vld [tilespmem:s26+$0x320];
	v10, _, _ =	vpop (xrf2);
	v6 =	vsel vm8, v6, v7;
	v7 =	vbroadcast v27, $0xF  }
0xa1: {  	v25 =	vld [tilespmem:s26+$0x220];
	v6 =	vsel vm9, v6, v9;
	v9 =	vbroadcast v10, $0xF  }
0xa2: {  	v21 =	vld [tilespmem:s26+$0xB0];
	v6 =	vsel vm0, v6, v7;
	v7 =	vbroadcast v24, $0xF  }
0xa3: {  	s28 =	sadd.s32 $0x80, s21;
	s29 =	simm.s32 $0x0;
	v8 =	vld [tilespmem:s26+$0xFFFFFFB0];
	v11, _, _ =	vpop (xrf2);
	v10 =	vbroadcast v22, $0xF;
	v9 =	vsel vm3, v6, v9  }
0xa4: {  	v13 =	vmov s29;
	v11 =	vbroadcast v11, $0xF;
	v6 =	vld [tilespmem:s28+$0x10];
	v9 =	vsel vm14, v9, v7  }
0xa5: {  	v12 =	vbroadcast v26, $0xF;
	v23 =	vld [tilespmem:s26+$0xFFFFFF30];
	v9 =	vsel vm11, v9, v10  }
0xa6: {  	v27 =	vld [tilespmem:s26+$0xFFFFFEB0];
	v11 =	vsel vm10, v9, v11  }
0xa7: {  	v30 =	vld [tilespmem:s26+$0x1A0];
	v11 =	vsel vm13, v11, v12;
	v12 =	vshll.u32 v13, $0x7;
	v13, _, _ =	vpop (xrf2)  }
0xa8: {  	v7 =	vld [tilespmem:s28+$0x0];
	v11 =	vsel vm1, v11, v13;
	v12 =	vor.u32 v1, v12  }
0xa9: {  	v19 =	vld [tilespmem:s26+$0xA0];
	v14 =	vmax.f32 v14, v6;
	v42 =	vmax.f32 v20, v6;
	v31 =	vmax.f32 v31, v6  }
0xaa: {  	v26 =	vld [tilespmem:s26+$0xFFFFFF20];
	v21 =	vmax.f32 v21, v6;
	v32 =	vmax.f32 v55, v6;
	v16 =	vmax.f32 v8, v6  }
0xab: {  	v52 =	vld [tilespmem:s26+$0x300];
	v23 =	vmax.f32 v23, v6;
	v27 =	vmax.f32 v27, v6;
	v33 =	vmax.f32 v61, v6  }
0xac: {  	v10 =	vld [tilespmem:s28+$0xFFFFFFE0];
	v13 =	vmul.f32 $1.442695020e+00, v11;
	v60 =	vor.u32 $0x40, v12;
	v11 =	vmax.f32 v15, v6  }
0xad: {  	v18 =	vld [tilespmem:s26+$0x210];
	v15 =	vmax.f32 v29, v7;
	v12 =	vmax.f32 v51, v6;
	v25 =	vmax.f32 v25, v7  }
0xae: {  	v28 =	vld [tilespmem:s26+$0x190];
	v30 =	vmax.f32 v30, v7;
	v19 =	vmax.f32 v19, v7;
	v39 =	vmax.f32 v58, v7  }
0xaf: {  	v17 =	vld [tilespmem:s26+$0x100];
	v26 =	vmax.f32 v26, v7;
	v14 =	vmul.f32 v14, v5;
	v49 =	vmul.f32 v42, v5  }
0xb0: {  	v9 =	vld [tilespmem:s28+$0xFFFFFFF0];
	v43 =	vmax.f32 v62, v7;
	v23 =	vmul.f32 v23, v5;
	v27 =	vmul.f32 v27, v5  }
0xb1: {  	v24 =	vld [tilespmem:s26+$0xFFFFFE30];
	v16 =	vmul.f32 v16, v5;
	v35 =	vmax.f32 v52, v10;
	v37 =	vmax.f32 v56, v10  }
0xb2: {  	v22 =	vld [tilespmem:s26+$0x90];
	v38 =	vmax.f32 v57, v10;
	v15 =	vmul.f32 v15, v4;
	v25 =	vmul.f32 v25, v4  }
0xb3: {  	v20 =	vld [tilespmem:s26+$0x0];
	v40 =	vmax.f32 v59, v10;
	v30 =	vmul.f32 v30, v4;
	v19 =	vmul.f32 v19, v4  }
0xb4: {  	v48 =	vld [tilespmem:s26+$0xFFFFFCB0];
	v17 =	vmax.f32 v17, v10;
	v26 =	vmul.f32 v26, v4;
	v12 =	vmul.f32 v12, v5  }
0xb5: {  	v63 =	vld [tilespmem:s26+$0xFFFFFF80];
	(erf) = vpow2.f32 v13;
	v36 =	vmax.f32 v53, v9;
	v13 =	vmax.f32 v54, v10  }
0xb6: {  	v29 =	vld [tilespmem:s26+$0x10];
	v52 =	vmax.f32 v18, v9;
	v28 =	vmax.f32 v28, v9;
	v18 =	vmax.f32 v24, v6  }
0xb7: {  	v57 =	vld [tilespmem:s26+$0xFFFFFC30];
	v22 =	vmax.f32 v22, v9;
	v58 =	vmul.f32 v37, v2;
	v62 =	vmul.f32 v38, v2  }
0xb8: {  	v53 =	vld [tilespmem:s26+$0xFFFFFD30];
	v56 =	vmul.f32 v36, v3;
	v55 =	vmax.f32 v20, v10;
	v20 =	vmul.f32 v35, v2  }
0xb9: {  	v54 =	vld [tilespmem:s26+$0xFFFFFF00];
	v38 =	vmax.f32 v48, v6;
	v59 =	vmul.f32 v52, v3;
	v28 =	vmul.f32 v28, v3  }
0xba: {  	v24 =	vld [tilespmem:s26+$0xFFFFFF10];
	v40 =	vmul.f32 v40, v2;
	v22 =	vmul.f32 v22, v3;
	v35 =	vadd.f32 v56, v20  }
0xbb: {  	v61 =	vld [tilespmem:s26+$0xFFFFFE80];
	v29 =	vmax.f32 v29, v9;
	v34 =	vadd.f32 v59, v58;
	v28 =	vadd.f32 v28, v62  }
0xbc: {  	v51 =	vld [tilespmem:s26+$0xFFFFFE00];
	v22 =	vadd.f32 v22, v40;
	v52 =	vmul.f32 v55, v2;
	v15 =	vadd.f32 v15, v35  }
0xbd: {  	v59 =	vmul.f32 v43, v4;
	v20 =	vmax.f32 v63, v10;
	v36 =	vmax.f32 v57, v6  }
0xbe: {  	v41 =	vld.idx.msk [tilespmem:v60+s13+$0x0], $0xffff;
	v29 =	vmul.f32 v29, v3;
	v15 =	vadd.f32 v14, v15;
	v14 =	vadd.f32 v25, v34  }
0xbf: {  	v60 =	vld [tilespmem:s26+$0xFFFFFDA0];
	v45 =	vmax.f32 v53, v6;
	v46 =	vmax.f32 v54, v10;
	v24 =	vmax.f32 v24, v9  }
0xc0: {  	v63 =	vld [tilespmem:s26+$0xFFFFFE90];
	v34 =	vadd.f32 v49, v14;
	v14 =	vadd.f32 v30, v28;
	v28 =	vmul.f32 v31, v5  }
0xc1: {  	v53 =	vmax.f32 v51, v10;
	v35 =	vmax.f32 v61, v10;
	v55 =	vmul.f32 v46, v2;
	v31 =	vld [tilespmem:s26+$0xFFFFFC20]  }
0xc2: {  	v54 =	vld [tilespmem:s26+$0xFFFFFD90];
	v24 =	vmul.f32 v24, v3;
	v28 =	vadd.f32 v28, v14;
	v14 =	vadd.f32 v19, v22  }
0xc3: {  	v19 =	vmul.f32 v21, v5;
	v21 =	vld [tilespmem:s26+$0xFFFFFD80];
	v22 =	vadd.f32 v29, v52;
	v29 =	vmul.f32 v39, v4  }
0xc4: {  	v57 =	vmul.f32 v35, v2;
	v25 =	vld [tilespmem:s26+$0xFFFFFD20];
	v50 =	vmax.f32 v60, v7;
	v24 =	vadd.f32 v24, v55  }
0xc5: {  	v56 =	vadd.f32 v19, v14;
	v14 =	vadd.f32 v29, v22;
	v19 =	vmul.f32 v32, v5;
	v29 =	vld [tilespmem:s26+$0xFFFFFD00]  }
0xc6: {  	v8 =	vpop (erf);
	v37 =	vmul.f32 v50, v4;
	v30 =	vmax.f32 v63, v9;
	v22 =	vmax.f32 v31, v7;
	v31 =	vld [tilespmem:s26+$0xFFFFFD10]  }
0xc7: {  	v60 =	vld [tilespmem:s26+$0xFFFFFC10];
	v41 =	vmul.f32 v8, v41;
	v30 =	vmul.f32 v30, v3;
	v58 =	vadd.f32 v19, v14  }
0xc8: {  	v14 =	vmax.f32 v21, v10;
	v21 =	vadd.f32 v26, v24;
	v26 =	vmax.f32 v54, v9  }
0xc9: {  	v30 =	vadd.f32 v30, v57;
	v24 =	vld [tilespmem:s26+$0xFFFFFC00];
	v14 =	vmul.f32 v14, v2;
	v26 =	vmul.f32 v26, v3  }
0xca: {  	v25 =	vmax.f32 v25, v7;
	v21 =	vadd.f32 v23, v21;
	v23 =	vmax.f32 v29, v10  }
0xcb: {  	v61 =	vld [tilespmem:s26+$0xFFFFFC80];
	v29 =	vadd.f32 v59, v30;
	v31 =	vmax.f32 v31, v9;
	v26 =	vadd.f32 v26, v14  }
0xcc: {  	v62 =	vld [tilespmem:s26+$0xFFFFFC90];
	v63 =	vmax.f32 v60, v9;
	v23 =	vmul.f32 v23, v2;
	v31 =	vmul.f32 v31, v3  }
0xcd: {  	v27 =	vadd.f32 v27, v29;
	v29 =	vmul.f32 v33, v5;
	v26 =	vadd.f32 v37, v26  }
0xce: {  	v40 =	vld [tilespmem:s26+$0xFFFFFCA0];
	v25 =	vmul.f32 v25, v4;
	v24 =	vmax.f32 v24, v10;
	v23 =	vadd.f32 v31, v23  }
0xcf: {  	(xrf2) =	vadd.scan.msk.f32 $0xffff, v41;
	v24 =	vmul.f32 v24, v2;
	v31 =	vmul.f32 v63, v3;
	v26 =	vadd.f32 v29, v26;
	v29 =	vld [tilespmem:s26+$0xFFFFFE10]  }
0xd0: {  	(xrf2) =	vadd.scan.msk.f32 $0xffff, v15;
	v32 =	vmax.f32 v61, v10;
	v23 =	vadd.f32 v25, v23;
	v25 =	vmul.f32 v45, v5  }
0xd1: {  	v41 =	vld [tilespmem:s26+$0xFFFFFE20];
	(xrf2) =	vadd.scan.msk.f32 $0xffff, v34;
	v22 =	vmul.f32 v22, v4;
	v24 =	vadd.f32 v31, v24;
	v31 =	vmax.f32 v62, v9  }
0xd2: {  	(xrf2) =	vadd.scan.msk.f32 $0xffff, v28;
	v28 =	vmul.f32 v32, v2;
	v31 =	vmul.f32 v31, v3;
	v23 =	vadd.f32 v25, v23;
	v25 =	vld [tilespmem:s26+$0xFFFFFF90]  }
0xd3: {  	v42 =	vmax.f32 v40, v7;
	(xrf2) =	vadd.scan.msk.f32 $0xffff, v56;
	v22 =	vadd.f32 v22, v24;
	v24 =	vmul.f32 v36, v5  }
0xd4: {  	v44 =	vld [tilespmem:s26+$0xFFFFFFA0];
	(xrf2) =	vadd.scan.msk.f32 $0xffff, v58;
	v28 =	vadd.f32 v31, v28;
	v31 =	vmul.f32 v42, v4;
	v29 =	vmax.f32 v29, v9  }
0xd5: {  	(xrf2) =	vadd.scan.msk.f32 $0xffff, v21;
	v21 =	vadd.f32 v24, v22;
	v22 =	vmul.f32 v53, v2;
	v24 =	vmul.f32 v29, v3;
	v29 =	vld [tilespmem:s26+$0x110]  }
0xd6: {  	(xrf2) =	vadd.scan.msk.f32 $0xffff, v27;
	v27 =	vadd.f32 v31, v28;
	v28 =	vmul.f32 v38, v5;
	v31 =	vmax.f32 v41, v7  }
0xd7: {  	(xrf2) =	vadd.scan.msk.f32 $0xffff, v26;
	v26 =	vld [tilespmem:s26+$0x120];
	v22 =	vadd.f32 v24, v22;
	v24 =	vmul.f32 v31, v4;
	v25 =	vmax.f32 v25, v9  }
0xd8: {  	(xrf2) =	vadd.scan.msk.f32 $0xffff, v23;
	v23 =	vadd.f32 v28, v27;
	v27 =	vmul.f32 v20, v2;
	v28 =	vld [tilespmem:s26+$0x290];
	v25 =	vmul.f32 v25, v3  }
0xd9: {  	v43 =	vld [tilespmem:s26+$0x380];
	v31, _, _ =	vpop (xrf2);
	(xrf2) =	vadd.scan.msk.f32 $0xffff, v21;
	v21 =	vadd.f32 v24, v22;
	v22 =	vmul.f32 v18, v5;
	v18 =	vmax.f32 v44, v7  }
0xda: {  	v46 =	vld [tilespmem:s26+$0x2A0];
	v25 =	vadd.f32 v25, v27;
	v27 =	vmul.f32 v18, v4;
	v29 =	vmax.f32 v29, v9  }
0xdb: {  	s25 =	simm.s32 $0x1C00;
	v45 =	vld [tilespmem:s26+$0x390];
	v24, _, _ =	vpop (xrf2);
	(xrf2) =	vadd.scan.msk.f32 $0xffff, v23;
	v21 =	vadd.f32 v22, v21;
	v22 =	vmul.f32 v17, v2;
	v29 =	vmul.f32 v29, v3  }
0xdc: {  	v11 =	vmul.f32 v11, v5;
	v48 =	vld [tilespmem:s25+$0x130];
	v26 =	vmax.f32 v26, v7;
	v23, _, _ =	vpop (xrf2);
	v25 =	vadd.f32 v27, v25  }
0xdd: {  	v30 =	vld [tilespmem:s26+$0x3A0];
	v26 =	vmul.f32 v26, v4;
	v28 =	vmax.f32 v28, v9;
	v47, _, _ =	vpop (xrf2);
	v22 =	vadd.f32 v29, v22  }
0xde: {  	v13 =	vmul.f32 v13, v2;
	v51 =	vld [tilespmem:s25+$0x310];
	(xrf2) =	vadd.scan.msk.f32 $0xffff, v21;
	v27, _, _ =	vpop (xrf2);
	v16 =	vadd.f32 v16, v25;
	v25 =	vmul.f32 v28, v3  }
0xdf: {  	v19 =	vld [tilespmem:s26+$0x3B0];
	v10 =	vmax.f32 v43, v10;
	v21, _, _ =	vpop (xrf2);
	v22 =	vadd.f32 v26, v22;
	v26 =	vmax.f32 v46, v7  }
0xe0: {  	v55 =	vld [tilespmem:s25+$0x20];
	v9 =	vmax.f32 v45, v9;
	v28, _, _ =	vpop (xrf2);
	v13 =	vadd.f32 v25, v13;
	v25 =	vmul.f32 v26, v4  }
0xe1: {  	v49 =	vld [tilespmem:s25+$0x300];
	v10 =	vmul.f32 v10, v2;
	v9 =	vmul.f32 v9, v3;
	v50, _, _ =	vpop (xrf2);
	(xrf2) =	vadd.scan.msk.f32 $0xffff, v16  }
0xe2: {  	v52 =	vld [tilespmem:s25+$0xA0];
	v7 =	vmax.f32 v30, v7;
	v12 =	vadd.f32 v12, v22;
	v16, _, _ =	vpop (xrf2);
	v13 =	vadd.f32 v25, v13  }
0xe3: {  	v15 =	vld [tilespmem:s25+$0x2B0];
	v9 =	vadd.f32 v9, v10;
	v7 =	vmul.f32 v7, v4;
	v22, _, _ =	vpop (xrf2)  }
0xe4: {  	v34 =	vld [tilespmem:s25+$0x280];
	v6 =	vmax.f32 v19, v6;
	(xrf2) =	vadd.scan.msk.f32 $0xffff, v12;
	v25, _, _ =	vpop (xrf2);
	v11 =	vadd.f32 v11, v13  }
0xe5: {  	v54 =	vld [tilespmem:s25+$0x190];
	v6 =	vmul.f32 v6, v5;
	v7 =	vadd.f32 v7, v9;
	v10, _, _ =	vpop (xrf2)  }
0xe6: {  	vm2 =	vmmov vm15;
	v59 =	vld [tilespmem:s25+$0xFFFFFDB0];
	v13 =	vbroadcast v25, $0xF;
	v10 =	vbroadcast v10, $0xF  }
0xe7: {  	v14 =	vld [tilespmem:s25+$0x330];
	s26 =	sshll.u32 s23, $0x5;
	v23 =	vbroadcast v23, $0xF;
	v22 =	vbroadcast v22, $0xF;
	v6 =	vadd.f32 v6, v7;
	(xrf2) =	vadd.scan.msk.f32 $0xffff, v11  }
0xe8: {  	v33 =	vld [tilespmem:s25+$0x1A0];
	v7 =	vmov s26;
	v9 =	vsel vm15, v13, v10;
	v10 =	vbroadcast v16, $0xF;
	v11, _, _ =	vpop (xrf2)  }
0xe9: {  	v19 =	vld [tilespmem:s25+$0x210];
	v7 =	vshll.u32 v7, $0x7;
	v9 =	vsel vm12, v9, v22;
	v11 =	vbroadcast v11, $0xF  }
0xea: {  	v63 =	vld [tilespmem:s25+$0xFFFFFE30];
	v22 =	vbroadcast v31, $0xF;
	v9 =	vsel vm4, v9, v10;
	v10 =	vbroadcast v50, $0xF  }
0xeb: {  	v42 =	vld [tilespmem:s25+$0x80];
	v9 =	vsel vm5, v9, v11;
	v11 =	vbroadcast v28, $0xF;
	v13, _, _ =	vpop (xrf2);
	(xrf2) =	vadd.scan.msk.f32 $0xffff, v6;
	v6 =	vor.u32 v1, v7  }
0xec: {  	v53 =	vld [tilespmem:s25+$0x180];
	v7 =	vsel vm6, v9, v10;
	v10 =	vbroadcast v13, $0xF;
	v9 =	vor.u32 $0x40, v6  }
0xed: {  	v20 =	vld [tilespmem:s25+$0x230];
	v13 =	vbroadcast v27, $0xF;
	v6 =	vsel vm7, v7, v11;
	v7 =	vbroadcast v21, $0xF  }
0xee: {  	v18 =	vld [tilespmem:s25+$0x320];
	v11 =	vimm.f32 $0.0e+00;
	v16, _, _ =	vpop (xrf2);
	v10 =	vsel vm8, v6, v10;
	v6 =	vimm.f32 $1.000000000e+00  }
0xef: {  	v17 =	vld [tilespmem:s25+$0x1B0];
	v7 =	vsel vm9, v10, v7;
	v10 =	vbroadcast v16, $0xF;
	v16 =	vmov s29  }
0xf0: {  	v29 =	vld [tilespmem:s25+$0x220];
	v7 =	vsel vm0, v7, v13;
	v13 =	vbroadcast v47, $0xF;
	vm0 =	vmmov vm1  }
0xf1: {  	v30 =	vld [tilespmem:s25+$0x200];
	v61, _, _ =	vpop (xrf2);
	vm1 =	vmmov vm10;
	v10 =	vsel vm3, v7, v10;
	vm3 =	vmmov vm12  }
0xf2: {  	v26 =	vld [tilespmem:s25+$0xB0];
	s29 =	sadd.s32 $0x80, s28;
	vm10 =	vmmov vm0;
	vm0 =	veq.s32 v16, v0;
	v16 =	vbroadcast v61, $0xF  }
0xf3: {  	v7 =	vld [tilespmem:s29+$0x10];
	vm12 =	vmmov vm1;
	v13 =	vsel vm14, v10, v13;
	v22 =	vsel vm0, v22, v11  }
0xf4: {  	v12 =	vld [tilespmem:s25+$0x30];
	s28 =	simm.s32 $0x10;
	vm15 =	vmmov vm0;
	v11 =	vsel vm11, v13, v23;
	v23 =	vbroadcast v24, $0xF  }
0xf5: {  	s0 =	simm.s32 $0x1;
	v10 =	vld [tilespmem:s29+$0x0];
	v24 =	vmov s28;
	v16 =	vsel vm1, v11, v16;
	vm1 =	vmmov vm10  }
0xf6: {  	v25 =	vld [tilespmem:s25+$0xFFFFFFB0];
	v16 =	vsel vm13, v16, v23;
	v23 =	vshll.u32 v24, $0x7;
	v24 =	vmov s0;
	v62, _, _ =	vpop (xrf2)  }
0xf7: {  	v27 =	vld [tilespmem:s25+$0xFFFFFEB0];
	v16 =	vsel vm10, v16, v62;
	v23 =	vor.u32 v1, v23;
	vm0 =	veq.s32 v24, v0  }
0xf8: {  	v13 =	vld [tilespmem:s29+$0xFFFFFFE0];
	v35 =	vmax.f32 v14, v7;
	v20 =	vmax.f32 v20, v7;
	v56 =	vmul.f32 $1.442695020e+00, v16  }
0xf9: {  	v61 =	vld [tilespmem:s25+$0xFFFFFEA0];
	v14 =	vmax.f32 v15, v7;
	v36 =	vmax.f32 v17, v7;
	v23 =	vor.u32 $0x40, v23  }
0xfa: {  	v28 =	vld [tilespmem:s25+$0xFFFFFF30];
	v15 =	vmax.f32 v18, v10;
	v16 =	vmax.f32 v48, v7;
	(erf) = vpow2.f32 v56  }
0xfb: {  	v21 =	vld [tilespmem:s25+$0x100];
	v60 =	vmax.f32 v29, v10;
	v33 =	vmax.f32 v33, v10;
	v18 =	vmax.f32 v25, v7  }
0xfc: {  	v11 =	vld [tilespmem:s29+$0xFFFFFFF0];
	v25 =	vmax.f32 v52, v10;
	v41 =	vmax.f32 v55, v10;
	v52 =	vmax.f32 v27, v7  }
0xfd: {  	v29 =	vmax.f32 v59, v7;
	v37 =	vmax.f32 v49, v13;
	v49 =	vmax.f32 v26, v7;
	v26 =	vld [tilespmem:s25+$0xFFFFFF80]  }
0xfe: {  	v48 =	vmax.f32 v61, v10;
	v35 =	vmul.f32 v35, v5;
	v36 =	vmul.f32 v36, v5;
	v62 =	vld.idx.msk [tilespmem:v23+s13+$0x0], $0xffff  }
0xff: {  	v17 =	vmax.f32 v34, v13;
	v34 =	vmax.f32 v12, v7;
	v30 =	vmax.f32 v30, v13;
	v23 =	vld [tilespmem:s25+$0xFFFFFD30]  }
0x100: {  	v31 =	vld [tilespmem:s25+$0x90];
	v39 =	vmax.f32 v53, v13;
	v15 =	vmul.f32 v15, v4;
	v60 =	vmul.f32 v60, v4  }
0x101: {  	v57 =	vld [tilespmem:s25+$0x0];
	v42 =	vmax.f32 v42, v13;
	v33 =	vmul.f32 v33, v4;
	v25 =	vmul.f32 v25, v4  }
0x102: {  	v38 =	vmax.f32 v51, v11;
	v50 =	vmax.f32 v19, v11;
	v51 =	vmax.f32 v28, v7  }
0x103: {  	v58 =	vld [tilespmem:s25+$0x10];
	v32 =	vmax.f32 v54, v11;
	v19 =	vmax.f32 v21, v13;
	v21 =	vmax.f32 v63, v7;
	v12 =	vpop (erf)  }
0x104: {  	(xrf2) =	vadd.scan.msk.f32 $0xffff, v8;
	v8 =	vld [tilespmem:s25+$0xFFFFFDA0];
	v27 =	vmax.f32 v23, v7;
	v23 =	vmax.f32 v26, v13;
	v26 =	vmul.f32 v12, v62  }
0x105: {  	v24 =	vld [tilespmem:s25+$0xFFFFFF20];
	v31 =	vmax.f32 v31, v11;
	v37 =	vmul.f32 v37, v2;
	v38 =	vmul.f32 v38, v3  }
0x106: {  	v59 =	vld [tilespmem:s25+$0xFFFFFE90];
	v54 =	vmax.f32 v57, v13;
	v30 =	vmul.f32 v30, v2;
	v39 =	vmul.f32 v39, v2;
	(xrf2) =	vadd.scan.msk.f32 $0xffff, v26  }
0x107: {  	v28 =	vld [tilespmem:s25+$0xFFFFFF00];
	v50 =	vmul.f32 v50, v3;
	v32 =	vmul.f32 v32, v3;
	v37 =	vadd.f32 v38, v37  }
0x108: {  	v63 =	vld [tilespmem:s25+$0xFFFFFF10];
	v55 =	vmax.f32 v58, v11;
	v31 =	vmul.f32 v31, v3;
	v46 =	vmul.f32 v54, v2  }
0x109: {  	v53 =	vld [tilespmem:s25+$0xFFFFFC30];
	v47 =	vmul.f32 v55, v3;
	v55 =	vmul.f32 v34, v5;
	v15 =	vadd.f32 v15, v37  }
0x10a: {  	v58 =	vld [tilespmem:s25+$0xFFFFFE80];
	v24 =	vmax.f32 v24, v10;
	v30 =	vadd.f32 v50, v30;
	v50 =	vmax.f32 v8, v10  }
0x10b: {  	v32 =	vadd.f32 v32, v39;
	v35 =	vadd.f32 v35, v15;
	v15 =	vmul.f32 v20, v5  }
0x10c: {  	v24 =	vmul.f32 v24, v4;
	v8 =	vadd.f32 v60, v30;
	v20 =	vld [tilespmem:s25+$0xFFFFFE00];
	v62 =	vmul.f32 v42, v2  }
0x10d: {  	v57 =	vmax.f32 v28, v13;
	v43 =	vmax.f32 v63, v11;
	v32 =	vadd.f32 v33, v32  }
0x10e: {  	v61 =	vld [tilespmem:s25+$0xFFFFFD20];
	v28 =	vmax.f32 v53, v7;
	v8 =	vadd.f32 v15, v8;
	v31 =	vadd.f32 v31, v62  }
0x10f: {  	v56 =	vld [tilespmem:s25+$0xFFFFFCB0];
	v30 =	vmax.f32 v58, v13;
	v37 =	vmax.f32 v59, v11;
	v36 =	vadd.f32 v36, v32;
	v15, _, _ =	vpop (xrf2);
	(xrf2) =	vadd.scan.msk.f32 $0xffff, v35  }
0x110: {  	v63 =	vld [tilespmem:s25+$0xFFFFFC20];
	v40 =	vmul.f32 v57, v2;
	v54 =	vmul.f32 v43, v3;
	(xrf2) =	vadd.scan.msk.f32 $0xffff, v8;
	v8 =	vadd.f32 v25, v31;
	v25, _, _ =	vpop (xrf2)  }
0x111: {  	v53 =	vld [tilespmem:s25+$0xFFFFFD90];
	v32 =	vmax.f32 v20, v13;
	v20 =	vmul.f32 v49, v5;
	(xrf2) =	vadd.scan.msk.f32 $0xffff, v36;
	v25 =	vbroadcast v25, $0xF  }
0x112: {  	v38 =	vadd.f32 v47, v46;
	v30 =	vmul.f32 v30, v2;
	v37 =	vmul.f32 v37, v3;
	v31 =	vld [tilespmem:s25+$0xFFFFFD80]  }
0x113: {  	v20 =	vadd.f32 v20, v8;
	v8 =	vld.idx.msk [tilespmem:v9+s10+$0x0], $0xffff;
	v9 =	vsel vm0, v25, v22;
	v25 =	vadd.f32 v54, v40  }
0x114: {  	v59 =	vmul.f32 v48, v4;
	v26 =	vmax.f32 v56, v7;
	v49 =	vmul.f32 v41, v4;
	v56 =	vld [tilespmem:s25+$0xFFFFFD10]  }
0x115: {  	v57 =	vmul.f32 v51, v5;
	v30 =	vadd.f32 v37, v30;
	v22 =	vld [tilespmem:s25+$0xFFFFFD00];
	v24 =	vadd.f32 v24, v25  }
0x116: {  	v33 =	vmax.f32 v61, v10;
	v37 =	vld [tilespmem:s25+$0xFFFFFC80];
	v58 =	vmax.f32 v53, v11;
	v38 =	vadd.f32 v49, v38  }
0x117: {  	v61 =	vadd.f32 v59, v30;
	v30 =	vld [tilespmem:s25+$0x3A0];
	v42 =	vmul.f32 v50, v4;
	v24 =	vadd.f32 v57, v24  }
0x118: {  	v62 =	vmul.f32 v52, v5;
	v35 =	vld [tilespmem:s25+$0xFFFFFC00];
	v38 =	vadd.f32 v55, v38;
	v31 =	vmax.f32 v31, v13  }
0x119: {  	v34 =	vmax.f32 v63, v10;
	v41 =	vmul.f32 v58, v3;
	v31 =	vmul.f32 v31, v2;
	v36 =	vld [tilespmem:s25+$0xFFFFFC10];
	(xrf2) =	vadd.scan.msk.f32 $0xffff, v20;
	v20, _, _ =	vpop (xrf2)  }
0x11a: {  	v39 =	vadd.f32 v62, v61;
	v63 =	vmax.f32 v56, v11;
	(xrf2) =	vadd.scan.msk.f32 $0xffff, v38;
	v38 =	vld [tilespmem:s25+$0xFFFFFC90];
	v60 =	vmax.f32 v22, v13;
	v22, _, _ =	vpop (xrf2)  }
0x11b: {  	s30 =	simm.s32 $0x2;
	s31 =	simm.s32 $0x2400;
	s0 =	simm.s32 $0x3;
	v43 =	vmul.f32 v63, v3;
	v40 =	vadd.f32 v41, v31;
	v25 =	vld [tilespmem:s25+$0x3B0];
	(xrf2) =	vadd.scan.msk.f32 $0xffff, v24;
	v41 =	vmul.f32 v60, v2;
	v24, _, _ =	vpop (xrf2)  }
.LBB2_3:
0x11c: {  	v29 =	vmul.f32 v29, v5;
	v58 =	vmul.f32 v33, v4  }
0x11d: {  	v57 =	vld [tilespmem:s25+$0xFFFFFCA0];
	v61 =	vmul.f32 v27, v5;
	v34 =	vmul.f32 v34, v4  }
0x11e: {  	v60 =	vld [tilespmem:s25+$0xFFFFFE10];
	v28 =	vmul.f32 v28, v5;
	v32 =	vmul.f32 v32, v2;
	v40 =	vadd.f32 v42, v40  }
0x11f: {  	v41 =	vadd.f32 v43, v41;
	v35 =	vmax.f32 v35, v13;
	v36 =	vmax.f32 v36, v11  }
0x120: {  	(xrf2) =	vadd.scan.msk.f32 $0xffff, v39;
	v59 =	vadd.f32 v29, v40;
	v35 =	vmul.f32 v35, v2;
	v36 =	vmul.f32 v36, v3  }
0x121: {  	v63 =	vld [tilespmem:s25+$0xFFFFFE20];
	v41 =	vadd.f32 v58, v41;
	v37 =	vmax.f32 v37, v13;
	v62 =	vmax.f32 v38, v11  }
0x122: {  	v45 =	vld [tilespmem:s25+$0xFFFFFF90];
	v37 =	vmul.f32 v37, v2;
	v35 =	vadd.f32 v36, v35;
	v36 =	vmul.f32 v62, v3  }
0x123: {  	v33, _, _ =	vpop (xrf2);
	(xrf2) =	vadd.scan.msk.f32 $0xffff, v59;
	v43 =	vadd.f32 v61, v41;
	v46 =	vmax.f32 v57, v10;
	v47 =	vmax.f32 v60, v11  }
0x124: {  	v48 =	vld [tilespmem:s25+$0xFFFFFFA0];
	v34 =	vadd.f32 v34, v35;
	v36 =	vadd.f32 v36, v37;
	v35 =	vmul.f32 v46, v4  }
0x125: {  	v50 =	vld [tilespmem:s25+$0x110];
	v26 =	vmul.f32 v26, v5;
	v49 =	vmul.f32 v47, v3  }
0x126: {  	v51 =	vmax.f32 v63, v10;
	v27, _, _ =	vpop (xrf2);
	(xrf2) =	vadd.scan.msk.f32 $0xffff, v43;
	v28 =	vadd.f32 v28, v34;
	v35 =	vadd.f32 v35, v36  }
0x127: {  	v54 =	vld [tilespmem:s25+$0x120];
	v53 =	vmax.f32 v45, v11;
	v52 =	vmul.f32 v51, v4;
	v32 =	vadd.f32 v49, v32  }
0x128: {  	v55 =	vmul.f32 v53, v3;
	v39, _, _ =	vpop (xrf2);
	(xrf2) =	vadd.scan.msk.f32 $0xffff, v28;
	v26 =	vadd.f32 v26, v35;
	v28 =	vmul.f32 v23, v2  }
0x129: {  	v58 =	vmul.f32 v21, v5;
	v21 =	vmax.f32 v48, v10;
	v32 =	vadd.f32 v52, v32  }
0x12a: {  	v56 =	vld [tilespmem:s25+$0x290];
	v44 =	vmax.f32 v50, v11;
	v59 =	vmul.f32 v21, v4;
	v57, _, _ =	vpop (xrf2);
	v28 =	vadd.f32 v55, v28;
	(xrf2) =	vadd.scan.msk.f32 $0xffff, v26  }
0x12b: {  	v42 =	vld [tilespmem:s25+$0x380];
	v61 =	vmul.f32 v19, v2;
	v62 =	vmul.f32 v44, v3;
	v26 =	vadd.f32 v58, v32  }
0x12c: {  	v60 =	vld [tilespmem:s25+$0x2A0];
	v48 =	vmul.f32 v18, v5;
	v41 =	vmax.f32 v54, v10;
	v28 =	vadd.f32 v59, v28  }
0x12d: {  	v38 =	vld [tilespmem:s25+$0x390];
	v49 =	vmul.f32 v41, v4;
	v63, _, _ =	vpop (xrf2);
	v32 =	vadd.f32 v62, v61;
	(xrf2) =	vadd.scan.msk.f32 $0xffff, v26  }
0x12e: {  	v16 =	vmul.f32 v16, v5;
	v14 =	vmul.f32 v14, v5;
	v35 =	vadd.f32 v48, v28  }
0x12f: {  	v15 =	vbroadcast v15, $0xF;
	v36 =	vmax.f32 v56, v11;
	v45 =	vadd.f32 v49, v32  }
0x130: {  	v50 =	vmul.f32 v17, v2;
	v36 =	vmul.f32 v36, v3;
	v51, _, _ =	vpop (xrf2);
	(xrf2) =	vadd.scan.msk.f32 $0xffff, v35  }
0x131: {  	v13 =	vmax.f32 v42, v13;
	v52 =	vmax.f32 v60, v10;
	v16 =	vadd.f32 v16, v45  }
0x132: {  	v40 =	vmul.f32 v52, v4;
	v11 =	vmax.f32 v38, v11;
	v36 =	vadd.f32 v36, v50  }
0x133: {  	v10 =	vmax.f32 v30, v10;
	v11 =	vmul.f32 v11, v3;
	v59 =	vmul.f32 v13, v2;
	v58, _, _ =	vpop (xrf2);
	(xrf2) =	vadd.scan.msk.f32 $0xffff, v16  }
0x134: {  	v31 =	vld [tilespmem:s31+$0x330];
	v7 =	vmax.f32 v25, v7;
	v10 =	vmul.f32 v10, v4;
	v36 =	vadd.f32 v40, v36;
	v13, _, _ =	vpop (xrf2)  }
0x135: {  	v29 =	vld [tilespmem:s31+$0x2B0];
	v11 =	vadd.f32 v11, v59;
	v16 =	vbroadcast v58, $0xF;
	v13 =	vbroadcast v13, $0xF  }
0x136: {  	v25 =	vld [tilespmem:s31+$0x210];
	v7 =	vmul.f32 v7, v5;
	v60 =	vadd.f32 v14, v36;
	v61 =	vbroadcast v51, $0xF  }
0x137: {  	v19 =	vld [tilespmem:s31+$0x1B0];
	v10 =	vadd.f32 v10, v11;
	v14, _, _ =	vpop (xrf2);
	v11 =	vsel vm2, v16, v13;
	v13 =	vbroadcast v63, $0xF  }
0x138: {  	v6 =	vsel vm15, v15, v6;
	v18 =	vld [tilespmem:s31+$0x130];
	v15 =	vbroadcast v14, $0xF;
	v11 =	vsel vm3, v11, v61  }
0x139: {  	v17 =	vld [tilespmem:s31+$0x300];
	v7 =	vadd.f32 v7, v10;
	v10 =	vsel vm4, v11, v13;
	v11 =	vbroadcast v57, $0xF  }
0x13a: {  	v54 =	vld [tilespmem:s31+$0xFFFFFF30];
	(xrf2) =	vadd.scan.msk.f32 $0xffff, v60;
	v10 =	vsel vm5, v10, v15;
	v15 =	vbroadcast v39, $0xF;
	v14, _, _ =	vpop (xrf2)  }
0x13b: {  	v21 =	vld [tilespmem:s31+$0x320];
	(xrf2) =	vadd.scan.msk.f32 $0xffff, v7;
	v7 =	vsel vm6, v10, v11;
	v10 =	vbroadcast v14, $0xF  }
0x13c: {  	v53 =	vld [tilespmem:s31+$0xB0];
	v11 =	vbroadcast v27, $0xF;
	v7 =	vsel vm7, v7, v15  }
0x13d: {  	v30 =	vld [tilespmem:s31+$0x30];
	v13, _, _ =	vpop (xrf2);
	v7 =	vsel vm8, v7, v10  }
0x13e: {  	v7 =	vsel vm9, v7, v11;
	v11 =	vbroadcast v13, $0xF;
	v13 =	vld [tilespmem:$0x1FF30]  }
0x13f: {  	v38 =	vld [tilespmem:s31+$0x280]  }
0x140: {  	v56 =	vld [tilespmem:s31+$0x80]  }
0x141: {  	v52 =	vld [tilespmem:s31+$0xFFFFFC30]  }
0x142: {  	v23 =	vld [tilespmem:s31+$0x230]  }
0x143: {  	vm15 =	vmmov vm0;
	vm0 =	vnez.u8 v13;
	v13 =	vld [tilespmem:$0x1FF10]  }
0x144: {  	v50 =	vld [tilespmem:s31+$0xFFFFFEA0]  }
0x145: {  	v62 =	vld [tilespmem:s31+$0xA0]  }
0x146: {  	v55 =	vld [tilespmem:s31+$0x20];
	v10 =	vbroadcast v33, $0xF  }
0x147: {  	v40 =	vld [tilespmem:s31+$0xFFFFFFB0]  }
0x148: {  	v26 =	vld [tilespmem:s31+$0x220];
	v7 =	vsel vm0, v7, v10;
	v10 =	vbroadcast v24, $0xF;
	vm0 =	vnez.u8 v13  }
0x149: {  	s29 =	sadd.s32 $0x80, s29;
	v36 =	vld [tilespmem:s31+$0x200];
	v14, _, _ =	vpop (xrf2);
	v13 =	vbroadcast v22, $0xF;
	v11 =	vsel vm0, v7, v11  }
0x14a: {  	v14 =	vbroadcast v14, $0xF;
	v7 =	vld [tilespmem:s29+$0x10];
	v11 =	vsel vm14, v11, v10  }
0x14b: {  	s28 =	sadd.s32 $0x10, s28;
	v28 =	vld [tilespmem:s31+$0x310];
	v15 =	vbroadcast v20, $0xF;
	v11 =	vsel vm11, v11, v13  }
0x14c: {  	v35 =	vld [tilespmem:s31+$0x1A0];
	v16 =	vmov s28;
	v14 =	vsel vm12, v11, v14  }
0x14d: {  	v20, _, _ =	vpop (xrf2);
	v10 =	vld [tilespmem:s29+$0x0];
	v14 =	vsel vm13, v14, v15;
	v15 =	vshll.u32 v16, $0x7;
	v16 =	vmov s30  }
0x14e: {  	v58 =	vld [tilespmem:s31+$0x90];
	v14 =	vsel vm1, v14, v20;
	v48 =	vor.u32 v1, v15;
	vm0 =	veq.s32 v16, v0  }
0x14f: {  	v22 =	vld [tilespmem:s31+$0xFFFFFE30];
	v31 =	vmax.f32 v31, v7;
	v46 =	vmax.f32 v23, v7;
	v16 =	vmax.f32 v18, v7  }
0x150: {  	v60 =	vld [tilespmem:s31+$0x0];
	v51 =	vmax.f32 v53, v7;
	v30 =	vmax.f32 v30, v7;
	v24 =	vmul.f32 $1.442695020e+00, v14  }
0x151: {  	v13 =	vld [tilespmem:s29+$0xFFFFFFE0];
	v18 =	vmax.f32 v40, v7;
	v39 =	vmax.f32 v54, v7;
	v59 =	vor.u32 $0x40, v48  }
0x152: {  	v63 =	vld [tilespmem:s31+$0x180];
	v14 =	vmax.f32 v29, v7;
	v47 =	vmax.f32 v21, v10;
	(erf) = vpow2.f32 v24  }
0x153: {  	v61 =	vld [tilespmem:s31+$0xFFFFFF80];
	v48 =	vmax.f32 v19, v7;
	v49 =	vmax.f32 v26, v10;
	v32 =	vmax.f32 v35, v10  }
0x154: {  	(xrf2) =	vadd.scan.msk.f32 $0xffff, v12;
	v11 =	vld [tilespmem:s29+$0xFFFFFFF0];
	v37 =	vmax.f32 v62, v10;
	v42 =	vmax.f32 v55, v10;
	v21 =	vmax.f32 v22, v7  }
0x155: {  	v57 =	vld [tilespmem:s31+$0x190];
	v50 =	vmax.f32 v50, v10;
	v31 =	vmul.f32 v31, v5;
	v55 =	vmul.f32 v46, v5  }
0x156: {  	v12 =	vld [tilespmem:s31+$0xFFFFFEB0];
	v30 =	vmul.f32 v30, v5;
	v39 =	vmul.f32 v39, v5;
	v26 =	vmax.f32 v17, v13  }
0x157: {  	v17 =	vmax.f32 v38, v13;
	v36 =	vmax.f32 v36, v13;
	v34 =	vmax.f32 v63, v13;
	v62 =	vld.idx.msk [tilespmem:v59+s13+$0x0], $0xffff  }
0x158: {  	v27 =	vld [tilespmem:s31+$0x100];
	v33 =	vmax.f32 v56, v13;
	v45 =	vmax.f32 v60, v13;
	v60 =	vmul.f32 v47, v4  }
0x159: {  	v23 =	vld [tilespmem:s31+$0x10];
	v32 =	vmul.f32 v32, v4;
	v42 =	vmul.f32 v42, v4;
	v28 =	vmax.f32 v28, v11  }
0x15a: {  	v20 =	vld [tilespmem:s31+$0xFFFFFF20];
	v25 =	vmax.f32 v25, v11;
	v41 =	vmax.f32 v57, v11;
	v26 =	vmul.f32 v26, v2  }
0x15b: {  	v63 =	vld [tilespmem:s31+$0xFFFFFD30];
	v24 =	vmax.f32 v12, v7;
	v36 =	vmul.f32 v36, v2;
	v34 =	vmul.f32 v34, v2;
	v12 =	vpop (erf)  }
0x15c: {  	v22 =	vld [tilespmem:s31+$0xFFFFFF10];
	v43 =	vmax.f32 v58, v11;
	v28 =	vmul.f32 v28, v3;
	v58 =	vmul.f32 v12, v62  }
0x15d: {  	v19 =	vmax.f32 v27, v13;
	v57 =	vld [tilespmem:s31+$0xFFFFFF00];
	v25 =	vmul.f32 v25, v3;
	v41 =	vmul.f32 v41, v3  }
0x15e: {  	v15, _, _ =	vpop (xrf2);
	v53 =	vmax.f32 v23, v11;
	v23 =	vmax.f32 v61, v13;
	v61 =	vld [tilespmem:s31+$0xFFFFFE80];
	v26 =	vadd.f32 v28, v26;
	(xrf2) =	vadd.scan.msk.f32 $0xffff, v58  }
0x15f: {  	v59 =	vld [tilespmem:s31+$0xFFFFFDA0];
	v28 =	vmax.f32 v52, v7;
	v25 =	vadd.f32 v25, v36;
	v52 =	vmul.f32 v49, v4  }
0x160: {  	v34 =	vadd.f32 v41, v34;
	v27 =	vmax.f32 v63, v7;
	v63 =	vld [tilespmem:s31+$0xFFFFFE90];
	v62 =	vadd.f32 v60, v26  }
0x161: {  	v54 =	vld [tilespmem:s31+$0xFFFFFCB0];
	v20 =	vmax.f32 v20, v10;
	v22 =	vmax.f32 v22, v11;
	v25 =	vadd.f32 v52, v25  }
0x162: {  	v29 =	vld [tilespmem:s31+$0xFFFFFDB0];
	v40 =	vmax.f32 v57, v13;
	v32 =	vadd.f32 v32, v34;
	v31 =	vadd.f32 v31, v62  }
0x163: {  	v57 =	vmax.f32 v61, v13;
	v61 =	vmul.f32 v37, v4;
	v60 =	vmul.f32 v48, v5  }
0x164: {  	v56 =	vld [tilespmem:s31+$0xFFFFFE00];
	v25 =	vadd.f32 v55, v25;
	v58 =	vmul.f32 v43, v3;
	(xrf2) =	vadd.scan.msk.f32 $0xffff, v31;
	v31 =	vmul.f32 v33, v2  }
0x165: {  	v38 =	vmax.f32 v59, v10;
	v59 =	vmax.f32 v63, v11;
	v63 =	vmul.f32 v53, v3;
	v53 =	vld [tilespmem:s31+$0xFFFFFD90]  }
0x166: {  	v26 =	vmax.f32 v54, v7;
	v54 =	vld [tilespmem:s31+$0xFFFFFD20];
	v34 =	vadd.f32 v60, v32;
	v31 =	vadd.f32 v58, v31  }
0x167: {  	v29 =	vmax.f32 v29, v7;
	v22 =	vmul.f32 v22, v3;
	v40 =	vmul.f32 v40, v2;
	(xrf2) =	vadd.scan.msk.f32 $0xffff, v25;
	v25 =	vld [tilespmem:s31+$0xFFFFFC20]  }
0x168: {  	v48 =	vmul.f32 v51, v5;
	v51 =	vld [tilespmem:s31+$0xFFFFFD80];
	v62 =	vmul.f32 v45, v2;
	v31 =	vadd.f32 v61, v31;
	v49, _, _ =	vpop (xrf2);
	(xrf2) =	vadd.scan.msk.f32 $0xffff, v34  }
0x169: {  	v55 =	vld [tilespmem:s31+$0xFFFFFD00];
	v32 =	vmax.f32 v56, v13;
	v56 =	vmul.f32 v57, v2;
	v57 =	vmul.f32 v59, v3  }
0x16a: {  	v22 =	vadd.f32 v22, v40;
	v60 =	vmul.f32 v50, v4;
	v31 =	vadd.f32 v48, v31  }
0x16b: {  	v41 =	vadd.f32 v63, v62;
	v37 =	vmax.f32 v53, v11;
	v40 =	vadd.f32 v57, v56  }
0x16c: {  	v63 =	vmul.f32 v24, v5;
	v34 =	vmax.f32 v25, v10;
	v25 =	vmul.f32 v20, v4;
	(xrf2) =	vadd.scan.msk.f32 $0xffff, v31;
	v31 =	vld [tilespmem:s31+$0xFFFFFD10]  }
0x16d: {  	p0 =	sne.s32 s0, $0xF;
	v35 =	vld [tilespmem:s31+$0xFFFFFC00];
	v33 =	vmax.f32 v54, v10;
	v54 =	vadd.f32 v42, v41;
	v58 =	vmax.f32 v51, v13  }
.Ltmp0:
0x16e: {  	s25 =	smov.u32 s31;
	v36 =	vld [tilespmem:s31+$0xFFFFFC10];
	v41 =	vmax.f32 v55, v13;
	v42 =	vmul.f32 v38, v4;
	v59 =	vadd.f32 v25, v22;
	(pc) =	sbr.rel @p0 .LBB2_3-.Ltmp0, $4  }
0x16f: {  	v38 =	vld [tilespmem:s25+$0xFFFFFC90];
	v43 =	vmul.f32 v58, v2;
	v30 =	vadd.f32 v30, v54;
	v61 =	vmul.f32 v37, v3  }
0x170: {  	v62 =	vadd.f32 v60, v40;
	v37 =	vld [tilespmem:s31+$0xFFFFFC80];
	v52 =	vbroadcast v49, $0xF;
	v20, _, _ =	vpop (xrf2);
	v39 =	vadd.f32 v39, v59  }
0x171: {  	v41 =	vmul.f32 v41, v2;
	v40 =	vadd.f32 v61, v43;
	v25 =	vld [tilespmem:s31+$0x3B0];
	(xrf2) =	vadd.scan.msk.f32 $0xffff, v30;
	v22, _, _ =	vpop (xrf2);
	v31 =	vmax.f32 v31, v11  }
0x172: {  	s30 =	smov.u32 s0;
	s0 =	sadd.s32 $0x1, s0;
	v30 =	vld [tilespmem:s31+$0x3A0];
	s31 =	sadd.s32 $0x800, s31;
	v9 =	vsel vm0, v52, v9;
	(xrf2) =	vadd.scan.msk.f32 $0xffff, v39;
	v39 =	vadd.f32 v63, v62;
	v43 =	vmul.f32 v31, v3;
	v24, _, _ =	vpop (xrf2)  }
0x173: {  	v29 =	vmul.f32 v29, v5  }
0x174: {  	v31 =	vmax.f32 v35, v13;
	v33 =	vmul.f32 v33, v4;
	v27 =	vmul.f32 v27, v5  }
0x175: {  	v36 =	vmax.f32 v36, v11;
	v60 =	vld [tilespmem:s25+$0xFFFFFCA0];
	v34 =	vmul.f32 v34, v4;
	v28 =	vmul.f32 v28, v5  }
0x176: {  	v59 =	vadd.f32 v42, v40;
	v61 =	vld [tilespmem:s25+$0xFFFFFE10];
	v31 =	vmul.f32 v31, v2;
	v36 =	vmul.f32 v36, v3  }
0x177: {  	v26 =	vmul.f32 v26, v5;
	v23 =	vmul.f32 v23, v2;
	v41 =	vadd.f32 v43, v41  }
0x178: {  	v63 =	vld [tilespmem:s25+$0xFFFFFE20];
	v21 =	vmul.f32 v21, v5;
	v62 =	vmax.f32 v38, v11;
	v31 =	vadd.f32 v36, v31  }
0x179: {  	v29 =	vadd.f32 v29, v59;
	v37 =	vmax.f32 v37, v13;
	v33 =	vadd.f32 v33, v41;
	v41 =	vld [tilespmem:s25+$0xFFFFFF90]  }
0x17a: {  	v37 =	vmul.f32 v37, v2;
	v36 =	vmul.f32 v62, v3;
	v31 =	vadd.f32 v34, v31  }
0x17b: {  	v43 =	vld [tilespmem:s25+$0xFFFFFFA0];
	v27 =	vadd.f32 v27, v33;
	v42 =	vmax.f32 v60, v10;
	v35 =	vmax.f32 v61, v11  }
0x17c: {  	v45 =	vld [tilespmem:s25+$0x110];
	v44 =	vmul.f32 v35, v3;
	v28 =	vadd.f32 v28, v31;
	v31 =	vmul.f32 v32, v2  }
0x17d: {  	(xrf2) =	vadd.scan.msk.f32 $0xffff, v39;
	v36 =	vadd.f32 v36, v37;
	v46 =	vmax.f32 v63, v10;
	v34 =	vmul.f32 v42, v4  }
0x17e: {  	v48 =	vld [tilespmem:s25+$0x120];
	(xrf2) =	vadd.scan.msk.f32 $0xffff, v29;
	v47 =	vmax.f32 v41, v11;
	v29 =	vadd.f32 v44, v31;
	v31 =	vmul.f32 v46, v4  }
0x17f: {  	v49 =	vld [tilespmem:s25+$0x290];
	v19 =	vmul.f32 v19, v2;
	(xrf2) =	vadd.scan.msk.f32 $0xffff, v27;
	v27 =	vmul.f32 v47, v3  }
0x180: {  	v34 =	vadd.f32 v34, v36;
	(xrf2) =	vadd.scan.msk.f32 $0xffff, v28;
	v28 =	vadd.f32 v31, v29;
	v29 =	vmax.f32 v43, v10  }
0x181: {  	v23 =	vadd.f32 v27, v23;
	v31 =	vld [tilespmem:s25+$0x2A0];
	v27 =	vmul.f32 v29, v4;
	v29 =	vmax.f32 v45, v11  }
0x182: {  	v26 =	vadd.f32 v26, v34;
	v21 =	vadd.f32 v21, v28;
	v28 =	vmul.f32 v29, v3  }
0x183: {  	v18 =	vmul.f32 v18, v5;
	v23 =	vadd.f32 v27, v23;
	v27 =	vmax.f32 v48, v10  }
0x184: {  	(xrf2) =	vadd.scan.msk.f32 $0xffff, v26;
	v26 =	vld [tilespmem:s25+$0x380];
	v19 =	vadd.f32 v28, v19;
	v27 =	vmul.f32 v27, v4;
	v28 =	vmax.f32 v49, v11  }
0x185: {  	v17 =	vmul.f32 v17, v2;
	v50, _, _ =	vpop (xrf2);
	(xrf2) =	vadd.scan.msk.f32 $0xffff, v21;
	v18 =	vadd.f32 v18, v23;
	v23 =	vmul.f32 v28, v3  }
0x186: {  	v29 =	vld [tilespmem:s25+$0x390];
	v19 =	vadd.f32 v27, v19;
	v27 =	vmax.f32 v31, v10  }
0x187: {  	v17 =	vadd.f32 v23, v17;
	v23 =	vmul.f32 v27, v4  }
0x188: {  	v16 =	vmul.f32 v16, v5;
	v21, _, _ =	vpop (xrf2)  }
0x189: {  	v14 =	vmul.f32 v14, v5;
	v13 =	vmax.f32 v26, v13;
	v28, _, _ =	vpop (xrf2);
	v17 =	vadd.f32 v23, v17  }
0x18a: {  	v13 =	vmul.f32 v13, v2;
	v31, _, _ =	vpop (xrf2);
	(xrf2) =	vadd.scan.msk.f32 $0xffff, v18  }
0x18b: {  	v11 =	vmax.f32 v29, v11;
	v16 =	vadd.f32 v16, v19;
	v18, _, _ =	vpop (xrf2);
	v14 =	vadd.f32 v14, v17  }
0x18c: {  	v11 =	vmul.f32 v11, v3;
	v19, _, _ =	vpop (xrf2)  }
0x18d: {  	v7 =	vmax.f32 v25, v7;
	v10 =	vmax.f32 v30, v10;
	(xrf2) =	vadd.scan.msk.f32 $0xffff, v16;
	v23, _, _ =	vpop (xrf2)  }
0x18e: {  	v7 =	vmul.f32 v7, v5;
	v10 =	vmul.f32 v10, v4;
	v11 =	vadd.f32 v11, v13;
	v13, _, _ =	vpop (xrf2)  }
0x18f: {  	v16 =	vbroadcast v23, $0xF;
	v13 =	vbroadcast v13, $0xF;
	(xrf2) =	vadd.scan.msk.f32 $0xffff, v14;
	v14, _, _ =	vpop (xrf2)  }
0x190: {  	v17 =	vbroadcast v19, $0xF;
	v10 =	vadd.f32 v10, v11;
	v14 =	vbroadcast v14, $0xF  }
0x191: {  	v11 =	vsel vm2, v16, v13;
	v13 =	vbroadcast v18, $0xF  }
0x192: {  	v7 =	vadd.f32 v7, v10;
	v11 =	vsel vm3, v11, v17  }
0x193: {  	v10 =	vsel vm4, v11, v13;
	v11 =	vbroadcast v31, $0xF;
	v13 =	vbroadcast v28, $0xF  }
0x194: {  	v10 =	vsel vm5, v10, v14;
	v14, _, _ =	vpop (xrf2)  }
0x195: {  	(xrf2) =	vadd.scan.msk.f32 $0xffff, v7;
	v7 =	vsel vm6, v10, v11;
	v10 =	vbroadcast v14, $0xF  }
0x196: {  	v11 =	vbroadcast v21, $0xF;
	v7 =	vsel vm7, v7, v13  }
0x197: {  	v13, _, _ =	vpop (xrf2);
	v7 =	vsel vm8, v7, v10  }
0x198: {  	v7 =	vsel vm9, v7, v11;
	v11 =	vbroadcast v13, $0xF;
	v13 =	vld [tilespmem:$0x1FF30];
	_ =	sdelay $0x4  }
0x199: {  	vm10 =	vnez.u8 v13;
	v13 =	vld [tilespmem:$0x1FF10];
	_ =	sdelay $0x2  }
0x19a: {  	v10 =	vbroadcast v50, $0xF;
	_ =	sdelay $0x1  }
0x19b: {  	v7 =	vsel vm10, v7, v10;
	v10 =	vbroadcast v24, $0xF;
	vm10 =	vnez.u8 v13  }
0x19c: {  	v13, _, _ =	vpop (xrf2);
	v7 =	vsel vm10, v7, v11  }
0x19d: {  	v7 =	vsel vm14, v7, v10;
	v10 =	vbroadcast v13, $0xF;
	v13 =	vld [tilespmem:$0x1FF20]  }
0x19e: {  	v11 =	vbroadcast v22, $0xF;
	_ =	sdelay $0x1  }
0x19f: {  	v7 =	vsel vm11, v7, v11;
	v11 =	vbroadcast v20, $0xF  }
0x1a0: {  	v7 =	vsel vm12, v7, v10  }
0x1a1: {  	s0 =	sadd.s32 $0x10, s28;
	v7 =	vsel vm13, v7, v11;
	v10, _, _ =	vpop (xrf2);
	vm10 =	vnez.u8 v13  }
0x1a2: {  	v11 =	vmov s0;
	v7 =	vsel vm10, v7, v10  }
0x1a3: {  	v10 =	vshll.u32 v11, $0x7;
	v7 =	vmul.f32 $1.442695020e+00, v7  }
0x1a4: {  	v10 =	vor.u32 v1, v10  }
0x1a5: {  	v10 =	vor.u32 $0x40, v10;
	(erf) = vpow2.f32 v7;
	_ =	sdelay $0x4  }
0x1a6: {  	v7 =	vld.idx.msk [tilespmem:v10+s13+$0x0], $0xffff;
	_ =	sdelay $0x3  }
0x1a7: {  	v10 =	vpop (erf)  }
0x1a8: {  	v7 =	vmul.f32 v10, v7  }
0x1a9: {  	(xrf2) =	vadd.scan.msk.f32 $0xffff, v12  }
0x1aa: {  	(xrf2) =	vadd.scan.msk.f32 $0xffff, v7  }
0x1ab: {  	(xrf2) =	vadd.scan.msk.f32 $0xffff, v10;
	_ =	sdelay $0x7  }
0x1ac: {  	v7 =	vbroadcast v15, $0xF;
	v10, _, _ =	vpop (xrf2)  }
0x1ad: {  	v11, _, _ =	vpop (xrf2)  }
0x1ae: {  	v6 =	vsel vm15, v7, v6;
	v7 =	vmov s30;
	v10 =	vbroadcast v10, $0xF;
	v12, _, _ =	vpop (xrf2)  }
0x1af: {  	vm0 =	vmmov vm0;
	vm15 =	veq.s32 v7, v0;
	v7 =	vbroadcast v12, $0xF  }
0x1b0: {  	v6 =	vsel vm0, v10, v6;
	vm0 =	vmmov vm15  }
0x1b1: {  	v6 =	vsel vm0, v7, v6  }
0x1b2: {  	(erf) = vrcp.f32 v6;
	_ =	sdelay $0x6  }
0x1b3: {  	v6 =	vbroadcast v11, $0xF;
	_ =	sdelay $0x1  }
0x1b4: {  	v6 =	vsel vm15, v6, v9;
	v7 =	vpop (erf)  }
0x1b5: {  	v6 =	vmul.f32 v7, v6  }
0x1b6: {  	p0 =	seq.s32 s23, $0x3  }
0x1b7: {  	s0 =	sshll.u32 @!p0 s23, $0x9;
	v6 =	vadd.f32 v6, v8  }
0x1b8: {  	s0 =	sand.u32 @!p0 $0x3FFFFE00, s0  }
0x1b9: {  	s28 =	simm.s32 @!p0 $0x800;
	s25 =	sadd.s32 @!p0 $0x200, s0;
	[tilespmem:s26+$0x14880] =	vst v6;
	s26 =	simm.s32 @!p0 $0x80  }
0x1ba: {  	[tilespmem:s28], [sflag:$0x1] =	stream.indirect.gather @!p0 [hbm4b:s4+s26], $0x80, s25, s26, $0xb8;
	[tilespmem:$0x14900] =	vst v63  }
0x1bb: {  	s0 =	sadd.s32 @!p0 $0x280, s0;
	s25 =	simm.s32 @!p0 $0x4800  }
0x1bc: {  	[tilespmem:s25], [sflag:$0x1] =	stream.indirect.gather @!p0 [hbm4b:s4+s26], $0x80, s0, s26, $0xb8;
	[tilespmem:$0x14900] =	vst v63  }
0x1bd: {  	_ =	swait.ge [sflag:s18], $0x4000  }
0x1be: {  	[sflag:s18] =	ssyncset.done $0x0  }
0x1bf: {  	[sflag:s18] =	ssyncadd.s32 $0xFFFFC000  }
0x1c0: {  	_ =	swait.ge [sflag:s18], $0x4000  }
0x1c1: {  	[sflag:s18] =	ssyncset.done $0x0  }
0x1c2: {  	s0 =	simm.s32 $0x8C00;
	[sflag:s18] =	ssyncadd.s32 $0xFFFFC000  }
0x1c3: {  	v10 =	vld [tilespmem:s0+$0x330]  }
0x1c4: {  	v11 =	vld [tilespmem:s0+$0x2B0]  }
0x1c5: {  	v12 =	vld [tilespmem:s0+$0x230]  }
0x1c6: {  	v13 =	vld [tilespmem:s0+$0x320]  }
0x1c7: {  	v14 =	vld [tilespmem:s0+$0x1B0]  }
0x1c8: {  	v15 =	vld [tilespmem:s0+$0x130]  }
0x1c9: {  	v16 =	vld [tilespmem:s0+$0x220]  }
0x1ca: {  	v17 =	vld [tilespmem:s0+$0x300]  }
0x1cb: {  	v18 =	vld [tilespmem:s0+$0x310]  }
0x1cc: {  	v19 =	vld [tilespmem:s0+$0xB0]  }
0x1cd: {  	v20 =	vld [tilespmem:s0+$0x1A0]  }
0x1ce: {  	v21 =	vld [tilespmem:s0+$0x280]  }
0x1cf: {  	v22 =	vld [tilespmem:s0+$0x30]  }
0x1d0: {  	v23 =	vld [tilespmem:s0+$0x200]  }
0x1d1: {  	v24 =	vld [tilespmem:s0+$0x210]  }
0x1d2: {  	v25 =	vld [tilespmem:s0+$0xFFFFFFB0]  }
0x1d3: {  	v26 =	vld [tilespmem:s0+$0xA0]  }
0x1d4: {  	v27 =	vld [tilespmem:s0+$0x180]  }
0x1d5: {  	v28 =	vld [tilespmem:s0+$0x190]  }
0x1d6: {  	v29 =	vld [tilespmem:s0+$0xFFFFFF30]  }
0x1d7: {  	v30 =	vld [tilespmem:s0+$0x20]  }
0x1d8: {  	v6 =	vld [tilespmem:s22+$0x0]  }
0x1d9: {  	v7 =	vld [tilespmem:s22+$0xFFFFFFF0]  }
0x1da: {  	v9 =	vld [tilespmem:s22+$0xFFFFFFD0]  }
0x1db: {  	v8 =	vld [tilespmem:s22+$0xFFFFFFE0]  }
0x1dc: {  	v31 =	vld [tilespmem:s0+$0x100]  }
0x1dd: {  	v51 =	vld [tilespmem:s0+$0xFFFFFEB0]  }
0x1de: {  	v52 =	vld [tilespmem:s0+$0x80];
	v56 =	vmax.f32 v10, v6;
	v57 =	vmax.f32 v12, v6;
	v10 =	vmax.f32 v11, v6  }
0x1df: {  	v53 =	vld [tilespmem:s0+$0x90];
	v59 =	vmax.f32 v13, v7;
	v11 =	vmax.f32 v15, v6;
	v14 =	vmax.f32 v14, v6  }
0x1e0: {  	v54 =	vld [tilespmem:s0+$0xFFFFFE30];
	v60 =	vmax.f32 v16, v7;
	v61 =	vmax.f32 v17, v9;
	v18 =	vmax.f32 v18, v8  }
0x1e1: {  	v55 =	vld [tilespmem:s0+$0xFFFFFF20];
	v44 =	vmax.f32 v19, v6;
	v20 =	vmax.f32 v20, v7;
	v12 =	vmax.f32 v21, v9  }
0x1e2: {  	v62 =	vld [tilespmem:s0+$0xFFFFFDB0];
	v21 =	vmax.f32 v22, v6;
	v22 =	vmax.f32 v23, v9;
	v23 =	vmax.f32 v24, v8  }
0x1e3: {  	v58 =	vld [tilespmem:s0+$0x0];
	v13 =	vmax.f32 v25, v6;
	v25 =	vmax.f32 v26, v7;
	v26 =	vmax.f32 v27, v9  }
0x1e4: {  	v45 =	vld [tilespmem:s0+$0xFFFFFF00];
	v29 =	vmax.f32 v29, v6;
	v30 =	vmax.f32 v30, v7;
	v28 =	vmax.f32 v28, v8  }
0x1e5: {  	v48 =	vld [tilespmem:s0+$0xFFFFFC30];
	v32 =	vmax.f32 v51, v6;
	v33 =	vmax.f32 v52, v9;
	v16 =	vmax.f32 v31, v9  }
0x1e6: {  	v47 =	vld [tilespmem:s0+$0xFFFFFCB0];
	v17 =	vmax.f32 v54, v6;
	v63 =	vmax.f32 v55, v7;
	v34 =	vmax.f32 v53, v8  }
0x1e7: {  	v50 =	vld [tilespmem:s0+$0xFFFFFE80];
	v36 =	vmax.f32 v62, v6;
	v42 =	vmul.f32 v61, v2;
	v18 =	vmul.f32 v18, v3  }
0x1e8: {  	v39 =	vmax.f32 v58, v9;
	v40 =	vmul.f32 v59, v4;
	v22 =	vmul.f32 v22, v2  }
0x1e9: {  	v49 =	vmax.f32 v45, v9;
	v23 =	vmul.f32 v23, v3;
	v37 =	vmul.f32 v56, v5  }
0x1ea: {  	v15 =	vld [tilespmem:s0+$0x10];
	v51 =	vmax.f32 v48, v6;
	v26 =	vmul.f32 v26, v2;
	v28 =	vmul.f32 v28, v3  }
0x1eb: {  	v19 =	vld [tilespmem:s0+$0xFFFFFEA0];
	v52 =	vmax.f32 v47, v6;
	v20 =	vmul.f32 v20, v4;
	v54 =	vmul.f32 v34, v3  }
0x1ec: {  	v27 =	vld [tilespmem:s0+$0xFFFFFD30];
	v56 =	vmax.f32 v50, v9;
	v14 =	vmul.f32 v14, v5;
	v18 =	vadd.f32 v18, v42  }
0x1ed: {  	v24 =	vld [tilespmem:s0+$0xFFFFFF80];
	v25 =	vmul.f32 v25, v4;
	v62 =	vmul.f32 v56, v2;
	v22 =	vadd.f32 v23, v22  }
0x1ee: {  	v31 =	vld [tilespmem:s0+$0xFFFFFF10];
	v23 =	vmul.f32 v60, v4;
	v26 =	vadd.f32 v28, v26;
	v18 =	vadd.f32 v40, v18  }
0x1ef: {  	v45 =	vld [tilespmem:s0+$0xFFFFFC80];
	v28 =	vmul.f32 v33, v2;
	v60 =	vmul.f32 v49, v2;
	v15 =	vmax.f32 v15, v8  }
0x1f0: {  	v37 =	vadd.f32 v37, v18;
	v18 =	vadd.f32 v23, v22;
	v23 =	vmul.f32 v57, v5  }
0x1f1: {  	v53 =	vld [tilespmem:s0+$0xFFFFFE90];
	v46 =	vmax.f32 v19, v7;
	v27 =	vmax.f32 v27, v6;
	v15 =	vmul.f32 v15, v3  }
0x1f2: {  	v57 =	vmul.f32 v39, v2;
	v23 =	vadd.f32 v23, v18;
	v18 =	vadd.f32 v20, v26  }
0x1f3: {  	v19 =	vmax.f32 v24, v9;
	v31 =	vmax.f32 v31, v8;
	v20 =	vadd.f32 v54, v28;
	v28 =	vld [tilespmem:s0+$0xFFFFFC20]  }
0x1f4: {  	v24 =	vld [tilespmem:s0+$0xFFFFFDA0];
	v33 =	vmax.f32 v45, v9;
	v15 =	vadd.f32 v15, v57;
	v58 =	vadd.f32 v14, v18  }
0x1f5: {  	v14 =	vadd.f32 v25, v20;
	v18 =	vmul.f32 v44, v5;
	v20 =	vld [tilespmem:s0+$0xFFFFFD80];
	v25 =	vmul.f32 v30, v4  }
0x1f6: {  	v59 =	vld [tilespmem:s0+$0xFFFFFD90];
	v31 =	vmul.f32 v31, v3;
	v38 =	vmul.f32 v46, v4;
	v26 =	vmax.f32 v53, v8  }
0x1f7: {  	v22 =	vld [tilespmem:s0+$0xFFFFFD20];
	v61 =	vadd.f32 v18, v14;
	v14 =	vadd.f32 v25, v15;
	v15 =	vmul.f32 v21, v5  }
0x1f8: {  	v25 =	vld [tilespmem:s0+$0xFFFFFD00];
	v18 =	vadd.f32 v31, v60;
	v21 =	vmax.f32 v28, v7;
	v28 =	vmul.f32 v63, v4  }
0x1f9: {  	v24 =	vmax.f32 v24, v7;
	v26 =	vmul.f32 v26, v3;
	v31 =	vld [tilespmem:s0+$0xFFFFFD10];
	v63 =	vadd.f32 v15, v14  }
0x1fa: {  	v14 =	vmax.f32 v20, v9;
	v15 =	vadd.f32 v28, v18;
	v20 =	vmul.f32 v29, v5  }
0x1fb: {  	v24 =	vmul.f32 v24, v4;
	v26 =	vadd.f32 v26, v62;
	v28 =	vld [tilespmem:s0+$0xFFFFFC00];
	v29 =	vmax.f32 v59, v8  }
0x1fc: {  	v42 =	vld [tilespmem:s0+$0xFFFFFC10];
	v14 =	vmul.f32 v14, v2;
	v29 =	vmul.f32 v29, v3;
	v20 =	vadd.f32 v20, v15  }
0x1fd: {  	v15 =	vmax.f32 v25, v9;
	v25 =	vadd.f32 v38, v26;
	v26 =	vmul.f32 v32, v5  }
0x1fe: {  	v47 =	vld [tilespmem:s0+$0xFFFFFCA0];
	v22 =	vmax.f32 v22, v7;
	v31 =	vmax.f32 v31, v8;
	v29 =	vadd.f32 v29, v14  }
0x1ff: {  	v46 =	vld [tilespmem:s0+$0xFFFFFC90];
	v15 =	vmul.f32 v15, v2;
	v31 =	vmul.f32 v31, v3;
	v25 =	vadd.f32 v26, v25  }
0x200: {  	v26 =	vmax.f32 v28, v9;
	v24 =	vadd.f32 v24, v29;
	v28 =	vmul.f32 v36, v5  }
0x201: {  	v55 =	vld [tilespmem:s0+$0xFFFFFE00];
	v22 =	vmul.f32 v22, v4;
	v29 =	vmax.f32 v42, v8;
	v31 =	vadd.f32 v31, v15  }
0x202: {  	v26 =	vmul.f32 v26, v2;
	v29 =	vmul.f32 v29, v3;
	v24 =	vadd.f32 v28, v24;
	v28 =	vld [tilespmem:s0+$0xFFFFFE10]  }
0x203: {  	v48 =	vmax.f32 v47, v7;
	v27 =	vmul.f32 v27, v5;
	(xrf2) =	vadd.scan.msk.f32 $0xffff, v37;
	v22 =	vadd.f32 v22, v31  }
0x204: {  	(xrf2) =	vadd.scan.msk.f32 $0xffff, v23;
	v21 =	vmul.f32 v21, v4;
	v23 =	vadd.f32 v29, v26;
	v26 =	vmax.f32 v46, v8;
	v29 =	vld [tilespmem:s0+$0xFFFFFE20]  }
0x205: {  	(xrf2) =	vadd.scan.msk.f32 $0xffff, v58;
	v31 =	vmul.f32 v33, v2;
	v26 =	vmul.f32 v26, v3;
	v22 =	vadd.f32 v27, v22;
	v27 =	vld [tilespmem:s0+$0xFFFFFF90]  }
0x206: {  	v30 =	vmax.f32 v55, v9;
	(xrf2) =	vadd.scan.msk.f32 $0xffff, v61;
	v21 =	vadd.f32 v21, v23;
	v23 =	vmul.f32 v51, v5  }
0x207: {  	v50 =	vld [tilespmem:s0+$0xFFFFFFA0];
	(xrf2) =	vadd.scan.msk.f32 $0xffff, v63;
	v26 =	vadd.f32 v26, v31;
	v31 =	vmul.f32 v48, v4;
	v28 =	vmax.f32 v28, v8  }
0x208: {  	(xrf2) =	vadd.scan.msk.f32 $0xffff, v20;
	v20 =	vadd.f32 v23, v21;
	v21 =	vmul.f32 v30, v2;
	v23 =	vmul.f32 v28, v3;
	v28 =	vld [tilespmem:s0+$0x110]  }
0x209: {  	(xrf2) =	vadd.scan.msk.f32 $0xffff, v25;
	v25 =	vadd.f32 v31, v26;
	v26 =	vmul.f32 v52, v5;
	v29 =	vmax.f32 v29, v7  }
0x20a: {  	(xrf2) =	vadd.scan.msk.f32 $0xffff, v24;
	v24 =	vmax.f32 v27, v8;
	v27 =	vld [tilespmem:s0+$0x120];
	v21 =	vadd.f32 v23, v21;
	v23 =	vmul.f32 v29, v4  }
0x20b: {  	v19 =	vmul.f32 v19, v2;
	(xrf2) =	vadd.scan.msk.f32 $0xffff, v22;
	v22 =	vadd.f32 v26, v25;
	v24 =	vmul.f32 v24, v3;
	v25 =	vld [tilespmem:s0+$0x290]  }
0x20c: {  	v17 =	vmul.f32 v17, v5;
	v21 =	vadd.f32 v23, v21;
	v23 =	vmax.f32 v50, v7  }
0x20d: {  	v19 =	vadd.f32 v24, v19;
	v23 =	vmul.f32 v23, v4;
	v24 =	vmax.f32 v28, v8;
	v28 =	vld [tilespmem:s0+$0x2A0]  }
0x20e: {  	v16 =	vmul.f32 v16, v2;
	v17 =	vadd.f32 v17, v21;
	v21 =	vmul.f32 v24, v3  }
0x20f: {  	v13 =	vmul.f32 v13, v5;
	(xrf2) =	vadd.scan.msk.f32 $0xffff, v20;
	v19 =	vadd.f32 v23, v19;
	v23 =	vmax.f32 v27, v7  }
0x210: {  	v26, _, _ =	vpop (xrf2);
	v16 =	vadd.f32 v21, v16;
	v21 =	vmul.f32 v23, v4;
	v23 =	vmax.f32 v25, v8  }
0x211: {  	v12 =	vmul.f32 v12, v2;
	(xrf2) =	vadd.scan.msk.f32 $0xffff, v22;
	v22, _, _ =	vpop (xrf2);
	v13 =	vadd.f32 v13, v19;
	v19 =	vmul.f32 v23, v3  }
0x212: {  	v49 =	vld [tilespmem:s0+$0x380];
	v24, _, _ =	vpop (xrf2);
	v16 =	vadd.f32 v21, v16;
	v21 =	vmax.f32 v28, v7  }
0x213: {  	v30 =	vld [tilespmem:s0+$0x390];
	v27, _, _ =	vpop (xrf2);
	v12 =	vadd.f32 v19, v12;
	v19 =	vmul.f32 v21, v4  }
0x214: {  	v11 =	vmul.f32 v11, v5;
	(xrf2) =	vadd.scan.msk.f32 $0xffff, v17;
	v17, _, _ =	vpop (xrf2)  }
0x215: {  	v10 =	vmul.f32 v10, v5;
	v44 =	vld [tilespmem:s0+$0x3A0];
	v23, _, _ =	vpop (xrf2);
	v12 =	vadd.f32 v19, v12  }
0x216: {  	v28, _, _ =	vpop (xrf2);
	v11 =	vadd.f32 v11, v16  }
0x217: {  	v18 =	vld [tilespmem:s0+$0x3B0];
	(xrf2) =	vadd.scan.msk.f32 $0xffff, v13;
	v13, _, _ =	vpop (xrf2);
	v10 =	vadd.f32 v10, v12  }
0x218: {  	v9 =	vmax.f32 v49, v9;
	v8 =	vmax.f32 v30, v8;
	v16, _, _ =	vpop (xrf2);
	(xrf2) =	vadd.scan.msk.f32 $0xffff, v11  }
0x219: {  	v9 =	vmul.f32 v9, v2;
	v8 =	vmul.f32 v8, v3;
	v19, _, _ =	vpop (xrf2);
	(xrf2) =	vadd.scan.msk.f32 $0xffff, v10;
	v10 =	vld [tilespmem:$0x1FFE0]  }
0x21a: {  	v7 =	vmax.f32 v44, v7  }
0x21b: {  	v8 =	vadd.f32 v8, v9;
	v7 =	vmul.f32 v7, v4  }
0x21c: {  	v6 =	vmax.f32 v18, v6  }
0x21d: {  	v6 =	vmul.f32 v6, v5;
	v7 =	vadd.f32 v7, v8  }
0x21e: {  	vm0 =	vnez.u8 v10;
	v10 =	vbroadcast v13, $0xF;
	v13 =	vld [tilespmem:$0x1FFD0]  }
0x21f: {  	v6 =	vadd.f32 v6, v7;
	v7 =	vld [tilespmem:$0x1FFC0]  }
0x220: {  	v9, _, _ =	vpop (xrf2)  }
0x221: {  	v11 =	vbroadcast v19, $0xF;
	v9 =	vbroadcast v9, $0xF  }
0x222: {  	v12 =	vbroadcast v16, $0xF  }
0x223: {  	v9 =	vsel vm0, v11, v9;
	vm0 =	vnez.u8 v13  }
0x224: {  	v9 =	vsel vm0, v9, v12;
	vm0 =	vnez.u8 v7  }
0x225: {  	v7 =	vsel vm0, v9, v10;
	v10 =	vld [tilespmem:$0x1FFB0]  }
0x226: {  	(xrf2) =	vadd.scan.msk.f32 $0xffff, v6;
	v6 =	vld [tilespmem:$0x1FFA0];
	_ =	sdelay $0x1  }
0x227: {  	v11, _, _ =	vpop (xrf2)  }
0x228: {  	s26 =	simm.s32 $0x9400;
	v11 =	vbroadcast v11, $0xF  }
0x229: {  	v56 =	vld [tilespmem:s26+$0x200];
	v9 =	vbroadcast v28, $0xF;
	vm0 =	vnez.u8 v10  }
0x22a: {  	v53 =	vld [tilespmem:s26+$0x310];
	v7 =	vsel vm0, v7, v11;
	vm0 =	vnez.u8 v6  }
0x22b: {  	v6 =	vsel vm0, v7, v9;
	v9 =	vld [tilespmem:$0x1FF90]  }
0x22c: {  	v57 =	vld [tilespmem:s26+$0x180]  }
0x22d: {  	v55 =	vld [tilespmem:s26+$0x30]  }
0x22e: {  	v62 =	vld [tilespmem:s26+$0xFFFFFEA0]  }
0x22f: {  	v58 =	vld [tilespmem:s26+$0x20];
	v10 =	vbroadcast v23, $0xF  }
0x230: {  	v61 =	vld [tilespmem:s26+$0xFFFFFDB0];
	vm0 =	vnez.u8 v9  }
0x231: {  	v11, _, _ =	vpop (xrf2);
	v6 =	vsel vm0, v6, v10;
	v10 =	vld [tilespmem:$0x1FF80]  }
0x232: {  	v7 =	vbroadcast v11, $0xF;
	v11 =	vld [tilespmem:$0x1FF70]  }
0x233: {  	v59 =	vld [tilespmem:s26+$0x80]  }
0x234: {  	v14 =	vld [tilespmem:s26+$0x330]  }
0x235: {  	v18 =	vld [tilespmem:s26+$0x210]  }
0x236: {  	v51 =	vld [tilespmem:s26+$0x130];
	v9 =	vbroadcast v17, $0xF;
	vm0 =	vnez.u8 v10  }
0x237: {  	v31 =	vld [tilespmem:s26+$0x1B0];
	v10, _, _ =	vpop (xrf2);
	v6 =	vsel vm0, v6, v7;
	vm0 =	vnez.u8 v11  }
0x238: {  	v6 =	vsel vm0, v6, v9;
	v9 =	vbroadcast v10, $0xF;
	v10 =	vld [tilespmem:$0x1FF30]  }
0x239: {  	v52 =	vld [tilespmem:s26+$0x300]  }
0x23a: {  	v12 =	vld [tilespmem:$0x1FF50]  }
0x23b: {  	v20 =	vld [tilespmem:s26+$0x230]  }
0x23c: {  	v25 =	vld [tilespmem:s26+$0x220]  }
0x23d: {  	v7 =	vbroadcast v27, $0xF;
	vm0 =	vnez.u8 v10;
	v10 =	vld [tilespmem:$0x1FF10]  }
0x23e: {  	v30 =	vld [tilespmem:s26+$0x1A0]  }
0x23f: {  	v6 =	vsel vm0, v6, v7;
	vm0 =	vnez.u8 v12;
	v12 =	vld [tilespmem:$0x1FFF0]  }
0x240: {  	v13 =	vld [tilespmem:$0x1FF40]  }
0x241: {  	v16 =	vld [tilespmem:$0x1FF60]  }
0x242: {  	v21 =	vld [tilespmem:s26+$0xB0];
	v7 =	vbroadcast v24, $0xF;
	vm10 =	vnez.u8 v10  }
0x243: {  	s31 =	sadd.s32 $0x80, s22;
	v19 =	vld [tilespmem:s26+$0xA0];
	v11, _, _ =	vpop (xrf2);
	v10 =	vbroadcast v22, $0xF;
	v9 =	vsel vm10, v6, v9  }
0x244: {  	v11 =	vbroadcast v11, $0xF;
	v6 =	vld [tilespmem:s31+$0x0];
	vm15 =	vnez.u8 v12;
	v9 =	vsel vm0, v9, v7  }
0x245: {  	s28 =	simm.s32 $0x0;
	v23 =	vld [tilespmem:s26+$0xFFFFFF30];
	v12 =	vbroadcast v26, $0xF;
	vm0 =	vnez.u8 v13;
	v9 =	vsel vm15, v9, v10  }
0x246: {  	v27 =	vld [tilespmem:s26+$0xFFFFFEB0];
	v13 =	vmov s28;
	v11 =	vsel vm0, v9, v11;
	vm0 =	vnez.u8 v16  }
0x247: {  	v7 =	vld [tilespmem:s31+$0xFFFFFFF0];
	v11 =	vsel vm0, v11, v12;
	v12 =	vshll.u32 v13, $0x7  }
0x248: {  	v26 =	vld [tilespmem:s26+$0xFFFFFF20];
	v12 =	vor.u32 v1, v12  }
0x249: {  	v8 =	vld [tilespmem:s26+$0xFFFFFFB0];
	v14 =	vmax.f32 v14, v6;
	v42 =	vmax.f32 v20, v6;
	v31 =	vmax.f32 v31, v6  }
0x24a: {  	v10 =	vld [tilespmem:s31+$0xFFFFFFD0];
	v21 =	vmax.f32 v21, v6;
	v32 =	vmax.f32 v55, v6;
	v23 =	vmax.f32 v23, v6  }
0x24b: {  	v28 =	vld [tilespmem:s26+$0x190];
	v27 =	vmax.f32 v27, v6;
	v33 =	vmax.f32 v61, v6;
	v60 =	vor.u32 $0x40, v12  }
0x24c: {  	v17 =	vld [tilespmem:s26+$0x100];
	v12 =	vmax.f32 v51, v6;
	v25 =	vmax.f32 v25, v7;
	v30 =	vmax.f32 v30, v7  }
0x24d: {  	v16 =	vld [tilespmem:$0x1FF20];
	v19 =	vmax.f32 v19, v7;
	v39 =	vmax.f32 v58, v7;
	v26 =	vmax.f32 v26, v7  }
0x24e: {  	v9 =	vld [tilespmem:s31+$0xFFFFFFE0];
	v43 =	vmax.f32 v62, v7;
	v14 =	vmul.f32 v14, v5;
	v49 =	vmul.f32 v42, v5  }
0x24f: {  	v24 =	vld [tilespmem:s26+$0xFFFFFE30];
	v23 =	vmul.f32 v23, v5;
	v27 =	vmul.f32 v27, v5;
	v35 =	vmax.f32 v52, v10  }
0x250: {  	v22 =	vld [tilespmem:s26+$0x90];
	v37 =	vmax.f32 v56, v10;
	v38 =	vmax.f32 v57, v10;
	v40 =	vmax.f32 v59, v10  }
0x251: {  	v48 =	vld [tilespmem:s26+$0xFFFFFCB0];
	v17 =	vmax.f32 v17, v10;
	v25 =	vmul.f32 v25, v4;
	v30 =	vmul.f32 v30, v4  }
0x252: {  	v15 =	vld [tilespmem:s26+$0x2B0];
	v19 =	vmul.f32 v19, v4;
	v26 =	vmul.f32 v26, v4;
	vm0 =	vnez.u8 v16  }
0x253: {  	v20 =	vld [tilespmem:s26+$0x0];
	v36 =	vmax.f32 v53, v9;
	v52 =	vmax.f32 v18, v9;
	v16 =	vmax.f32 v8, v6  }
0x254: {  	v29 =	vld [tilespmem:s26+$0x320];
	v28 =	vmax.f32 v28, v9;
	v18 =	vmax.f32 v24, v6;
	v58 =	vmul.f32 v37, v2  }
0x255: {  	v54 =	vld [tilespmem:s26+$0x280];
	v22 =	vmax.f32 v22, v9;
	v62 =	vmul.f32 v38, v2;
	v40 =	vmul.f32 v40, v2  }
0x256: {  	v63 =	vld [tilespmem:s26+$0xFFFFFF80];
	v13, _, _ =	vpop (xrf2);
	v38 =	vmax.f32 v48, v6;
	v56 =	vmul.f32 v36, v3;
	v59 =	vmul.f32 v52, v3  }
0x257: {  	v61 =	vld [tilespmem:s26+$0xFFFFFE80];
	v11 =	vsel vm0, v11, v13;
	v28 =	vmul.f32 v28, v3;
	v22 =	vmul.f32 v22, v3  }
0x258: {  	v57 =	vld [tilespmem:s26+$0xFFFFFC30];
	v16 =	vmul.f32 v16, v5;
	v55 =	vmax.f32 v20, v10;
	v20 =	vmul.f32 v35, v2  }
0x259: {  	v24 =	vld [tilespmem:s26+$0xFFFFFF10];
	v13 =	vmul.f32 $1.442695020e+00, v11;
	v11 =	vmax.f32 v15, v6;
	v15 =	vmax.f32 v29, v7  }
0x25a: {  	v29 =	vld [tilespmem:s26+$0x10];
	v15 =	vmul.f32 v15, v4;
	v34 =	vadd.f32 v59, v58;
	v35 =	vadd.f32 v56, v20  }
0x25b: {  	v41 =	vld.idx.msk [tilespmem:v60+s15+$0x0], $0xffff;
	v28 =	vadd.f32 v28, v62;
	v22 =	vadd.f32 v22, v40;
	v52 =	vmul.f32 v55, v2  }
0x25c: {  	v60 =	vld [tilespmem:s26+$0xFFFFFDA0];
	v59 =	vmul.f32 v43, v4;
	(erf) = vpow2.f32 v13;
	v15 =	vadd.f32 v15, v35  }
0x25d: {  	v13 =	vmax.f32 v54, v10;
	v54 =	vld [tilespmem:s26+$0xFFFFFF00];
	v20 =	vmax.f32 v63, v10;
	v36 =	vmax.f32 v57, v6  }
0x25e: {  	v53 =	vld [tilespmem:s26+$0xFFFFFD30];
	v24 =	vmax.f32 v24, v9;
	v15 =	vadd.f32 v14, v15;
	v14 =	vadd.f32 v25, v34  }
0x25f: {  	v63 =	vld [tilespmem:s26+$0xFFFFFE90];
	v35 =	vmax.f32 v61, v10;
	v24 =	vmul.f32 v24, v3;
	v29 =	vmax.f32 v29, v9  }
0x260: {  	v25 =	vld [tilespmem:s26+$0xFFFFFD20];
	v34 =	vadd.f32 v49, v14;
	v14 =	vadd.f32 v30, v28;
	v28 =	vmul.f32 v31, v5  }
0x261: {  	v57 =	vmul.f32 v35, v2;
	v50 =	vmax.f32 v60, v7;
	v29 =	vmul.f32 v29, v3;
	v31 =	vld [tilespmem:s26+$0xFFFFFC20]  }
0x262: {  	v60 =	vld [tilespmem:s26+$0xFFFFFC10];
	v46 =	vmax.f32 v54, v10;
	v28 =	vadd.f32 v28, v14;
	v14 =	vadd.f32 v19, v22  }
0x263: {  	v19 =	vmul.f32 v21, v5;
	v21 =	vld [tilespmem:s26+$0xFFFFFD80];
	v22 =	vadd.f32 v29, v52;
	v29 =	vmul.f32 v39, v4  }
0x264: {  	v45 =	vmax.f32 v53, v6;
	v54 =	vld [tilespmem:s26+$0xFFFFFD90];
	v37 =	vmul.f32 v50, v4;
	v55 =	vmul.f32 v46, v2  }
0x265: {  	v30 =	vmax.f32 v63, v9;
	v56 =	vadd.f32 v19, v14;
	v14 =	vadd.f32 v29, v22;
	v29 =	vld [tilespmem:s26+$0xFFFFFD00]  }
0x266: {  	v24 =	vadd.f32 v24, v55;
	v8 =	vpop (erf);
	v19 =	vmul.f32 v32, v5;
	v22 =	vmax.f32 v31, v7;
	v31 =	vld [tilespmem:s26+$0xFFFFFD10]  }
0x267: {  	v30 =	vmul.f32 v30, v3;
	v25 =	vmax.f32 v25, v7;
	v41 =	vmul.f32 v8, v41  }
0x268: {  	v58 =	vadd.f32 v19, v14;
	v14 =	vmax.f32 v21, v10;
	v21 =	vadd.f32 v26, v24  }
0x269: {  	v30 =	vadd.f32 v30, v57;
	v63 =	vmax.f32 v60, v9;
	v24 =	vld [tilespmem:s26+$0xFFFFFC00];
	v26 =	vmax.f32 v54, v9  }
0x26a: {  	v61 =	vld [tilespmem:s26+$0xFFFFFC80];
	(xrf2) =	vadd.scan.msk.f32 $0xffff, v41;
	v14 =	vmul.f32 v14, v2;
	v26 =	vmul.f32 v26, v3;
	v21 =	vadd.f32 v23, v21  }
0x26b: {  	(xrf2) =	vadd.scan.msk.f32 $0xffff, v15;
	v23 =	vmax.f32 v29, v10;
	v29 =	vadd.f32 v59, v30;
	v31 =	vmax.f32 v31, v9  }
0x26c: {  	v62 =	vld [tilespmem:s26+$0xFFFFFC90];
	(xrf2) =	vadd.scan.msk.f32 $0xffff, v34;
	v26 =	vadd.f32 v26, v14;
	v23 =	vmul.f32 v23, v2;
	v31 =	vmul.f32 v31, v3  }
0x26d: {  	v40 =	vld [tilespmem:s26+$0xFFFFFCA0];
	v25 =	vmul.f32 v25, v4;
	(xrf2) =	vadd.scan.msk.f32 $0xffff, v28;
	v27 =	vadd.f32 v27, v29;
	v29 =	vmul.f32 v33, v5  }
0x26e: {  	(xrf2) =	vadd.scan.msk.f32 $0xffff, v56;
	v24 =	vmax.f32 v24, v10;
	v26 =	vadd.f32 v37, v26;
	v23 =	vadd.f32 v31, v23  }
0x26f: {  	v51 =	vld [tilespmem:s26+$0xFFFFFE00];
	v32 =	vmax.f32 v61, v10;
	(xrf2) =	vadd.scan.msk.f32 $0xffff, v58;
	v24 =	vmul.f32 v24, v2;
	v31 =	vmul.f32 v63, v3  }
0x270: {  	v22 =	vmul.f32 v22, v4;
	(xrf2) =	vadd.scan.msk.f32 $0xffff, v21;
	v26 =	vadd.f32 v29, v26;
	v29 =	vld [tilespmem:s26+$0xFFFFFE10];
	v23 =	vadd.f32 v25, v23  }
0x271: {  	v41 =	vld [tilespmem:s26+$0xFFFFFE20];
	(xrf2) =	vadd.scan.msk.f32 $0xffff, v27;
	v25 =	vmul.f32 v45, v5;
	v24 =	vadd.f32 v31, v24;
	v31 =	vmax.f32 v62, v9  }
0x272: {  	v42 =	vmax.f32 v40, v7;
	v28 =	vmul.f32 v32, v2;
	v31 =	vmul.f32 v31, v3;
	(xrf2) =	vadd.scan.msk.f32 $0xffff, v26;
	v26 =	vld [tilespmem:s26+$0x120]  }
0x273: {  	v23 =	vadd.f32 v25, v23;
	v25 =	vld [tilespmem:s26+$0xFFFFFF90];
	v22 =	vadd.f32 v22, v24;
	v24 =	vmul.f32 v36, v5  }
0x274: {  	v53 =	vmax.f32 v51, v10;
	v28 =	vadd.f32 v31, v28;
	v31 =	vmul.f32 v42, v4  }
0x275: {  	v44 =	vld [tilespmem:s26+$0xFFFFFFA0];
	v13 =	vmul.f32 v13, v2;
	v29 =	vmax.f32 v29, v9;
	v21 =	vadd.f32 v24, v22  }
0x276: {  	v22 =	vmul.f32 v53, v2;
	v24 =	vmul.f32 v29, v3;
	v29 =	vld [tilespmem:s26+$0x110];
	v27 =	vadd.f32 v31, v28  }
0x277: {  	v43 =	vld [tilespmem:s26+$0x380];
	v28 =	vmul.f32 v38, v5;
	v31 =	vmax.f32 v41, v7;
	v26 =	vmax.f32 v26, v7  }
0x278: {  	v45 =	vld [tilespmem:s26+$0x390];
	v22 =	vadd.f32 v24, v22;
	v24 =	vmul.f32 v31, v4;
	v25 =	vmax.f32 v25, v9  }
0x279: {  	(xrf2) =	vadd.scan.msk.f32 $0xffff, v23;
	v23 =	vadd.f32 v28, v27;
	v27 =	vmul.f32 v20, v2;
	v28 =	vld [tilespmem:s26+$0x290];
	v25 =	vmul.f32 v25, v3  }
0x27a: {  	v31, _, _ =	vpop (xrf2);
	(xrf2) =	vadd.scan.msk.f32 $0xffff, v21;
	v21 =	vadd.f32 v24, v22;
	v22 =	vmul.f32 v18, v5;
	v18 =	vmax.f32 v44, v7  }
0x27b: {  	v46 =	vld [tilespmem:s26+$0x2A0];
	v25 =	vadd.f32 v25, v27;
	v27 =	vmul.f32 v18, v4;
	v29 =	vmax.f32 v29, v9  }
0x27c: {  	v30 =	vld [tilespmem:s26+$0x3A0];
	v21 =	vadd.f32 v22, v21;
	v22 =	vmul.f32 v17, v2;
	v29 =	vmul.f32 v29, v3  }
0x27d: {  	v10 =	vmax.f32 v43, v10;
	v26 =	vmul.f32 v26, v4;
	v24, _, _ =	vpop (xrf2);
	(xrf2) =	vadd.scan.msk.f32 $0xffff, v23;
	v25 =	vadd.f32 v27, v25  }
0x27e: {  	v23, _, _ =	vpop (xrf2);
	v28 =	vmax.f32 v28, v9;
	v9 =	vmax.f32 v45, v9;
	v22 =	vadd.f32 v29, v22  }
0x27f: {  	v10 =	vmul.f32 v10, v2;
	v47, _, _ =	vpop (xrf2);
	v9 =	vmul.f32 v9, v3  }
0x280: {  	v27, _, _ =	vpop (xrf2);
	v16 =	vadd.f32 v16, v25;
	v25 =	vmul.f32 v28, v3;
	v22 =	vadd.f32 v26, v22  }
0x281: {  	(xrf2) =	vadd.scan.msk.f32 $0xffff, v21;
	v21, _, _ =	vpop (xrf2);
	v26 =	vmax.f32 v46, v7;
	v7 =	vmax.f32 v30, v7;
	v9 =	vadd.f32 v9, v10  }
0x282: {  	v28, _, _ =	vpop (xrf2);
	v13 =	vadd.f32 v25, v13;
	v25 =	vmul.f32 v26, v4;
	v7 =	vmul.f32 v7, v4  }
0x283: {  	v12 =	vmul.f32 v12, v5;
	v50, _, _ =	vpop (xrf2)  }
0x284: {  	(xrf2) =	vadd.scan.msk.f32 $0xffff, v16;
	v16, _, _ =	vpop (xrf2);
	v7 =	vadd.f32 v7, v9;
	v9 =	vld [tilespmem:$0x1FFE0]  }
0x285: {  	v12 =	vadd.f32 v12, v22;
	v22, _, _ =	vpop (xrf2)  }
0x286: {  	v11 =	vmul.f32 v11, v5;
	v13 =	vadd.f32 v25, v13;
	v25, _, _ =	vpop (xrf2)  }
0x287: {  	v10, _, _ =	vpop (xrf2)  }
0x288: {  	v11 =	vadd.f32 v11, v13;
	v13 =	vbroadcast v25, $0xF;
	v10 =	vbroadcast v10, $0xF  }
0x289: {  	vm0 =	vnez.u8 v9  }
0x28a: {  	v9 =	vsel vm0, v13, v10;
	v13 =	vld [tilespmem:$0x1FFD0];
	_ =	sdelay $0x3  }
0x28b: {  	v19 =	vld [tilespmem:s26+$0x3B0]  }
0x28c: {  	vm0 =	vnez.u8 v13;
	v13 =	vld [tilespmem:$0x1FFC0];
	_ =	sdelay $0x2  }
0x28d: {  	v22 =	vbroadcast v22, $0xF;
	_ =	sdelay $0x1  }
0x28e: {  	v6 =	vmax.f32 v19, v6;
	v9 =	vsel vm0, v9, v22;
	vm0 =	vnez.u8 v13;
	v13 =	vld [tilespmem:$0x1FFB0]  }
0x28f: {  	v6 =	vmul.f32 v6, v5  }
0x290: {  	s24 =	sshll.u32 s24, $0x4  }
0x291: {  	(xrf2) =	vadd.scan.msk.f32 $0xffff, v12;
	v6 =	vadd.f32 v6, v7;
	v7 =	vmov s24;
	v10 =	vbroadcast v16, $0xF  }
0x292: {  	v7 =	vshll.u32 v7, $0x7;
	(xrf2) =	vadd.scan.msk.f32 $0xffff, v11;
	v11, _, _ =	vpop (xrf2)  }
0x293: {  	v9 =	vsel vm0, v9, v10;
	vm0 =	vnez.u8 v13;
	v13, _, _ =	vpop (xrf2);
	(xrf2) =	vadd.scan.msk.f32 $0xffff, v6;
	v6 =	vor.u32 v1, v7;
	v7 =	vld [tilespmem:$0x1FFA0]  }
0x294: {  	s25 =	simm.s32 $0x9C00  }
0x295: {  	v48 =	vld [tilespmem:s25+$0x130]  }
0x296: {  	v51 =	vld [tilespmem:s25+$0x310];
	v11 =	vbroadcast v11, $0xF  }
0x297: {  	v49 =	vld [tilespmem:s25+$0x300];
	v10 =	vbroadcast v50, $0xF  }
0x298: {  	v52 =	vld [tilespmem:s25+$0xA0];
	v9 =	vsel vm0, v9, v11;
	vm0 =	vnez.u8 v7  }
0x299: {  	v7 =	vsel vm0, v9, v10;
	v9 =	vor.u32 $0x40, v6;
	v6 =	vld [tilespmem:$0x1FF90]  }
0x29a: {  	v10 =	vbroadcast v13, $0xF;
	v13 =	vld [tilespmem:$0x1FF80]  }
0x29b: {  	v22 =	vld [tilespmem:$0x1FF70]  }
0x29c: {  	v55 =	vld [tilespmem:$0x1FF20]  }
0x29d: {  	v57 =	vld [tilespmem:s25+$0x0];
	v11 =	vbroadcast v28, $0xF  }
0x29e: {  	v61 =	vld [tilespmem:$0x1FF60];
	vm0 =	vnez.u8 v6  }
0x29f: {  	v15 =	vld [tilespmem:s25+$0x2B0];
	v6 =	vsel vm0, v7, v11;
	vm0 =	vnez.u8 v13  }
0x2a0: {  	v10 =	vsel vm0, v6, v10;
	vm0 =	vnez.u8 v22;
	v22 =	vld [tilespmem:$0x1FF30]  }
0x2a1: {  	v54 =	vld [tilespmem:s25+$0x20]  }
0x2a2: {  	v34 =	vld [tilespmem:s25+$0x280];
	v7 =	vbroadcast v21, $0xF  }
0x2a3: {  	v32 =	vld [tilespmem:s25+$0x190]  }
0x2a4: {  	v59 =	vld [tilespmem:s25+$0xFFFFFDB0];
	v16, _, _ =	vpop (xrf2);
	v13 =	vbroadcast v27, $0xF;
	v7 =	vsel vm0, v10, v7  }
0x2a5: {  	v14 =	vld [tilespmem:s25+$0x330];
	v10 =	vbroadcast v16, $0xF;
	v16 =	vmov s28;
	vm0 =	vnez.u8 v22  }
0x2a6: {  	v7 =	vsel vm0, v7, v13;
	vm0 =	veq.s32 v16, v0;
	v16 =	vld [tilespmem:$0x1FF50]  }
0x2a7: {  	v33 =	vld [tilespmem:s25+$0x1A0]  }
0x2a8: {  	v19 =	vld [tilespmem:s25+$0x210]  }
0x2a9: {  	v63 =	vld [tilespmem:s25+$0xFFFFFE30]  }
0x2aa: {  	v53 =	vld [tilespmem:s25+$0x180];
	v23 =	vbroadcast v23, $0xF;
	v13 =	vbroadcast v47, $0xF  }
0x2ab: {  	v20 =	vld [tilespmem:s25+$0x230];
	s28 =	sadd.s32 $0x80, s31;
	v22 =	vbroadcast v31, $0xF;
	v10 =	vsel vm10, v7, v10;
	vm10 =	vnez.u8 v16  }
0x2ac: {  	v11 =	vimm.f32 $0.0e+00;
	v7 =	vld [tilespmem:s28+$0x0];
	v13 =	vsel vm10, v10, v13  }
0x2ad: {  	v22 =	vsel vm0, v22, v11;
	v11 =	vsel vm15, v13, v23;
	v23 =	vbroadcast v24, $0xF;
	v24 =	vld [tilespmem:$0x1FF40]  }
0x2ae: {  	v18 =	vld [tilespmem:s25+$0x320]  }
0x2af: {  	v17 =	vld [tilespmem:s25+$0x1B0]  }
0x2b0: {  	v29 =	vld [tilespmem:s25+$0x220];
	v60, _, _ =	vpop (xrf2)  }
0x2b1: {  	v30 =	vld [tilespmem:s25+$0x200];
	v6 =	vimm.f32 $1.000000000e+00;
	v16 =	vbroadcast v60, $0xF  }
0x2b2: {  	v26 =	vld [tilespmem:s25+$0xB0];
	v35 =	vmax.f32 v14, v7;
	vm15 =	vmmov vm0;
	vm0 =	vnez.u8 v24  }
0x2b3: {  	s26 =	simm.s32 $0x10;
	v10 =	vld [tilespmem:s28+$0xFFFFFFF0];
	v20 =	vmax.f32 v20, v7;
	v16 =	vsel vm0, v11, v16;
	vm0 =	vnez.u8 v61  }
0x2b4: {  	v25 =	vld [tilespmem:s25+$0xFFFFFFB0];
	v62, _, _ =	vpop (xrf2);
	v24 =	vmov s26;
	v16 =	vsel vm0, v16, v23;
	vm0 =	vnez.u8 v55  }
0x2b5: {  	v14 =	vmax.f32 v15, v7;
	v13 =	vld [tilespmem:s28+$0xFFFFFFD0];
	v23 =	vshll.u32 v24, $0x7;
	v16 =	vsel vm0, v16, v62  }
0x2b6: {  	v27 =	vld [tilespmem:s25+$0xFFFFFEB0];
	v36 =	vmax.f32 v17, v7;
	v23 =	vor.u32 v1, v23;
	v56 =	vmul.f32 $1.442695020e+00, v16  }
0x2b7: {  	v12 =	vld [tilespmem:s25+$0x30];
	v35 =	vmul.f32 v35, v5;
	v36 =	vmul.f32 v36, v5;
	v23 =	vor.u32 $0x40, v23  }
0x2b8: {  	v42 =	vld [tilespmem:s25+$0x80];
	v15 =	vmax.f32 v18, v10;
	v60 =	vmax.f32 v29, v10;
	(erf) = vpow2.f32 v56  }
0x2b9: {  	v28 =	vld [tilespmem:s25+$0xFFFFFF30];
	v33 =	vmax.f32 v33, v10;
	v18 =	vmax.f32 v25, v7;
	v25 =	vmax.f32 v52, v10  }
0x2ba: {  	v41 =	vmax.f32 v54, v10;
	v37 =	vmax.f32 v49, v13;
	v49 =	vmax.f32 v26, v7;
	v26 =	vld [tilespmem:s25+$0xFFFFFF80]  }
0x2bb: {  	v52 =	vmax.f32 v27, v7;
	v29 =	vmax.f32 v59, v7;
	v17 =	vmax.f32 v34, v13;
	v11 =	vld [tilespmem:s28+$0xFFFFFFE0]  }
0x2bc: {  	v34 =	vmax.f32 v12, v7;
	v30 =	vmax.f32 v30, v13;
	v39 =	vmax.f32 v53, v13;
	v62 =	vld.idx.msk [tilespmem:v23+s15+$0x0], $0xffff  }
0x2bd: {  	v42 =	vmax.f32 v42, v13;
	v15 =	vmul.f32 v15, v4;
	v60 =	vmul.f32 v60, v4;
	v23 =	vld [tilespmem:s25+$0xFFFFFD30]  }
0x2be: {  	v21 =	vld [tilespmem:s25+$0x100];
	s31 =	simm.s32 $0x1;
	v54 =	vmax.f32 v57, v13;
	v33 =	vmul.f32 v33, v4;
	v25 =	vmul.f32 v25, v4  }
0x2bf: {  	v31 =	vld [tilespmem:s25+$0x90];
	v37 =	vmul.f32 v37, v2;
	v30 =	vmul.f32 v30, v2;
	v24 =	vmov s31  }
0x2c0: {  	v58 =	vld [tilespmem:s25+$0x10];
	v39 =	vmul.f32 v39, v2;
	v46 =	vmul.f32 v54, v2;
	vm0 =	veq.s32 v24, v0  }
0x2c1: {  	v61 =	vld [tilespmem:s25+$0xFFFFFEA0];
	v16 =	vmax.f32 v48, v7;
	v38 =	vmax.f32 v51, v11;
	v50 =	vmax.f32 v19, v11;
	v12 =	vpop (erf)  }
0x2c2: {  	(xrf2) =	vadd.scan.msk.f32 $0xffff, v8;
	v8 =	vld [tilespmem:s25+$0xFFFFFDA0];
	v27 =	vmax.f32 v23, v7;
	v23 =	vmax.f32 v26, v13;
	v26 =	vmul.f32 v12, v62  }
0x2c3: {  	v24 =	vld [tilespmem:s25+$0xFFFFFF20];
	v51 =	vmax.f32 v28, v7;
	v32 =	vmax.f32 v32, v11;
	v38 =	vmul.f32 v38, v3  }
0x2c4: {  	v59 =	vld [tilespmem:s25+$0xFFFFFE90];
	v19 =	vmax.f32 v21, v13;
	v21 =	vmax.f32 v63, v7;
	v31 =	vmax.f32 v31, v11;
	(xrf2) =	vadd.scan.msk.f32 $0xffff, v26  }
0x2c5: {  	v28 =	vld [tilespmem:s25+$0xFFFFFF00];
	v55 =	vmax.f32 v58, v11;
	v50 =	vmul.f32 v50, v3;
	v37 =	vadd.f32 v38, v37  }
0x2c6: {  	v63 =	vld [tilespmem:s25+$0xFFFFFF10];
	v48 =	vmax.f32 v61, v10;
	v32 =	vmul.f32 v32, v3;
	v31 =	vmul.f32 v31, v3  }
0x2c7: {  	v53 =	vld [tilespmem:s25+$0xFFFFFC30];
	v47 =	vmul.f32 v55, v3;
	v55 =	vmul.f32 v34, v5;
	v15 =	vadd.f32 v15, v37  }
0x2c8: {  	v58 =	vld [tilespmem:s25+$0xFFFFFE80];
	v24 =	vmax.f32 v24, v10;
	v30 =	vadd.f32 v50, v30;
	v50 =	vmax.f32 v8, v10  }
0x2c9: {  	v32 =	vadd.f32 v32, v39;
	v35 =	vadd.f32 v35, v15;
	v15 =	vmul.f32 v20, v5  }
0x2ca: {  	v24 =	vmul.f32 v24, v4;
	v8 =	vadd.f32 v60, v30;
	v20 =	vld [tilespmem:s25+$0xFFFFFE00];
	v62 =	vmul.f32 v42, v2  }
0x2cb: {  	v57 =	vmax.f32 v28, v13;
	v43 =	vmax.f32 v63, v11;
	v32 =	vadd.f32 v33, v32  }
0x2cc: {  	v56 =	vld [tilespmem:s25+$0xFFFFFCB0];
	v28 =	vmax.f32 v53, v7;
	v8 =	vadd.f32 v15, v8;
	v31 =	vadd.f32 v31, v62  }
0x2cd: {  	v61 =	vld [tilespmem:s25+$0xFFFFFD20];
	v30 =	vmax.f32 v58, v13;
	v37 =	vmax.f32 v59, v11;
	v36 =	vadd.f32 v36, v32;
	v15, _, _ =	vpop (xrf2);
	(xrf2) =	vadd.scan.msk.f32 $0xffff, v35  }
0x2ce: {  	v63 =	vld [tilespmem:s25+$0xFFFFFC20];
	v40 =	vmul.f32 v57, v2;
	v54 =	vmul.f32 v43, v3;
	(xrf2) =	vadd.scan.msk.f32 $0xffff, v8;
	v8 =	vadd.f32 v25, v31;
	v25, _, _ =	vpop (xrf2)  }
0x2cf: {  	v53 =	vld [tilespmem:s25+$0xFFFFFD90];
	v32 =	vmax.f32 v20, v13;
	v20 =	vmul.f32 v49, v5;
	(xrf2) =	vadd.scan.msk.f32 $0xffff, v36;
	v25 =	vbroadcast v25, $0xF  }
0x2d0: {  	v38 =	vadd.f32 v47, v46;
	v30 =	vmul.f32 v30, v2;
	v37 =	vmul.f32 v37, v3;
	v31 =	vld [tilespmem:s25+$0xFFFFFD80]  }
0x2d1: {  	v20 =	vadd.f32 v20, v8;
	v8 =	vld.idx.msk [tilespmem:v9+s10+$0x0], $0xffff;
	v9 =	vsel vm0, v25, v22;
	v25 =	vadd.f32 v54, v40  }
0x2d2: {  	v59 =	vmul.f32 v48, v4;
	v26 =	vmax.f32 v56, v7;
	v49 =	vmul.f32 v41, v4;
	v56 =	vld [tilespmem:s25+$0xFFFFFD10]  }
0x2d3: {  	v57 =	vmul.f32 v51, v5;
	v30 =	vadd.f32 v37, v30;
	v22 =	vld [tilespmem:s25+$0xFFFFFD00];
	v24 =	vadd.f32 v24, v25  }
0x2d4: {  	v33 =	vmax.f32 v61, v10;
	v37 =	vld [tilespmem:s25+$0xFFFFFC80];
	v58 =	vmax.f32 v53, v11;
	v38 =	vadd.f32 v49, v38  }
0x2d5: {  	v61 =	vadd.f32 v59, v30;
	v30 =	vld [tilespmem:s25+$0x3A0];
	v42 =	vmul.f32 v50, v4;
	v24 =	vadd.f32 v57, v24  }
0x2d6: {  	v62 =	vmul.f32 v52, v5;
	v35 =	vld [tilespmem:s25+$0xFFFFFC00];
	v38 =	vadd.f32 v55, v38;
	v31 =	vmax.f32 v31, v13  }
0x2d7: {  	v34 =	vmax.f32 v63, v10;
	v41 =	vmul.f32 v58, v3;
	v31 =	vmul.f32 v31, v2;
	v36 =	vld [tilespmem:s25+$0xFFFFFC10];
	(xrf2) =	vadd.scan.msk.f32 $0xffff, v20;
	v20, _, _ =	vpop (xrf2)  }
0x2d8: {  	v39 =	vadd.f32 v62, v61;
	v63 =	vmax.f32 v56, v11;
	(xrf2) =	vadd.scan.msk.f32 $0xffff, v38;
	v38 =	vld [tilespmem:s25+$0xFFFFFC90];
	v60 =	vmax.f32 v22, v13;
	v22, _, _ =	vpop (xrf2)  }
0x2d9: {  	s29 =	simm.s32 $0x2;
	s30 =	simm.s32 $0xA400;
	s0 =	simm.s32 $0x3;
	v43 =	vmul.f32 v63, v3;
	v40 =	vadd.f32 v41, v31;
	v25 =	vld [tilespmem:s25+$0x3B0];
	(xrf2) =	vadd.scan.msk.f32 $0xffff, v24;
	v41 =	vmul.f32 v60, v2;
	v24, _, _ =	vpop (xrf2)  }
.LBB2_5:
0x2da: {  	v29 =	vmul.f32 v29, v5;
	v58 =	vmul.f32 v33, v4  }
0x2db: {  	v57 =	vld [tilespmem:s25+$0xFFFFFCA0];
	v61 =	vmul.f32 v27, v5;
	v34 =	vmul.f32 v34, v4  }
0x2dc: {  	v60 =	vld [tilespmem:s25+$0xFFFFFE10];
	v28 =	vmul.f32 v28, v5;
	v32 =	vmul.f32 v32, v2;
	v40 =	vadd.f32 v42, v40  }
0x2dd: {  	v41 =	vadd.f32 v43, v41;
	v35 =	vmax.f32 v35, v13;
	v36 =	vmax.f32 v36, v11  }
0x2de: {  	(xrf2) =	vadd.scan.msk.f32 $0xffff, v39;
	v59 =	vadd.f32 v29, v40;
	v35 =	vmul.f32 v35, v2;
	v36 =	vmul.f32 v36, v3  }
0x2df: {  	v63 =	vld [tilespmem:s25+$0xFFFFFE20];
	v41 =	vadd.f32 v58, v41;
	v37 =	vmax.f32 v37, v13;
	v62 =	vmax.f32 v38, v11  }
0x2e0: {  	v45 =	vld [tilespmem:s25+$0xFFFFFF90];
	v37 =	vmul.f32 v37, v2;
	v35 =	vadd.f32 v36, v35;
	v36 =	vmul.f32 v62, v3  }
0x2e1: {  	v33, _, _ =	vpop (xrf2);
	(xrf2) =	vadd.scan.msk.f32 $0xffff, v59;
	v43 =	vadd.f32 v61, v41;
	v46 =	vmax.f32 v57, v10;
	v47 =	vmax.f32 v60, v11  }
0x2e2: {  	v48 =	vld [tilespmem:s25+$0xFFFFFFA0];
	v34 =	vadd.f32 v34, v35;
	v36 =	vadd.f32 v36, v37;
	v35 =	vmul.f32 v46, v4  }
0x2e3: {  	v50 =	vld [tilespmem:s25+$0x110];
	v26 =	vmul.f32 v26, v5;
	v49 =	vmul.f32 v47, v3  }
0x2e4: {  	v51 =	vmax.f32 v63, v10;
	v27, _, _ =	vpop (xrf2);
	(xrf2) =	vadd.scan.msk.f32 $0xffff, v43;
	v28 =	vadd.f32 v28, v34;
	v35 =	vadd.f32 v35, v36  }
0x2e5: {  	v54 =	vld [tilespmem:s25+$0x120];
	v53 =	vmax.f32 v45, v11;
	v52 =	vmul.f32 v51, v4;
	v32 =	vadd.f32 v49, v32  }
0x2e6: {  	v55 =	vmul.f32 v53, v3;
	v39, _, _ =	vpop (xrf2);
	(xrf2) =	vadd.scan.msk.f32 $0xffff, v28;
	v26 =	vadd.f32 v26, v35;
	v28 =	vmul.f32 v23, v2  }
0x2e7: {  	v58 =	vmul.f32 v21, v5;
	v21 =	vmax.f32 v48, v10;
	v32 =	vadd.f32 v52, v32  }
0x2e8: {  	v56 =	vld [tilespmem:s25+$0x290];
	v44 =	vmax.f32 v50, v11;
	v59 =	vmul.f32 v21, v4;
	v57, _, _ =	vpop (xrf2);
	v28 =	vadd.f32 v55, v28;
	(xrf2) =	vadd.scan.msk.f32 $0xffff, v26  }
0x2e9: {  	v42 =	vld [tilespmem:s25+$0x380];
	v61 =	vmul.f32 v19, v2;
	v62 =	vmul.f32 v44, v3;
	v26 =	vadd.f32 v58, v32  }
0x2ea: {  	v60 =	vld [tilespmem:s25+$0x2A0];
	v48 =	vmul.f32 v18, v5;
	v41 =	vmax.f32 v54, v10;
	v28 =	vadd.f32 v59, v28  }
0x2eb: {  	v38 =	vld [tilespmem:s25+$0x390];
	v49 =	vmul.f32 v41, v4;
	v63, _, _ =	vpop (xrf2);
	v32 =	vadd.f32 v62, v61;
	(xrf2) =	vadd.scan.msk.f32 $0xffff, v26  }
0x2ec: {  	v16 =	vmul.f32 v16, v5;
	v14 =	vmul.f32 v14, v5;
	v35 =	vadd.f32 v48, v28  }
0x2ed: {  	v15 =	vbroadcast v15, $0xF;
	v36 =	vmax.f32 v56, v11;
	v45 =	vadd.f32 v49, v32  }
0x2ee: {  	v50 =	vmul.f32 v17, v2;
	v36 =	vmul.f32 v36, v3;
	v51, _, _ =	vpop (xrf2);
	(xrf2) =	vadd.scan.msk.f32 $0xffff, v35  }
0x2ef: {  	v13 =	vmax.f32 v42, v13;
	v52 =	vmax.f32 v60, v10;
	v16 =	vadd.f32 v16, v45  }
0x2f0: {  	v40 =	vmul.f32 v52, v4;
	v11 =	vmax.f32 v38, v11;
	v36 =	vadd.f32 v36, v50  }
0x2f1: {  	v10 =	vmax.f32 v30, v10;
	v11 =	vmul.f32 v11, v3;
	v59 =	vmul.f32 v13, v2;
	v58, _, _ =	vpop (xrf2);
	(xrf2) =	vadd.scan.msk.f32 $0xffff, v16  }
0x2f2: {  	v31 =	vld [tilespmem:s30+$0x330];
	v7 =	vmax.f32 v25, v7;
	v10 =	vmul.f32 v10, v4;
	v36 =	vadd.f32 v40, v36;
	v13, _, _ =	vpop (xrf2)  }
0x2f3: {  	v29 =	vld [tilespmem:s30+$0x2B0];
	v11 =	vadd.f32 v11, v59;
	v16 =	vbroadcast v58, $0xF;
	v13 =	vbroadcast v13, $0xF  }
0x2f4: {  	v25 =	vld [tilespmem:s30+$0x210];
	v7 =	vmul.f32 v7, v5;
	v60 =	vadd.f32 v14, v36;
	v61 =	vbroadcast v51, $0xF  }
0x2f5: {  	v19 =	vld [tilespmem:s30+$0x1B0];
	v10 =	vadd.f32 v10, v11;
	v14, _, _ =	vpop (xrf2);
	v11 =	vsel vm2, v16, v13;
	v13 =	vbroadcast v63, $0xF  }
0x2f6: {  	v6 =	vsel vm15, v15, v6;
	v18 =	vld [tilespmem:s30+$0x130];
	v15 =	vbroadcast v14, $0xF;
	v11 =	vsel vm3, v11, v61  }
0x2f7: {  	v17 =	vld [tilespmem:s30+$0x300];
	v7 =	vadd.f32 v7, v10;
	v10 =	vsel vm4, v11, v13;
	v11 =	vbroadcast v57, $0xF  }
0x2f8: {  	v54 =	vld [tilespmem:s30+$0xFFFFFF30];
	(xrf2) =	vadd.scan.msk.f32 $0xffff, v60;
	v10 =	vsel vm5, v10, v15;
	v15 =	vbroadcast v39, $0xF;
	v14, _, _ =	vpop (xrf2)  }
0x2f9: {  	v21 =	vld [tilespmem:s30+$0x320];
	(xrf2) =	vadd.scan.msk.f32 $0xffff, v7;
	v7 =	vsel vm6, v10, v11;
	v10 =	vbroadcast v14, $0xF  }
0x2fa: {  	v53 =	vld [tilespmem:s30+$0xB0];
	v11 =	vbroadcast v27, $0xF;
	v7 =	vsel vm7, v7, v15  }
0x2fb: {  	v30 =	vld [tilespmem:s30+$0x30];
	v13, _, _ =	vpop (xrf2);
	v7 =	vsel vm8, v7, v10  }
0x2fc: {  	v7 =	vsel vm9, v7, v11;
	v11 =	vbroadcast v13, $0xF;
	v13 =	vld [tilespmem:$0x1FF30]  }
0x2fd: {  	v38 =	vld [tilespmem:s30+$0x280]  }
0x2fe: {  	v56 =	vld [tilespmem:s30+$0x80]  }
0x2ff: {  	v52 =	vld [tilespmem:s30+$0xFFFFFC30]  }
0x300: {  	v23 =	vld [tilespmem:s30+$0x230]  }
0x301: {  	vm15 =	vmmov vm0;
	vm0 =	vnez.u8 v13;
	v13 =	vld [tilespmem:$0x1FF10]  }
0x302: {  	v50 =	vld [tilespmem:s30+$0xFFFFFEA0]  }
0x303: {  	v62 =	vld [tilespmem:s30+$0xA0]  }
0x304: {  	v55 =	vld [tilespmem:s30+$0x20];
	v10 =	vbroadcast v33, $0xF  }
0x305: {  	v40 =	vld [tilespmem:s30+$0xFFFFFFB0]  }
0x306: {  	v26 =	vld [tilespmem:s30+$0x220];
	v7 =	vsel vm0, v7, v10;
	v10 =	vbroadcast v24, $0xF;
	vm0 =	vnez.u8 v13  }
0x307: {  	s28 =	sadd.s32 $0x80, s28;
	v36 =	vld [tilespmem:s30+$0x200];
	v14, _, _ =	vpop (xrf2);
	v13 =	vbroadcast v22, $0xF;
	v11 =	vsel vm0, v7, v11  }
0x308: {  	v14 =	vbroadcast v14, $0xF;
	v7 =	vld [tilespmem:s28+$0x0];
	v11 =	vsel vm14, v11, v10  }
0x309: {  	s26 =	sadd.s32 $0x10, s26;
	v28 =	vld [tilespmem:s30+$0x310];
	v15 =	vbroadcast v20, $0xF;
	v11 =	vsel vm11, v11, v13  }
0x30a: {  	v35 =	vld [tilespmem:s30+$0x1A0];
	v16 =	vmov s26;
	v14 =	vsel vm12, v11, v14  }
0x30b: {  	v20, _, _ =	vpop (xrf2);
	v10 =	vld [tilespmem:s28+$0xFFFFFFF0];
	v14 =	vsel vm13, v14, v15;
	v15 =	vshll.u32 v16, $0x7;
	v16 =	vmov s29  }
0x30c: {  	v58 =	vld [tilespmem:s30+$0x90];
	v14 =	vsel vm1, v14, v20;
	v48 =	vor.u32 v1, v15;
	vm0 =	veq.s32 v16, v0  }
0x30d: {  	v22 =	vld [tilespmem:s30+$0xFFFFFE30];
	v31 =	vmax.f32 v31, v7;
	v46 =	vmax.f32 v23, v7;
	v16 =	vmax.f32 v18, v7  }
0x30e: {  	v60 =	vld [tilespmem:s30+$0x0];
	v51 =	vmax.f32 v53, v7;
	v30 =	vmax.f32 v30, v7;
	v24 =	vmul.f32 $1.442695020e+00, v14  }
0x30f: {  	v13 =	vld [tilespmem:s28+$0xFFFFFFD0];
	v18 =	vmax.f32 v40, v7;
	v39 =	vmax.f32 v54, v7;
	v59 =	vor.u32 $0x40, v48  }
0x310: {  	v63 =	vld [tilespmem:s30+$0x180];
	v14 =	vmax.f32 v29, v7;
	v47 =	vmax.f32 v21, v10;
	(erf) = vpow2.f32 v24  }
0x311: {  	v61 =	vld [tilespmem:s30+$0xFFFFFF80];
	v48 =	vmax.f32 v19, v7;
	v49 =	vmax.f32 v26, v10;
	v32 =	vmax.f32 v35, v10  }
0x312: {  	(xrf2) =	vadd.scan.msk.f32 $0xffff, v12;
	v11 =	vld [tilespmem:s28+$0xFFFFFFE0];
	v37 =	vmax.f32 v62, v10;
	v42 =	vmax.f32 v55, v10;
	v21 =	vmax.f32 v22, v7  }
0x313: {  	v57 =	vld [tilespmem:s30+$0x190];
	v50 =	vmax.f32 v50, v10;
	v31 =	vmul.f32 v31, v5;
	v55 =	vmul.f32 v46, v5  }
0x314: {  	v12 =	vld [tilespmem:s30+$0xFFFFFEB0];
	v30 =	vmul.f32 v30, v5;
	v39 =	vmul.f32 v39, v5;
	v26 =	vmax.f32 v17, v13  }
0x315: {  	v17 =	vmax.f32 v38, v13;
	v36 =	vmax.f32 v36, v13;
	v34 =	vmax.f32 v63, v13;
	v62 =	vld.idx.msk [tilespmem:v59+s15+$0x0], $0xffff  }
0x316: {  	v27 =	vld [tilespmem:s30+$0x100];
	v33 =	vmax.f32 v56, v13;
	v45 =	vmax.f32 v60, v13;
	v60 =	vmul.f32 v47, v4  }
0x317: {  	v23 =	vld [tilespmem:s30+$0x10];
	v32 =	vmul.f32 v32, v4;
	v42 =	vmul.f32 v42, v4;
	v28 =	vmax.f32 v28, v11  }
0x318: {  	v20 =	vld [tilespmem:s30+$0xFFFFFF20];
	v25 =	vmax.f32 v25, v11;
	v41 =	vmax.f32 v57, v11;
	v26 =	vmul.f32 v26, v2  }
0x319: {  	v63 =	vld [tilespmem:s30+$0xFFFFFD30];
	v24 =	vmax.f32 v12, v7;
	v36 =	vmul.f32 v36, v2;
	v34 =	vmul.f32 v34, v2;
	v12 =	vpop (erf)  }
0x31a: {  	v22 =	vld [tilespmem:s30+$0xFFFFFF10];
	v43 =	vmax.f32 v58, v11;
	v28 =	vmul.f32 v28, v3;
	v58 =	vmul.f32 v12, v62  }
0x31b: {  	v19 =	vmax.f32 v27, v13;
	v57 =	vld [tilespmem:s30+$0xFFFFFF00];
	v25 =	vmul.f32 v25, v3;
	v41 =	vmul.f32 v41, v3  }
0x31c: {  	v15, _, _ =	vpop (xrf2);
	v53 =	vmax.f32 v23, v11;
	v23 =	vmax.f32 v61, v13;
	v61 =	vld [tilespmem:s30+$0xFFFFFE80];
	v26 =	vadd.f32 v28, v26;
	(xrf2) =	vadd.scan.msk.f32 $0xffff, v58  }
0x31d: {  	v59 =	vld [tilespmem:s30+$0xFFFFFDA0];
	v28 =	vmax.f32 v52, v7;
	v25 =	vadd.f32 v25, v36;
	v52 =	vmul.f32 v49, v4  }
0x31e: {  	v34 =	vadd.f32 v41, v34;
	v27 =	vmax.f32 v63, v7;
	v63 =	vld [tilespmem:s30+$0xFFFFFE90];
	v62 =	vadd.f32 v60, v26  }
0x31f: {  	v54 =	vld [tilespmem:s30+$0xFFFFFCB0];
	v20 =	vmax.f32 v20, v10;
	v22 =	vmax.f32 v22, v11;
	v25 =	vadd.f32 v52, v25  }
0x320: {  	v29 =	vld [tilespmem:s30+$0xFFFFFDB0];
	v40 =	vmax.f32 v57, v13;
	v32 =	vadd.f32 v32, v34;
	v31 =	vadd.f32 v31, v62  }
0x321: {  	v57 =	vmax.f32 v61, v13;
	v61 =	vmul.f32 v37, v4;
	v60 =	vmul.f32 v48, v5  }
0x322: {  	v56 =	vld [tilespmem:s30+$0xFFFFFE00];
	v25 =	vadd.f32 v55, v25;
	v58 =	vmul.f32 v43, v3;
	(xrf2) =	vadd.scan.msk.f32 $0xffff, v31;
	v31 =	vmul.f32 v33, v2  }
0x323: {  	v38 =	vmax.f32 v59, v10;
	v59 =	vmax.f32 v63, v11;
	v63 =	vmul.f32 v53, v3;
	v53 =	vld [tilespmem:s30+$0xFFFFFD90]  }
0x324: {  	v26 =	vmax.f32 v54, v7;
	v54 =	vld [tilespmem:s30+$0xFFFFFD20];
	v34 =	vadd.f32 v60, v32;
	v31 =	vadd.f32 v58, v31  }
0x325: {  	v29 =	vmax.f32 v29, v7;
	v22 =	vmul.f32 v22, v3;
	v40 =	vmul.f32 v40, v2;
	(xrf2) =	vadd.scan.msk.f32 $0xffff, v25;
	v25 =	vld [tilespmem:s30+$0xFFFFFC20]  }
0x326: {  	v48 =	vmul.f32 v51, v5;
	v51 =	vld [tilespmem:s30+$0xFFFFFD80];
	v62 =	vmul.f32 v45, v2;
	v31 =	vadd.f32 v61, v31;
	v49, _, _ =	vpop (xrf2);
	(xrf2) =	vadd.scan.msk.f32 $0xffff, v34  }
0x327: {  	v55 =	vld [tilespmem:s30+$0xFFFFFD00];
	v32 =	vmax.f32 v56, v13;
	v56 =	vmul.f32 v57, v2;
	v57 =	vmul.f32 v59, v3  }
0x328: {  	v22 =	vadd.f32 v22, v40;
	v60 =	vmul.f32 v50, v4;
	v31 =	vadd.f32 v48, v31  }
0x329: {  	v41 =	vadd.f32 v63, v62;
	v37 =	vmax.f32 v53, v11;
	v40 =	vadd.f32 v57, v56  }
0x32a: {  	v63 =	vmul.f32 v24, v5;
	v34 =	vmax.f32 v25, v10;
	v25 =	vmul.f32 v20, v4;
	(xrf2) =	vadd.scan.msk.f32 $0xffff, v31;
	v31 =	vld [tilespmem:s30+$0xFFFFFD10]  }
0x32b: {  	p0 =	sne.s32 s0, $0xF;
	v35 =	vld [tilespmem:s30+$0xFFFFFC00];
	v33 =	vmax.f32 v54, v10;
	v54 =	vadd.f32 v42, v41;
	v58 =	vmax.f32 v51, v13  }
.Ltmp1:
0x32c: {  	s25 =	smov.u32 s30;
	v36 =	vld [tilespmem:s30+$0xFFFFFC10];
	v41 =	vmax.f32 v55, v13;
	v42 =	vmul.f32 v38, v4;
	v59 =	vadd.f32 v25, v22;
	(pc) =	sbr.rel @p0 .LBB2_5-.Ltmp1, $4  }
0x32d: {  	v38 =	vld [tilespmem:s25+$0xFFFFFC90];
	v43 =	vmul.f32 v58, v2;
	v30 =	vadd.f32 v30, v54;
	v61 =	vmul.f32 v37, v3  }
0x32e: {  	v62 =	vadd.f32 v60, v40;
	v37 =	vld [tilespmem:s30+$0xFFFFFC80];
	v52 =	vbroadcast v49, $0xF;
	v20, _, _ =	vpop (xrf2);
	v39 =	vadd.f32 v39, v59  }
0x32f: {  	v41 =	vmul.f32 v41, v2;
	v40 =	vadd.f32 v61, v43;
	v25 =	vld [tilespmem:s30+$0x3B0];
	(xrf2) =	vadd.scan.msk.f32 $0xffff, v30;
	v22, _, _ =	vpop (xrf2);
	v31 =	vmax.f32 v31, v11  }
0x330: {  	s29 =	smov.u32 s0;
	s0 =	sadd.s32 $0x1, s0;
	v30 =	vld [tilespmem:s30+$0x3A0];
	s30 =	sadd.s32 $0x800, s30;
	v9 =	vsel vm0, v52, v9;
	(xrf2) =	vadd.scan.msk.f32 $0xffff, v39;
	v39 =	vadd.f32 v63, v62;
	v43 =	vmul.f32 v31, v3;
	v24, _, _ =	vpop (xrf2)  }
0x331: {  	v29 =	vmul.f32 v29, v5  }
0x332: {  	v31 =	vmax.f32 v35, v13;
	v33 =	vmul.f32 v33, v4;
	v27 =	vmul.f32 v27, v5  }
0x333: {  	v36 =	vmax.f32 v36, v11;
	v53 =	vld [tilespmem:s25+$0xFFFFFCA0];
	v34 =	vmul.f32 v34, v4;
	v28 =	vmul.f32 v28, v5  }
0x334: {  	v54 =	vld [tilespmem:s25+$0xFFFFFE10];
	v31 =	vmul.f32 v31, v2;
	v36 =	vmul.f32 v36, v3  }
0x335: {  	v56 =	vld [tilespmem:s25+$0xFFFFFE20];
	v60 =	vmul.f32 v32, v2;
	v26 =	vmul.f32 v26, v5;
	v41 =	vadd.f32 v43, v41  }
0x336: {  	v57 =	vld [tilespmem:s25+$0xFFFFFF90];
	v55 =	vmax.f32 v38, v11;
	v37 =	vmax.f32 v37, v13;
	v31 =	vadd.f32 v36, v31  }
0x337: {  	v52 =	vadd.f32 v42, v40;
	v37 =	vmul.f32 v37, v2;
	v36 =	vmul.f32 v55, v3  }
0x338: {  	v33 =	vadd.f32 v33, v41;
	v31 =	vadd.f32 v34, v31;
	v58 =	vmax.f32 v53, v10  }
0x339: {  	v59 =	vld [tilespmem:s25+$0xFFFFFFA0];
	v36 =	vadd.f32 v36, v37;
	v35 =	vmax.f32 v54, v11;
	v34 =	vmul.f32 v58, v4  }
0x33a: {  	v62 =	vld [tilespmem:s25+$0x110];
	v29 =	vadd.f32 v29, v52;
	v27 =	vadd.f32 v27, v33;
	v61 =	vmul.f32 v35, v3  }
0x33b: {  	(xrf2) =	vadd.scan.msk.f32 $0xffff, v39;
	v63 =	vmax.f32 v56, v10;
	v42 =	vmax.f32 v57, v11;
	v34 =	vadd.f32 v34, v36  }
0x33c: {  	v43 =	vld [tilespmem:s25+$0x120];
	(xrf2) =	vadd.scan.msk.f32 $0xffff, v29;
	v41 =	vmul.f32 v63, v4;
	v28 =	vadd.f32 v28, v31;
	v40 =	vadd.f32 v61, v60  }
0x33d: {  	v23 =	vmul.f32 v23, v2;
	v45 =	vld [tilespmem:s25+$0x290];
	v44 =	vmul.f32 v42, v3;
	(xrf2) =	vadd.scan.msk.f32 $0xffff, v27;
	v26 =	vadd.f32 v26, v34  }
0x33e: {  	v21 =	vmul.f32 v21, v5;
	v47 =	vmax.f32 v59, v10;
	(xrf2) =	vadd.scan.msk.f32 $0xffff, v28;
	v46 =	vadd.f32 v41, v40  }
0x33f: {  	v50 =	vld [tilespmem:s25+$0x2A0];
	v49 =	vmax.f32 v62, v11;
	v48 =	vmul.f32 v47, v4;
	v23 =	vadd.f32 v44, v23;
	(xrf2) =	vadd.scan.msk.f32 $0xffff, v26  }
0x340: {  	v51 =	vld [tilespmem:s25+$0x380];
	v19 =	vmul.f32 v19, v2;
	v52 =	vmul.f32 v49, v3;
	v21 =	vadd.f32 v21, v46  }
0x341: {  	v18 =	vmul.f32 v18, v5;
	v53 =	vld [tilespmem:s25+$0x390];
	v54 =	vmax.f32 v43, v10;
	v23 =	vadd.f32 v48, v23  }
0x342: {  	v55, _, _ =	vpop (xrf2);
	v56 =	vmax.f32 v45, v11;
	v27 =	vmul.f32 v54, v4;
	v19 =	vadd.f32 v52, v19;
	(xrf2) =	vadd.scan.msk.f32 $0xffff, v21  }
0x343: {  	v17 =	vmul.f32 v17, v2;
	v58 =	vmul.f32 v56, v3;
	v57, _, _ =	vpop (xrf2);
	v18 =	vadd.f32 v18, v23  }
0x344: {  	v16 =	vmul.f32 v16, v5;
	v60 =	vmax.f32 v50, v10;
	v59, _, _ =	vpop (xrf2);
	v19 =	vadd.f32 v27, v19  }
0x345: {  	v14 =	vmul.f32 v14, v5;
	v17 =	vadd.f32 v58, v17;
	v62 =	vmul.f32 v60, v4;
	v61, _, _ =	vpop (xrf2);
	(xrf2) =	vadd.scan.msk.f32 $0xffff, v18  }
0x346: {  	v63 =	vmax.f32 v51, v13;
	v27 =	vmax.f32 v53, v11;
	v16 =	vadd.f32 v16, v19;
	v26, _, _ =	vpop (xrf2)  }
0x347: {  	v13 =	vmul.f32 v63, v2;
	v17 =	vadd.f32 v62, v17;
	v11 =	vmul.f32 v27, v3;
	v29, _, _ =	vpop (xrf2)  }
0x348: {  	v34 =	vmax.f32 v30, v10;
	(xrf2) =	vadd.scan.msk.f32 $0xffff, v16;
	v32, _, _ =	vpop (xrf2)  }
0x349: {  	v10 =	vmul.f32 v34, v4;
	v14 =	vadd.f32 v14, v17;
	v11 =	vadd.f32 v11, v13;
	v35, _, _ =	vpop (xrf2)  }
0x34a: {  	v7 =	vmax.f32 v25, v7;
	v36 =	vbroadcast v32, $0xF;
	v13 =	vbroadcast v35, $0xF  }
0x34b: {  	v7 =	vmul.f32 v7, v5;
	v10 =	vadd.f32 v10, v11;
	(xrf2) =	vadd.scan.msk.f32 $0xffff, v14;
	v37 =	vbroadcast v29, $0xF  }
0x34c: {  	v39 =	vbroadcast v26, $0xF;
	v40, _, _ =	vpop (xrf2);
	v38 =	vsel vm2, v36, v13  }
0x34d: {  	v7 =	vadd.f32 v7, v10;
	v14 =	vbroadcast v40, $0xF;
	v11 =	vsel vm3, v38, v37  }
0x34e: {  	v50 =	vld [tilespmem:$0x1FF30];
	v42 =	vbroadcast v61, $0xF;
	v41 =	vsel vm4, v11, v39  }
0x34f: {  	v52 =	vld [tilespmem:$0x1FF10];
	v43 =	vbroadcast v59, $0xF;
	v44, _, _ =	vpop (xrf2);
	(xrf2) =	vadd.scan.msk.f32 $0xffff, v7;
	v10 =	vsel vm5, v41, v14  }
0x350: {  	v45 =	vbroadcast v44, $0xF;
	v7 =	vsel vm6, v10, v42  }
0x351: {  	v46 =	vbroadcast v57, $0xF;
	v7 =	vsel vm7, v7, v43  }
0x352: {  	v47 =	vbroadcast v55, $0xF;
	v48, _, _ =	vpop (xrf2);
	v7 =	vsel vm8, v7, v45  }
0x353: {  	vm10 =	vnez.u8 v50;
	v49 =	vbroadcast v48, $0xF;
	v7 =	vsel vm9, v7, v46  }
0x354: {  	v51 =	vbroadcast v24, $0xF;
	vm3 =	vnez.u8 v52;
	v7 =	vsel vm10, v7, v47  }
0x355: {  	v53 =	vbroadcast v22, $0xF;
	v54, _, _ =	vpop (xrf2);
	v7 =	vsel vm3, v7, v49  }
0x356: {  	v55 =	vbroadcast v54, $0xF;
	v7 =	vsel vm14, v7, v51  }
0x357: {  	v56 =	vbroadcast v20, $0xF;
	v7 =	vsel vm11, v7, v53  }
0x358: {  	v7 =	vsel vm12, v7, v55  }
0x359: {  	s0 =	sadd.s32 $0x10, s26;
	v57, _, _ =	vpop (xrf2);
	v7 =	vsel vm13, v7, v56  }
0x35a: {  	v58 =	vmov s0;
	v7 =	vsel vm1, v7, v57  }
0x35b: {  	v59 =	vshll.u32 v58, $0x7;
	v7 =	vmul.f32 $1.442695020e+00, v7  }
0x35c: {  	v10 =	vor.u32 v1, v59  }
0x35d: {  	v10 =	vor.u32 $0x40, v10;
	(erf) = vpow2.f32 v7;
	_ =	sdelay $0x4  }
0x35e: {  	v7 =	vld.idx.msk [tilespmem:v10+s15+$0x0], $0xffff;
	_ =	sdelay $0x3  }
0x35f: {  	v60 =	vpop (erf)  }
0x360: {  	v7 =	vmul.f32 v60, v7  }
0x361: {  	(xrf2) =	vadd.scan.msk.f32 $0xffff, v12  }
0x362: {  	(xrf2) =	vadd.scan.msk.f32 $0xffff, v7  }
0x363: {  	(xrf2) =	vadd.scan.msk.f32 $0xffff, v60;
	_ =	sdelay $0x7  }
0x364: {  	v61, _, _ =	vpop (xrf2);
	v7 =	vbroadcast v15, $0xF  }
0x365: {  	v62, _, _ =	vpop (xrf2)  }
0x366: {  	v10 =	vbroadcast v61, $0xF;
	v6 =	vsel vm15, v7, v6;
	v7 =	vmov s29;
	v63, _, _ =	vpop (xrf2)  }
0x367: {  	vm0 =	vmmov vm0;
	vm15 =	veq.s32 v7, v0;
	v7 =	vbroadcast v63, $0xF  }
0x368: {  	v6 =	vsel vm0, v10, v6;
	vm0 =	vmmov vm15  }
0x369: {  	v6 =	vsel vm0, v7, v6  }
0x36a: {  	(erf) = vrcp.f32 v6;
	_ =	sdelay $0x6  }
0x36b: {  	v6 =	vbroadcast v62, $0xF;
	_ =	sdelay $0x1  }
0x36c: {  	v6 =	vsel vm15, v6, v9;
	v7 =	vpop (erf)  }
0x36d: {  	v6 =	vmul.f32 v7, v6;
	_ =	sdelay $0x1  }
0x36e: {  	v6 =	vadd.f32 v6, v8;
	_ =	sdelay $0x1  }
0x36f: {  	[tilespmem:s24+$0x14880] =	vst v6;
	v6 =	vld [tilespmem:$0x1FFE0];
	_ =	sdelay $0x3  }
0x370: {  	s23 =	sadd.s32 $0x1, s23  }
0x371: {  	p0 =	sne.s32 s23, $0x4;
	vm15 =	vnez.u8 v6;
	v6 =	vld [tilespmem:$0x1FFD0]  }
.Ltmp2:
0x372: {  	_ = 	snop;
	(pc) =	sbr.rel @p0 .LBB2_2-.Ltmp2, $3  }
0x373: {  	_ =	sdelay $0x1  }
0x374: {  	vm2 =	vmmov vm12  }
0x375: {  	s21 =	sadd.s32 $0x1000, s21;
	s22 =	sadd.s32 $0x1000, s22;
	vm0 =	vmmov vm10;
	vm10 =	vmmov vm2;
	vm12 =	vnez.u8 v6  }
0x376: {  	s20 =	sadd.s32 $0x1, s20  }
0x377: {  	p0 =	sne.s32 s20, s8  }
.Ltmp3:
0x378: {  	_ = 	snop;
	(pc) =	sbr.rel @p0 .LBB2_1-.Ltmp3, $4  }
0x379: {  	[hbm4b:s7+s3] =	stream.linear.scatter [tilespmem:s19], [sflag:$0x3], $0x80, $0x38;
	[tilespmem:$0x14900] =	vst v63  }
0x37a: {  	_ =	swait.ge [sflag:s9], $0x80  }
0x37b: {  	[sflag:s9] =	ssyncset.done $0x0  }
0x37c: {  	[sflag:s9] =	ssyncadd.s32 $0xFFFFFF80  }
0x37d: {  	_ =	sfence.sel $0x180000  }
0x37e: {  	[bflag:$0x0] =	sbarrier.arrive $0xFFFF  }
0x37f: {  	_ =	strace $0x90000047  }
0x380: {  	[bflag:$0x2] =	sbarrier.arrive $0xFFFF  }
0x381: {  	p0 =	sne.s32 s2, $0x0;
	s0 =	rddreg [dreg:$0x3]  }
0x382: {  	s0 =	sadd.s32 @!p0 $0x100000, s0  }
0x383: {  	[sflag:s0] =	ssyncadd.tile.s32 @!p0 $0x1;
	_ =	shalt  }
.Lfunc_end2:
_tile_overlayer_lowered:
.L_overlay_start_2:
0x384: {  	(tag) =	ssettag $0x2  }
0x385: {  	s0 =	rddreg [dreg:$0x0];
	s2 =	stileid.u32  }
0x386: {  	s1 =	rddreg [dreg:$0x1];
	p0 =	sne.s32 s2, $0x0  }
0x387: {  	s3 =	rddreg [dreg:$0x2];
	[bflag:$0x3] =	sbarrier.arrive $0xFFFF;
	s2 =	simm.s32 @!p0 $0x1C03  }
0x388: {  	[timem:s3], [sflag:s2] =	dma.local @!p0 [hbm:s0], s1  }
0x389: {  	s0 =	simm.s32 @!p0 $0x3  }
0x38a: {  	_ =	swait.ge @!p0 [sflag:s0], s1  }
0x38b: {  	s1 =	ssub.s32 @!p0 $0x0, s1;
	[sflag:s0] =	ssyncset.done @!p0 $0x0  }
0x38c: {  	[sflag:s0] =	ssyncadd.s32 @!p0 s1  }
0x38d: {  	[bflag:$0x3] =	sbarrier.arrive $0xFFFF  }
0x38e: {  	_ =	shalt  }

</sc_bundles>
